<compile_context>
chip_gen: v7x
topology: tpu7x:2x2x1
jax: 0.10.2.dev20260603
libtpu: 0.0.44.dev20260713+nightly
codegen_flags: <defaults>
</compile_context>

<pallas_src>
import functools

import jax
import jax.numpy as jnp
from jax import lax
from jax.experimental import pallas as pl
from jax.experimental.pallas import tpu as pltpu
from jax.experimental.pallas import tpu_sc as plsc

N = 8192
D = 128
DEG = 64
K = 64
NF = 16
TEMP = 0.07
NC, NS = 2, 16
L = 16


def _sc_gather_body(z_hbm, et_hbm, nbrs_hbm, core_hbm, nbi_hbm,
                    negi_hbm, q16_hbm,
                    zny_out, etny_out, zq_out, znx_out, znb_out, zneg_out,
                    etq_out, corenb_out, coreq_out,
                    nbrs_sh, nbi_v, negi_v, q_v, kidx_v, nbrows_v, ni_v,
                    etk_v, etrows_v, etqrow_v, zrows_v, core_all_v, nbrsq_v,
                    etq_v, core_v, coreq_v, sem, sem2):
    wid = lax.axis_index("s") * NC + lax.axis_index("c")
    iota = lax.iota(jnp.int32, L)

    @pl.when(wid >= 30)
    def _():
        pltpu.sync_copy(nbrs_hbm, nbrs_sh)

    plsc.subcore_barrier()

    @pl.when(wid < 16)
    def _():
        pltpu.sync_copy(nbi_hbm, nbi_v)
        kreg = plsc.load_gather(nbi_v, [4 * wid + jnp.minimum(iota, 3)])
        kidx_v[...] = kreg
        cp_et = pltpu.async_copy(et_hbm.at[kidx_v.at[pl.ds(0, 4)]],
                                 etrows_v, sem2)
        pltpu.async_copy(nbrs_sh.at[kreg], nbrows_v, sem).wait()
        for j in range(4):
            for c in range(DEG // L):
                pos = j * DEG + L * c
                ni_v[pos // 128, pl.ds(pos % 128, L)] = (
                    nbrows_v[j, pl.ds(L * c, L)])
        cp0 = pltpu.async_copy(z_hbm.at[ni_v.at[0]],
                               zrows_v.at[pl.ds(0, 128)], sem)
        cp_et.wait()
        for j in range(4):
            rsp = jnp.zeros((L,), jnp.int32) + j
            for c in range(DEG // L):
                dchunk = nbrows_v[j, pl.ds(L * c, L)]
                pos = j * DEG + L * c
                etk_v[pos // 128, pl.ds(pos % 128, L)] = plsc.load_gather(
                    etrows_v, [rsp, dchunk])
        pltpu.sync_copy(etk_v, etny_out.at[pl.ds(2 * wid, 2)])
        cp1 = pltpu.async_copy(z_hbm.at[ni_v.at[1]],
                               zrows_v.at[pl.ds(128, 128)], sem2)
        cp0.wait()
        w0 = pltpu.async_copy(zrows_v.at[pl.ds(0, 128)],
                              zny_out.at[pl.ds(256 * wid, 128)], sem)
        cp1.wait()
        w1 = pltpu.async_copy(zrows_v.at[pl.ds(128, 128)],
                              zny_out.at[pl.ds(256 * wid + 128, 128)], sem2)
        w0.wait()
        w1.wait()

    @pl.when(wid == 16)
    def _():
        pltpu.sync_copy(q16_hbm, q_v)
        qreg = q_v[...]
        cp_et = pltpu.async_copy(et_hbm.at[q_v.at[pl.ds(0, 1)]],
                                 etqrow_v, sem2)
        pltpu.async_copy(nbrs_sh.at[qreg], nbrows_v, sem).wait()
        for c in range(DEG // L):
            nbrsq_v[pl.ds(L * c, L)] = nbrows_v[0, pl.ds(L * c, L)]
        cp_zx = pltpu.async_copy(z_hbm.at[nbrsq_v],
                                 zrows_v.at[pl.ds(0, DEG)], sem)
        cp_et.wait()
        zsp = jnp.zeros((L,), jnp.int32)
        for c in range(DEG // L):
            sel = nbrsq_v[pl.ds(L * c, L)]
            etq_v[pl.ds(L * c, L)] = plsc.load_gather(etqrow_v, [zsp, sel])
        pltpu.sync_copy(etq_v, etq_out)
        cp_zx.wait()
        pltpu.sync_copy(zrows_v.at[pl.ds(0, DEG)], znx_out)

    @pl.when(wid == 17)
    def _():
        pltpu.sync_copy(nbi_hbm, nbi_v)
        pltpu.async_copy(z_hbm.at[nbi_v], zrows_v.at[pl.ds(0, K)], sem).wait()
        pltpu.sync_copy(zrows_v.at[pl.ds(0, K)], znb_out)

    @pl.when(wid == 18)
    def _():
        pltpu.sync_copy(negi_hbm, negi_v)
        pltpu.async_copy(z_hbm.at[negi_v], zrows_v.at[pl.ds(0, K)],
                         sem).wait()
        pltpu.sync_copy(zrows_v.at[pl.ds(0, K)], zneg_out)

    @pl.when(wid == 19)
    def _():
        pltpu.sync_copy(q16_hbm, q_v)
        qreg = q_v[...]
        pltpu.async_copy(z_hbm.at[qreg], zrows_v.at[pl.ds(0, L)], sem).wait()
        pltpu.sync_copy(zrows_v.at[pl.ds(0, L)], zq_out)

    @pl.when(wid == 20)
    def _():
        pltpu.sync_copy(nbi_hbm, nbi_v)
        pltpu.sync_copy(q16_hbm, q_v)
        qreg = q_v[...]
        pltpu.sync_copy(core_hbm, core_all_v)
        for c in range(K // L):
            core_v[pl.ds(L * c, L)] = plsc.load_gather(
                core_all_v, [nbi_v[pl.ds(L * c, L)]])
        pltpu.sync_copy(core_v, corenb_out)
        coreq_v[...] = plsc.load_gather(core_all_v, [qreg])
        pltpu.sync_copy(coreq_v, coreq_out)


@functools.cache
def _make_sc_gather():
    mesh = plsc.VectorSubcoreMesh(
        core_axis_name="c", subcore_axis_name="s",
        num_cores=NC, num_subcores=NS)
    return functools.partial(
        pl.kernel,
        out_type=[
            jax.ShapeDtypeStruct((4096, D), jnp.float32),
            jax.ShapeDtypeStruct((32, 128), jnp.float32),
            jax.ShapeDtypeStruct((16, D), jnp.float32),
            jax.ShapeDtypeStruct((DEG, D), jnp.float32),
            jax.ShapeDtypeStruct((K, D), jnp.float32),
            jax.ShapeDtypeStruct((K, D), jnp.float32),
            jax.ShapeDtypeStruct((DEG,), jnp.float32),
            jax.ShapeDtypeStruct((K,), jnp.float32),
            jax.ShapeDtypeStruct((16,), jnp.float32),
        ],
        mesh=mesh,
        scratch_types=[
            pltpu.VMEM_SHARED((N, DEG), jnp.int32),
            pltpu.VMEM((K,), jnp.int32),
            pltpu.VMEM((K,), jnp.int32),
            pltpu.VMEM((L,), jnp.int32),
            pltpu.VMEM((L,), jnp.int32),
            pltpu.VMEM((L, DEG), jnp.int32),
            pltpu.VMEM((2, 128), jnp.int32),
            pltpu.VMEM((2, 128), jnp.float32),
            pltpu.VMEM((4, N), jnp.float32),
            pltpu.VMEM((1, N), jnp.float32),
            pltpu.VMEM((256, D), jnp.float32),
            pltpu.VMEM((N,), jnp.float32),
            pltpu.VMEM((DEG,), jnp.int32),
            pltpu.VMEM((DEG,), jnp.float32),
            pltpu.VMEM((K,), jnp.float32),
            pltpu.VMEM((L,), jnp.float32),
            pltpu.SemaphoreType.DMA,
            pltpu.SemaphoreType.DMA,
        ],
        compiler_params=pltpu.CompilerParams(needs_layout_passes=False),
    )(_sc_gather_body)


def _tc_combine_body(zq16, znxr, znbr, znegr, zny, etny, etq, corenb, coreq,
                     ct, om, ph, out_ref):
    f32 = jnp.float32
    ones1 = jnp.ones((1, D), f32)
    eps = 1e-12

    zq_r = zq16[0:1, :]
    n2q = jnp.sum(zq_r * zq_r)
    invq = 1.0 / jnp.maximum(jnp.sqrt(n2q), eps)
    zq = zq_r * invq
    nsq_q = n2q * invq * invq

    def dot_t(a, b):
        return lax.dot_general(a, b, (((1,), (1,)), ((), ())),
                               preferred_element_type=f32)

    znx = znxr[...]
    znb = znbr[...]
    sqx = znx * znx
    sqb = znb * znb
    n2b_c = jnp.sum(sqb, axis=1, keepdims=True)
    invb_c = 1.0 / jnp.maximum(jnp.sqrt(n2b_c), eps)
    n2x_r = dot_t(ones1, sqx)
    invx_r = 1.0 / jnp.maximum(jnp.sqrt(n2x_r), eps)
    nsq_b_c = n2b_c * invb_c * invb_c
    nsq_x_r = n2x_r * invx_r * invx_r
    A = dot_t(znb, znx) * invb_c * invx_r
    mu_ix = 2.0 * A - nsq_b_c - nsq_x_r

    ctv = ct[0, 0]
    dtx = ctv - etq[...]
    phix = om[0, 0] * dtx + ph[0, 0]
    for j in range(1, NF):
        phix = phix + jnp.sin(om[0, j] * dtx + ph[0, j])
    w1 = jnp.exp(mu_ix * (1.0 / TEMP)) * jnp.exp(-phix)
    den1 = jnp.sum(w1, axis=1, keepdims=True) + 1e-8
    num1 = jnp.sum(w1 * mu_ix, axis=1, keepdims=True)
    term1 = num1 / den1

    s_rows = []
    n2_rows = []
    for r in range(32):
        blk = zny[128 * r:128 * r + 128, :]
        s_rows.append(dot_t(zq, blk))
        n2_rows.append(dot_t(ones1, blk * blk))
    s_raw = jnp.concatenate(s_rows, axis=0)
    n2_y = jnp.concatenate(n2_rows, axis=0)
    inv_y = 1.0 / jnp.maximum(jnp.sqrt(n2_y), eps)
    sny = s_raw * inv_y
    nsq_y = n2_y * inv_y * inv_y
    mu_y = 2.0 * sny - nsq_y - nsq_q

    dty = ctv - etny[...]
    phiy = om[0, 0] * dty + ph[0, 0]
    for j in range(1, NF):
        phiy = phiy + jnp.sin(om[0, j] * dty + ph[0, j])
    w2 = jnp.exp(mu_y * (1.0 / TEMP)) * jnp.exp(-phiy)

    ki = lax.broadcasted_iota(jnp.int32, (K, 32), 0)
    ri = lax.broadcasted_iota(jnp.int32, (K, 32), 1)
    E = jnp.where(ri == (ki >> 1), 1.0, 0.0).astype(f32)
    ki2 = lax.broadcasted_iota(jnp.int32, (K, 128), 0)
    ci2 = lax.broadcasted_iota(jnp.int32, (K, 128), 1)
    M = jnp.where((ci2 >= 64) == ((ki2 & 1) == 1), 1.0, 0.0).astype(f32)

    def seg_sum(x):
        xe = lax.dot_general(E, x, (((1,), (0,)), ((), ())),
                             preferred_element_type=f32)
        return jnp.sum(xe * M, axis=1, keepdims=True)

    den2 = seg_sum(w2) + 1e-8
    num2 = seg_sum(w2 * mu_y)
    term2 = num2 / den2

    s_nb = dot_t(znb, zq) * invb_c
    mu_xy = 2.0 * s_nb - nsq_b_c - nsq_q
    zng = znegr[...]
    n2g_c = jnp.sum(zng * zng, axis=1, keepdims=True)
    invg_c = 1.0 / jnp.maximum(jnp.sqrt(n2g_c), eps)
    nsq_g_c = n2g_c * invg_c * invg_c
    mu_neg = 2.0 * dot_t(zng, zq) * invg_c - nsq_g_c - nsq_q

    sig_p = 1.0 / (1.0 + jnp.exp(-mu_xy))
    pos_loss = -jnp.sum(jnp.log(sig_p + 1e-8)) / K
    sig_n = 1.0 / (1.0 + jnp.exp(-mu_neg))
    neg_loss = -jnp.sum(jnp.log(1.0 - sig_n + 1e-8)) / K

    cq = coreq[0, 0]
    cdiff = corenb[...] - cq
    core_loss = jnp.sum(cdiff * cdiff) / K

    delta = term1 + term2
    ad = jnp.abs(delta)
    huber = jnp.where(ad < 1.0, 0.5 * delta * delta, ad - 0.5)
    align_loss = jnp.sum(huber) / K

    total = pos_loss + neg_loss + 0.1 * core_loss + 0.1 * align_loss
    out_ref[...] = jnp.broadcast_to(total, (1, 1))


def kernel(z, query_idx, neg_idxs, neighbor_idxs, edge_times, current_time,
           neighbors, core_values, omega, phi):
    qi = jnp.zeros((L,), jnp.int32) + jnp.asarray(query_idx, jnp.int32)
    nbi = neighbor_idxs.astype(jnp.int32)
    negi = neg_idxs.astype(jnp.int32)
    nbrs = neighbors.astype(jnp.int32)

    (zny, etny, zq16, znx, znb, zneg, etq, corenb, coreq) = _make_sc_gather()(
        z, edge_times, nbrs, core_values, nbi, negi, qi)

    out = pl.pallas_call(
        _tc_combine_body,
        out_shape=jax.ShapeDtypeStruct((1, 1), jnp.float32),
    )(zq16, znx, znb, zneg, zny, etny,
      etq.reshape(1, DEG), corenb.reshape(1, K), coreq.reshape(1, 16),
      current_time.reshape(1, 1), omega.reshape(1, NF), phi.reshape(1, NF))
    return out.reshape(())

# --- scband reference (transcript-rebuilt; emitter-appended) ---
"""Pipeline reference for scband-temporal-contrastive-loss-62182536512268 (READ-ONLY COPY).

The authoritative reference and input builder live on the scoring server;
editing this copy changes nothing except your own understanding.
"""

import jax, jax.numpy as jnp
import numpy as np

N = 8192
D = 128
DEG = 64
K = 64
NF = 16
TEMPERATURE = 0.07


def _time_encoding(delta_t, omega, phi):
    # delta_t: [B, 1] -> [B]
    linear_term = omega[0] * delta_t + phi[0]            # [B, 1]
    sin_terms = jnp.sin(omega[1:] * delta_t + phi[1:])   # [B, NF-1]
    return jnp.concatenate([linear_term, sin_terms], axis=1).sum(axis=1)


def _mu(z_i, z_j):
    # -||z_i - z_j||^2 along dim 1
    return -(jnp.linalg.norm(z_i - z_j, axis=1) ** 2)


def _alpha(z_i, z_neighbors, delta_t, omega, phi):
    mu_ix = _mu(z_neighbors, jnp.broadcast_to(z_i, z_neighbors.shape))
    phi_t = _time_encoding(delta_t, omega, phi)
    exp_mu = jnp.exp(mu_ix / TEMPERATURE) * jnp.exp(-phi_t)
    return exp_mu / (exp_mu.sum() + 1e-08)


def setup_inputs(seed: int = 0) -> dict:
    key = jax.random.key(seed)
    ks = jax.random.split(key, 8)
    z = jax.random.normal(ks[0], (N, D), dtype=jnp.float32)
    neg_idxs = jax.random.randint(ks[1], (K,), 0, N)
    neighbor_idxs = jax.random.randint(ks[2], (K,), 0, N)
    edge_times = jax.random.uniform(ks[3], (N, N), dtype=jnp.float32)
    current_time = jnp.ones((1,), dtype=jnp.float32)
    neighbors = jax.random.randint(ks[4], (N, DEG), 0, N)
    core_values = jax.random.uniform(ks[5], (N,), dtype=jnp.float32)
    omega = jax.random.normal(ks[6], (NF,), dtype=jnp.float32)
    phi = jax.random.normal(ks[7], (NF,), dtype=jnp.float32)
    return {"z": z, "query_idx": 123, "neg_idxs": neg_idxs,
            "neighbor_idxs": neighbor_idxs, "edge_times": edge_times,
            "current_time": current_time, "neighbors": neighbors,
            "core_values": core_values, "omega": omega, "phi": phi}


def reference(z, query_idx, neg_idxs, neighbor_idxs, edge_times, current_time,
              neighbors, core_values, omega, phi):
    # F.normalize(z, dim=1)
    zn = z / jnp.maximum(jnp.linalg.norm(z, axis=1, keepdims=True), 1e-12)

    z_query = zn[query_idx][None, :]          # [1, D]
    z_nb = zn[neighbor_idxs]                  # [K, D]
    mu_xy = _mu(jnp.broadcast_to(z_query, z_nb.shape), z_nb)  # [K]

    # G.neighbors(query_idx) -> fixed-degree adjacency table row
    nbrs_q = neighbors[query_idx]             # [DEG]
    z_Nx = zn[nbrs_q]                         # [DEG, D]
    dt_Nx = current_time[0] - edge_times[query_idx, nbrs_q]  # [DEG]

    def per_neighbor(nb_idx, z_nb_i):
        alpha_i_y = _alpha(z_nb_i[None, :], z_Nx, dt_Nx[:, None], omega, phi)
        mu_i_y = _mu(z_Nx, jnp.broadcast_to(z_nb_i[None, :], z_Nx.shape))
        nbrs_i = neighbors[nb_idx]            # [DEG]
        z_Ny = zn[nbrs_i]
        dt_Ny = current_time[0] - edge_times[nb_idx, nbrs_i]
        alpha_i_x = _alpha(z_query, z_Ny, dt_Ny[:, None], omega, phi)
        mu_i_x = _mu(z_Ny, jnp.broadcast_to(z_query, z_Ny.shape))
        return (alpha_i_y * mu_i_y).sum() + (alpha_i_x * mu_i_x).sum()

    lam_extra = jax.vmap(per_neighbor)(neighbor_idxs, z_nb)  # [K]
    lambda_T = mu_xy + lam_extra
    lambda_S = mu_xy

    neg_lambda_S = _mu(jnp.broadcast_to(z_query, (K, D)), zn[neg_idxs])

    pos_loss = -jnp.log(jax.nn.sigmoid(lambda_S) + 1e-08).mean()
    neg_loss = -jnp.log(1.0 - jax.nn.sigmoid(neg_lambda_S) + 1e-08).mean()
    tightness_loss = pos_loss + neg_loss

    query_core = core_values[query_idx]
    neighbor_cores = core_values[neighbor_idxs]
    core_loss = jnp.mean((neighbor_cores - query_core) ** 2)

    delta = lambda_T - lambda_S
    abs_delta = jnp.abs(delta)
    l2_part = 0.5 * delta ** 2
    l1_part = abs_delta - 0.5
    mask = (abs_delta < 1.0).astype(jnp.float32)
    alignment_loss = (mask * l2_part + (1.0 - mask) * l1_part).mean()

    return tightness_loss + 0.1 * core_loss + 0.1 * alignment_loss

if __name__ == "__main__":
    import jax
    _d = setup_inputs()
    print(jax.jit(kernel)(*tuple(_d.values())))

</pallas_src>

<mosaic_0001>
#map = affine_map<(d0, d1) -> (0, 0)>
#map1 = affine_map<(d0, d1) -> (0)>
module attributes {stable_mosaic.version = 14 : i64} {
  func.func @_sc_gather_body(%arg0: i32, %arg1: i32, %arg2: memref<8192x128xf32, #tpu.memory_space<hbm>>, %arg3: memref<8192x8192xf32, #tpu.memory_space<hbm>>, %arg4: memref<8192x64xi32, #tpu.memory_space<hbm>>, %arg5: memref<8192xf32, #tpu.memory_space<hbm>>, %arg6: memref<64xi32, #tpu.memory_space<hbm>>, %arg7: memref<64xi32, #tpu.memory_space<hbm>>, %arg8: memref<16xi32, #tpu.memory_space<hbm>>, %arg9: memref<4096x128xf32, #tpu.memory_space<hbm>>, %arg10: memref<32x128xf32, #tpu.memory_space<hbm>>, %arg11: memref<16x128xf32, #tpu.memory_space<hbm>>, %arg12: memref<64x128xf32, #tpu.memory_space<hbm>>, %arg13: memref<64x128xf32, #tpu.memory_space<hbm>>, %arg14: memref<64x128xf32, #tpu.memory_space<hbm>>, %arg15: memref<64xf32, #tpu.memory_space<hbm>>, %arg16: memref<64xf32, #tpu.memory_space<hbm>>, %arg17: memref<16xf32, #tpu.memory_space<hbm>>, %arg18: memref<8192x64xi32, #tpu.memory_space<vmem_shared>>, %arg19: memref<64xi32, #tpu.memory_space<vmem>>, %arg20: memref<64xi32, #tpu.memory_space<vmem>>, %arg21: memref<16xi32, #tpu.memory_space<vmem>>, %arg22: memref<16xi32, #tpu.memory_space<vmem>>, %arg23: memref<16x64xi32, #tpu.memory_space<vmem>>, %arg24: memref<2x128xi32, #tpu.memory_space<vmem>>, %arg25: memref<2x128xf32, #tpu.memory_space<vmem>>, %arg26: memref<4x8192xf32, #tpu.memory_space<vmem>>, %arg27: memref<1x8192xf32, #tpu.memory_space<vmem>>, %arg28: memref<256x128xf32, #tpu.memory_space<vmem>>, %arg29: memref<8192xf32, #tpu.memory_space<vmem>>, %arg30: memref<64xi32, #tpu.memory_space<vmem>>, %arg31: memref<64xf32, #tpu.memory_space<vmem>>, %arg32: memref<64xf32, #tpu.memory_space<vmem>>, %arg33: memref<16xf32, #tpu.memory_space<vmem>>, %arg34: memref<!tpu.dma_semaphore, #tpu.memory_space<semaphore_mem>>, %arg35: memref<!tpu.dma_semaphore, #tpu.memory_space<semaphore_mem>>) attributes {dimension_semantics = [#tpu.dimension_semantics<core_parallel>, #tpu.dimension_semantics<subcore_parallel>], iteration_bounds = array<i64: 2, 16>, scalar_prefetch = 0 : i64, scratch_operands = 18 : i64, tpu.core_type = #tpu.core_type<sc_vector_subcore>, window_params = [{transform_indices = #map}, {transform_indices = #map}, {transform_indices = #map}, {transform_indices = #map1}, {transform_indices = #map1}, {transform_indices = #map1}, {transform_indices = #map1}, {transform_indices = #map}, {transform_indices = #map}, {transform_indices = #map}, {transform_indices = #map}, {transform_indices = #map}, {transform_indices = #map}, {transform_indices = #map1}, {transform_indices = #map1}, {transform_indices = #map1}]} {
    %mul3A = arith.constant 2 : i32
    %mul3A_0 = arith.muli %arg1, %mul3A : i32
    %add3A = arith.addi %mul3A_0, %arg0 : i32
    %iota3A = tpu.iota {dimensions = array<i32: 0>} : vector<16xi32>
    %ge3A = arith.constant 30 : i32
    %ge3A_1 = arith.cmpi sge, %add3A, %ge3A : i32
    %convert_element_type3A = arith.extui %ge3A_1 : i1 to i32
    %cond3A = arith.constant 0 : i32
    %cond3A_2 = arith.cmpi ne, %convert_element_type3A, %cond3A : i32
    scf.if %cond3A_2 {
      "tpu.region"() ({
        %run_scoped3A = tpu.sem_alloc : memref<!tpu.dma_semaphore, #tpu.memory_space<semaphore_mem>>
        tpu.enqueue_dma source(%arg4 : memref<8192x64xi32, #tpu.memory_space<hbm>>) target(%arg18 : memref<8192x64xi32, #tpu.memory_space<vmem_shared>>) target_semaphore(%run_scoped3A : memref<!tpu.dma_semaphore, #tpu.memory_space<semaphore_mem>>)
        tpu.wait_dma2 semaphore(%run_scoped3A : memref<!tpu.dma_semaphore, #tpu.memory_space<semaphore_mem>>) src(%arg4 : memref<8192x64xi32, #tpu.memory_space<hbm>>) dst(%arg18 : memref<8192x64xi32, #tpu.memory_space<vmem_shared>>)
        tpu.yield
      }) : () -> ()
    } else {
    }
    %barrier3A = arith.constant 0 : index
    tpu.barrier barrier_id(%barrier3A)
    %lt3A = arith.constant 16 : i32
    %lt3A_3 = arith.cmpi slt, %add3A, %lt3A : i32
    %convert_element_type3A_4 = arith.extui %lt3A_3 : i1 to i32
    %cond3A_5 = arith.constant 0 : i32
    %cond3A_6 = arith.cmpi ne, %convert_element_type3A_4, %cond3A_5 : i32
    scf.if %cond3A_6 {
      "tpu.region"() ({
        %run_scoped3A = tpu.sem_alloc : memref<!tpu.dma_semaphore, #tpu.memory_space<semaphore_mem>>
        tpu.enqueue_dma source(%arg6 : memref<64xi32, #tpu.memory_space<hbm>>) target(%arg19 : memref<64xi32, #tpu.memory_space<vmem>>) target_semaphore(%run_scoped3A : memref<!tpu.dma_semaphore, #tpu.memory_space<semaphore_mem>>)
        tpu.wait_dma2 semaphore(%run_scoped3A : memref<!tpu.dma_semaphore, #tpu.memory_space<semaphore_mem>>) src(%arg6 : memref<64xi32, #tpu.memory_space<hbm>>) dst(%arg19 : memref<64xi32, #tpu.memory_space<vmem>>)
        tpu.yield
      }) : () -> ()
      %mul3A_31 = arith.constant 4 : i32
      %mul3A_32 = arith.muli %mul3A_31, %add3A : i32
      %min3A = arith.constant 3 : i32
      %min3A_33 = vector.broadcast %min3A : i32 to vector<16xi32>
      %min3A_34 = arith.minsi %iota3A, %min3A_33 : vector<16xi32>
      %add3A_35 = vector.broadcast %mul3A_32 : i32 to vector<16xi32>
      %add3A_36 = arith.addi %add3A_35, %min3A_34 : vector<16xi32>
      %gather3A = tpu.vector_load_idx %arg19[%add3A_36] : memref<64xi32, #tpu.memory_space<vmem>>[vector<16xi32>], vector<16xi32>,
      %swap3A = arith.constant 0 : index
      %swap3A_37 = tpu.vector_load %arg22[%swap3A] {strides = array<i32>} : memref<16xi32, #tpu.memory_space<vmem>>, vector<16xi32>,
      tpu.vector_store %arg22[%swap3A], %gather3A {strides = array<i32>} : memref<16xi32, #tpu.memory_space<vmem>>, vector<16xi32>,
      %dma_start3A = arith.constant 0 : i32
      %dma_start3A_38 = tpu.memref_slice %arg22[%dma_start3A] : memref<16xi32, #tpu.memory_space<vmem>> -> memref<4xi32, #tpu.memory_space<vmem>>
      %dma_start3A_39 = arith.constant 0 : i32
      %dma_start3A_40 = arith.constant 0 : i32
      %dma_start3A_41 = tpu.memref_slice %arg3[%dma_start3A_39, %dma_start3A_40] : memref<8192x8192xf32, #tpu.memory_space<hbm>> -> memref<8192x8192xf32, #tpu.memory_space<hbm>>
      tpu.enqueue_indirect_dma source(%dma_start3A_41 : memref<8192x8192xf32, #tpu.memory_space<hbm>>) target(%arg26 : memref<4x8192xf32, #tpu.memory_space<vmem>>) offsets(%dma_start3A_38 : memref<4xi32, #tpu.memory_space<vmem>>) semaphore(%arg35 : memref<!tpu.dma_semaphore, #tpu.memory_space<semaphore_mem>>)
      %dma_start3A_42 = arith.constant 0 : i32
      %dma_start3A_43 = arith.constant 0 : i32
      %dma_start3A_44 = tpu.memref_slice %arg18[%dma_start3A_42, %dma_start3A_43] : memref<8192x64xi32, #tpu.memory_space<vmem_shared>> -> memref<8192x64xi32, #tpu.memory_space<vmem_shared>>
      tpu.enqueue_indirect_dma source(%dma_start3A_44 : memref<8192x64xi32, #tpu.memory_space<vmem_shared>>) target(%arg23 : memref<16x64xi32, #tpu.memory_space<vmem>>) offsets(%gather3A : vector<16xi32>) semaphore(%arg34 : memref<!tpu.dma_semaphore, #tpu.memory_space<semaphore_mem>>)
      %dma_wait3A = arith.constant 0 : i32
      %dma_wait3A_45 = arith.constant 0 : i32
      %dma_wait3A_46 = tpu.memref_slice %arg18[%dma_wait3A, %dma_wait3A_45] : memref<8192x64xi32, #tpu.memory_space<vmem_shared>> -> memref<8192x64xi32, #tpu.memory_space<vmem_shared>>
      tpu.wait_indirect_dma semaphore(%arg34 : memref<!tpu.dma_semaphore, #tpu.memory_space<semaphore_mem>>) src(%dma_wait3A_46 : memref<8192x64xi32, #tpu.memory_space<vmem_shared>>) dst(%arg23 : memref<16x64xi32, #tpu.memory_space<vmem>>)
      %get3A = arith.constant 0 : i32
      %get3A_47 = arith.index_cast %get3A : i32 to index
      %get3A_48 = arith.constant 0 : index
      %get3A_49 = tpu.vector_load %arg23[%get3A_47, %get3A_48] {strides = array<i32>} : memref<16x64xi32, #tpu.memory_space<vmem>>, vector<16xi32>,
      %swap3A_50 = arith.constant 0 : i32
      %swap3A_51 = arith.index_cast %swap3A_50 : i32 to index
      %swap3A_52 = arith.constant 0 : index
      %swap3A_53 = tpu.vector_load %arg24[%swap3A_51, %swap3A_52] {strides = array<i32>} : memref<2x128xi32, #tpu.memory_space<vmem>>, vector<16xi32>,
      tpu.vector_store %arg24[%swap3A_51, %swap3A_52], %get3A_49 {strides = array<i32>} : memref<2x128xi32, #tpu.memory_space<vmem>>, vector<16xi32>,
      %get3A_54 = arith.constant 0 : i32
      %get3A_55 = arith.index_cast %get3A_54 : i32 to index
      %get3A_56 = arith.constant 16 : index
      %get3A_57 = tpu.vector_load %arg23[%get3A_55, %get3A_56] {strides = array<i32>} : memref<16x64xi32, #tpu.memory_space<vmem>>, vector<16xi32>,
      %swap3A_58 = arith.constant 0 : i32
      %swap3A_59 = arith.index_cast %swap3A_58 : i32 to index
      %swap3A_60 = arith.constant 16 : index
      %swap3A_61 = tpu.vector_load %arg24[%swap3A_59, %swap3A_60] {strides = array<i32>} : memref<2x128xi32, #tpu.memory_space<vmem>>, vector<16xi32>,
      tpu.vector_store %arg24[%swap3A_59, %swap3A_60], %get3A_57 {strides = array<i32>} : memref<2x128xi32, #tpu.memory_space<vmem>>, vector<16xi32>,
      %get3A_62 = arith.constant 0 : i32
      %get3A_63 = arith.index_cast %get3A_62 : i32 to index
      %get3A_64 = arith.constant 32 : index
      %get3A_65 = tpu.vector_load %arg23[%get3A_63, %get3A_64] {strides = array<i32>} : memref<16x64xi32, #tpu.memory_space<vmem>>, vector<16xi32>,
      %swap3A_66 = arith.constant 0 : i32
      %swap3A_67 = arith.index_cast %swap3A_66 : i32 to index
      %swap3A_68 = arith.constant 32 : index
      %swap3A_69 = tpu.vector_load %arg24[%swap3A_67, %swap3A_68] {strides = array<i32>} : memref<2x128xi32, #tpu.memory_space<vmem>>, vector<16xi32>,
      tpu.vector_store %arg24[%swap3A_67, %swap3A_68], %get3A_65 {strides = array<i32>} : memref<2x128xi32, #tpu.memory_space<vmem>>, vector<16xi32>,
      %get3A_70 = arith.constant 0 : i32
      %get3A_71 = arith.index_cast %get3A_70 : i32 to index
      %get3A_72 = arith.constant 48 : index
      %get3A_73 = tpu.vector_load %arg23[%get3A_71, %get3A_72] {strides = array<i32>} : memref<16x64xi32, #tpu.memory_space<vmem>>, vector<16xi32>,
      %swap3A_74 = arith.constant 0 : i32
      %swap3A_75 = arith.index_cast %swap3A_74 : i32 to index
      %swap3A_76 = arith.constant 48 : index
      %swap3A_77 = tpu.vector_load %arg24[%swap3A_75, %swap3A_76] {strides = array<i32>} : memref<2x128xi32, #tpu.memory_space<vmem>>, vector<16xi32>,
      tpu.vector_store %arg24[%swap3A_75, %swap3A_76], %get3A_73 {strides = array<i32>} : memref<2x128xi32, #tpu.memory_space<vmem>>, vector<16xi32>,
      %get3A_78 = arith.constant 1 : i32
      %get3A_79 = arith.index_cast %get3A_78 : i32 to index
      %get3A_80 = arith.constant 0 : index
      %get3A_81 = tpu.vector_load %arg23[%get3A_79, %get3A_80] {strides = array<i32>} : memref<16x64xi32, #tpu.memory_space<vmem>>, vector<16xi32>,
      %swap3A_82 = arith.constant 0 : i32
      %swap3A_83 = arith.index_cast %swap3A_82 : i32 to index
      %swap3A_84 = arith.constant 64 : index
      %swap3A_85 = tpu.vector_load %arg24[%swap3A_83, %swap3A_84] {strides = array<i32>} : memref<2x128xi32, #tpu.memory_space<vmem>>, vector<16xi32>,
      tpu.vector_store %arg24[%swap3A_83, %swap3A_84], %get3A_81 {strides = array<i32>} : memref<2x128xi32, #tpu.memory_space<vmem>>, vector<16xi32>,
      %get3A_86 = arith.constant 1 : i32
      %get3A_87 = arith.index_cast %get3A_86 : i32 to index
      %get3A_88 = arith.constant 16 : index
      %get3A_89 = tpu.vector_load %arg23[%get3A_87, %get3A_88] {strides = array<i32>} : memref<16x64xi32, #tpu.memory_space<vmem>>, vector<16xi32>,
      %swap3A_90 = arith.constant 0 : i32
      %swap3A_91 = arith.index_cast %swap3A_90 : i32 to index
      %swap3A_92 = arith.constant 80 : index
      %swap3A_93 = tpu.vector_load %arg24[%swap3A_91, %swap3A_92] {strides = array<i32>} : memref<2x128xi32, #tpu.memory_space<vmem>>, vector<16xi32>,
      tpu.vector_store %arg24[%swap3A_91, %swap3A_92], %get3A_89 {strides = array<i32>} : memref<2x128xi32, #tpu.memory_space<vmem>>, vector<16xi32>,
      %get3A_94 = arith.constant 1 : i32
      %get3A_95 = arith.index_cast %get3A_94 : i32 to index
      %get3A_96 = arith.constant 32 : index
      %get3A_97 = tpu.vector_load %arg23[%get3A_95, %get3A_96] {strides = array<i32>} : memref<16x64xi32, #tpu.memory_space<vmem>>, vector<16xi32>,
      %swap3A_98 = arith.constant 0 : i32
      %swap3A_99 = arith.index_cast %swap3A_98 : i32 to index
      %swap3A_100 = arith.constant 96 : index
      %swap3A_101 = tpu.vector_load %arg24[%swap3A_99, %swap3A_100] {strides = array<i32>} : memref<2x128xi32, #tpu.memory_space<vmem>>, vector<16xi32>,
      tpu.vector_store %arg24[%swap3A_99, %swap3A_100], %get3A_97 {strides = array<i32>} : memref<2x128xi32, #tpu.memory_space<vmem>>, vector<16xi32>,
      %get3A_102 = arith.constant 1 : i32
      %get3A_103 = arith.index_cast %get3A_102 : i32 to index
      %get3A_104 = arith.constant 48 : index
      %get3A_105 = tpu.vector_load %arg23[%get3A_103, %get3A_104] {strides = array<i32>} : memref<16x64xi32, #tpu.memory_space<vmem>>, vector<16xi32>,
      %swap3A_106 = arith.constant 0 : i32
      %swap3A_107 = arith.index_cast %swap3A_106 : i32 to index
      %swap3A_108 = arith.constant 112 : index
      %swap3A_109 = tpu.vector_load %arg24[%swap3A_107, %swap3A_108] {strides = array<i32>} : memref<2x128xi32, #tpu.memory_space<vmem>>, vector<16xi32>,
      tpu.vector_store %arg24[%swap3A_107, %swap3A_108], %get3A_105 {strides = array<i32>} : memref<2x128xi32, #tpu.memory_space<vmem>>, vector<16xi32>,
      %get3A_110 = arith.constant 2 : i32
      %get3A_111 = arith.index_cast %get3A_110 : i32 to index
      %get3A_112 = arith.constant 0 : index
      %get3A_113 = tpu.vector_load %arg23[%get3A_111, %get3A_112] {strides = array<i32>} : memref<16x64xi32, #tpu.memory_space<vmem>>, vector<16xi32>,
      %swap3A_114 = arith.constant 1 : i32
      %swap3A_115 = arith.index_cast %swap3A_114 : i32 to index
      %swap3A_116 = arith.constant 0 : index
      %swap3A_117 = tpu.vector_load %arg24[%swap3A_115, %swap3A_116] {strides = array<i32>} : memref<2x128xi32, #tpu.memory_space<vmem>>, vector<16xi32>,
      tpu.vector_store %arg24[%swap3A_115, %swap3A_116], %get3A_113 {strides = array<i32>} : memref<2x128xi32, #tpu.memory_space<vmem>>, vector<16xi32>,
      %get3A_118 = arith.constant 2 : i32
      %get3A_119 = arith.index_cast %get3A_118 : i32 to index
      %get3A_120 = arith.constant 16 : index
      %get3A_121 = tpu.vector_load %arg23[%get3A_119, %get3A_120] {strides = array<i32>} : memref<16x64xi32, #tpu.memory_space<vmem>>, vector<16xi32>,
      %swap3A_122 = arith.constant 1 : i32
      %swap3A_123 = arith.index_cast %swap3A_122 : i32 to index
      %swap3A_124 = arith.constant 16 : index
      %swap3A_125 = tpu.vector_load %arg24[%swap3A_123, %swap3A_124] {strides = array<i32>} : memref<2x128xi32, #tpu.memory_space<vmem>>, vector<16xi32>,
      tpu.vector_store %arg24[%swap3A_123, %swap3A_124], %get3A_121 {strides = array<i32>} : memref<2x128xi32, #tpu.memory_space<vmem>>, vector<16xi32>,
      %get3A_126 = arith.constant 2 : i32
      %get3A_127 = arith.index_cast %get3A_126 : i32 to index
      %get3A_128 = arith.constant 32 : index
      %get3A_129 = tpu.vector_load %arg23[%get3A_127, %get3A_128] {strides = array<i32>} : memref<16x64xi32, #tpu.memory_space<vmem>>, vector<16xi32>,
      %swap3A_130 = arith.constant 1 : i32
      %swap3A_131 = arith.index_cast %swap3A_130 : i32 to index
      %swap3A_132 = arith.constant 32 : index
      %swap3A_133 = tpu.vector_load %arg24[%swap3A_131, %swap3A_132] {strides = array<i32>} : memref<2x128xi32, #tpu.memory_space<vmem>>, vector<16xi32>,
      tpu.vector_store %arg24[%swap3A_131, %swap3A_132], %get3A_129 {strides = array<i32>} : memref<2x128xi32, #tpu.memory_space<vmem>>, vector<16xi32>,
      %get3A_134 = arith.constant 2 : i32
      %get3A_135 = arith.index_cast %get3A_134 : i32 to index
      %get3A_136 = arith.constant 48 : index
      %get3A_137 = tpu.vector_load %arg23[%get3A_135, %get3A_136] {strides = array<i32>} : memref<16x64xi32, #tpu.memory_space<vmem>>, vector<16xi32>,
      %swap3A_138 = arith.constant 1 : i32
      %swap3A_139 = arith.index_cast %swap3A_138 : i32 to index
      %swap3A_140 = arith.constant 48 : index
      %swap3A_141 = tpu.vector_load %arg24[%swap3A_139, %swap3A_140] {strides = array<i32>} : memref<2x128xi32, #tpu.memory_space<vmem>>, vector<16xi32>,
      tpu.vector_store %arg24[%swap3A_139, %swap3A_140], %get3A_137 {strides = array<i32>} : memref<2x128xi32, #tpu.memory_space<vmem>>, vector<16xi32>,
      %get3A_142 = arith.constant 3 : i32
      %get3A_143 = arith.index_cast %get3A_142 : i32 to index
      %get3A_144 = arith.constant 0 : index
      %get3A_145 = tpu.vector_load %arg23[%get3A_143, %get3A_144] {strides = array<i32>} : memref<16x64xi32, #tpu.memory_space<vmem>>, vector<16xi32>,
      %swap3A_146 = arith.constant 1 : i32
      %swap3A_147 = arith.index_cast %swap3A_146 : i32 to index
      %swap3A_148 = arith.constant 64 : index
      %swap3A_149 = tpu.vector_load %arg24[%swap3A_147, %swap3A_148] {strides = array<i32>} : memref<2x128xi32, #tpu.memory_space<vmem>>, vector<16xi32>,
      tpu.vector_store %arg24[%swap3A_147, %swap3A_148], %get3A_145 {strides = array<i32>} : memref<2x128xi32, #tpu.memory_space<vmem>>, vector<16xi32>,
      %get3A_150 = arith.constant 3 : i32
      %get3A_151 = arith.index_cast %get3A_150 : i32 to index
      %get3A_152 = arith.constant 16 : index
      %get3A_153 = tpu.vector_load %arg23[%get3A_151, %get3A_152] {strides = array<i32>} : memref<16x64xi32, #tpu.memory_space<vmem>>, vector<16xi32>,
      %swap3A_154 = arith.constant 1 : i32
      %swap3A_155 = arith.index_cast %swap3A_154 : i32 to index
      %swap3A_156 = arith.constant 80 : index
      %swap3A_157 = tpu.vector_load %arg24[%swap3A_155, %swap3A_156] {strides = array<i32>} : memref<2x128xi32, #tpu.memory_space<vmem>>, vector<16xi32>,
      tpu.vector_store %arg24[%swap3A_155, %swap3A_156], %get3A_153 {strides = array<i32>} : memref<2x128xi32, #tpu.memory_space<vmem>>, vector<16xi32>,
      %get3A_158 = arith.constant 3 : i32
      %get3A_159 = arith.index_cast %get3A_158 : i32 to index
      %get3A_160 = arith.constant 32 : index
      %get3A_161 = tpu.vector_load %arg23[%get3A_159, %get3A_160] {strides = array<i32>} : memref<16x64xi32, #tpu.memory_space<vmem>>, vector<16xi32>,
      %swap3A_162 = arith.constant 1 : i32
      %swap3A_163 = arith.index_cast %swap3A_162 : i32 to index
      %swap3A_164 = arith.constant 96 : index
      %swap3A_165 = tpu.vector_load %arg24[%swap3A_163, %swap3A_164] {strides = array<i32>} : memref<2x128xi32, #tpu.memory_space<vmem>>, vector<16xi32>,
      tpu.vector_store %arg24[%swap3A_163, %swap3A_164], %get3A_161 {strides = array<i32>} : memref<2x128xi32, #tpu.memory_space<vmem>>, vector<16xi32>,
      %get3A_166 = arith.constant 3 : i32
      %get3A_167 = arith.index_cast %get3A_166 : i32 to index
      %get3A_168 = arith.constant 48 : index
      %get3A_169 = tpu.vector_load %arg23[%get3A_167, %get3A_168] {strides = array<i32>} : memref<16x64xi32, #tpu.memory_space<vmem>>, vector<16xi32>,
      %swap3A_170 = arith.constant 1 : i32
      %swap3A_171 = arith.index_cast %swap3A_170 : i32 to index
      %swap3A_172 = arith.constant 112 : index
      %swap3A_173 = tpu.vector_load %arg24[%swap3A_171, %swap3A_172] {strides = array<i32>} : memref<2x128xi32, #tpu.memory_space<vmem>>, vector<16xi32>,
      tpu.vector_store %arg24[%swap3A_171, %swap3A_172], %get3A_169 {strides = array<i32>} : memref<2x128xi32, #tpu.memory_space<vmem>>, vector<16xi32>,
      %dma_start3A_174 = arith.constant 0 : i32
      %dma_start3A_175 = arith.constant 0 : i32
      %dma_start3A_176 = arith.constant 0 : i32
      %dma_start3A_177 = tpu.memref_slice %arg28[%dma_start3A_175, %dma_start3A_176] : memref<256x128xf32, #tpu.memory_space<vmem>> -> memref<128x128xf32, #tpu.memory_space<vmem>>
      %dma_start3A_178 = arith.constant 0 : i32
      %dma_start3A_179 = tpu.memref_slice %arg24[%dma_start3A_174, %dma_start3A_178] : memref<2x128xi32, #tpu.memory_space<vmem>> -> memref<1x128xi32, #tpu.memory_space<vmem>>
      %dma_start3A_180 = tpu.memref_squeeze %dma_start3A_179 : memref<1x128xi32, #tpu.memory_space<vmem>> -> memref<128xi32, #tpu.memory_space<vmem>>
      %dma_start3A_181 = arith.constant 0 : i32
      %dma_start3A_182 = arith.constant 0 : i32
      %dma_start3A_183 = tpu.memref_slice %arg2[%dma_start3A_181, %dma_start3A_182] : memref<8192x128xf32, #tpu.memory_space<hbm>> -> memref<8192x128xf32, #tpu.memory_space<hbm>>
      tpu.enqueue_indirect_dma source(%dma_start3A_183 : memref<8192x128xf32, #tpu.memory_space<hbm>>) target(%dma_start3A_177 : memref<128x128xf32, #tpu.memory_space<vmem>>) offsets(%dma_start3A_180 : memref<128xi32, #tpu.memory_space<vmem>>) semaphore(%arg34 : memref<!tpu.dma_semaphore, #tpu.memory_space<semaphore_mem>>)
      %dma_wait3A_184 = arith.constant 0 : i32
      %dma_wait3A_185 = tpu.memref_slice %arg22[%dma_wait3A_184] : memref<16xi32, #tpu.memory_space<vmem>> -> memref<4xi32, #tpu.memory_space<vmem>>
      %dma_wait3A_186 = arith.constant 0 : i32
      %dma_wait3A_187 = arith.constant 0 : i32
      %dma_wait3A_188 = tpu.memref_slice %arg3[%dma_wait3A_186, %dma_wait3A_187] : memref<8192x8192xf32, #tpu.memory_space<hbm>> -> memref<8192x8192xf32, #tpu.memory_space<hbm>>
      tpu.wait_indirect_dma semaphore(%arg35 : memref<!tpu.dma_semaphore, #tpu.memory_space<semaphore_mem>>) src(%dma_wait3A_188 : memref<8192x8192xf32, #tpu.memory_space<hbm>>) dst(%arg26 : memref<4x8192xf32, #tpu.memory_space<vmem>>)
      %broadcast_in_dim3A = arith.constant 0 : i32
      %broadcast_in_dim3A_189 = vector.broadcast %broadcast_in_dim3A : i32 to vector<16xi32>
      %add3A_190 = arith.constant 0 : i32
      %add3A_191 = vector.broadcast %add3A_190 : i32 to vector<16xi32>
      %add3A_192 = arith.addi %broadcast_in_dim3A_189, %add3A_191 : vector<16xi32>
      %get3A_193 = arith.constant 0 : i32
      %get3A_194 = arith.index_cast %get3A_193 : i32 to index
      %get3A_195 = arith.constant 0 : index
      %get3A_196 = tpu.vector_load %arg23[%get3A_194, %get3A_195] {strides = array<i32>} : memref<16x64xi32, #tpu.memory_space<vmem>>, vector<16xi32>,
      %gather3A_197 = tpu.vector_load_idx %arg26[%add3A_192, %get3A_196] : memref<4x8192xf32, #tpu.memory_space<vmem>>[vector<16xi32>, vector<16xi32>], vector<16xf32>,
      %swap3A_198 = arith.constant 0 : i32
      %swap3A_199 = arith.index_cast %swap3A_198 : i32 to index
      %swap3A_200 = arith.constant 0 : index
      %swap3A_201 = tpu.vector_load %arg25[%swap3A_199, %swap3A_200] {strides = array<i32>} : memref<2x128xf32, #tpu.memory_space<vmem>>, vector<16xf32>,
      tpu.vector_store %arg25[%swap3A_199, %swap3A_200], %gather3A_197 {strides = array<i32>} : memref<2x128xf32, #tpu.memory_space<vmem>>, vector<16xf32>,
      %get3A_202 = arith.constant 0 : i32
      %get3A_203 = arith.index_cast %get3A_202 : i32 to index
      %get3A_204 = arith.constant 16 : index
      %get3A_205 = tpu.vector_load %arg23[%get3A_203, %get3A_204] {strides = array<i32>} : memref<16x64xi32, #tpu.memory_space<vmem>>, vector<16xi32>,
      %gather3A_206 = tpu.vector_load_idx %arg26[%add3A_192, %get3A_205] : memref<4x8192xf32, #tpu.memory_space<vmem>>[vector<16xi32>, vector<16xi32>], vector<16xf32>,
      %swap3A_207 = arith.constant 0 : i32
      %swap3A_208 = arith.index_cast %swap3A_207 : i32 to index
      %swap3A_209 = arith.constant 16 : index
      %swap3A_210 = tpu.vector_load %arg25[%swap3A_208, %swap3A_209] {strides = array<i32>} : memref<2x128xf32, #tpu.memory_space<vmem>>, vector<16xf32>,
      tpu.vector_store %arg25[%swap3A_208, %swap3A_209], %gather3A_206 {strides = array<i32>} : memref<2x128xf32, #tpu.memory_space<vmem>>, vector<16xf32>,
      %get3A_211 = arith.constant 0 : i32
      %get3A_212 = arith.index_cast %get3A_211 : i32 to index
      %get3A_213 = arith.constant 32 : index
      %get3A_214 = tpu.vector_load %arg23[%get3A_212, %get3A_213] {strides = array<i32>} : memref<16x64xi32, #tpu.memory_space<vmem>>, vector<16xi32>,
      %gather3A_215 = tpu.vector_load_idx %arg26[%add3A_192, %get3A_214] : memref<4x8192xf32, #tpu.memory_space<vmem>>[vector<16xi32>, vector<16xi32>], vector<16xf32>,
      %swap3A_216 = arith.constant 0 : i32
      %swap3A_217 = arith.index_cast %swap3A_216 : i32 to index
      %swap3A_218 = arith.constant 32 : index
      %swap3A_219 = tpu.vector_load %arg25[%swap3A_217, %swap3A_218] {strides = array<i32>} : memref<2x128xf32, #tpu.memory_space<vmem>>, vector<16xf32>,
      tpu.vector_store %arg25[%swap3A_217, %swap3A_218], %gather3A_215 {strides = array<i32>} : memref<2x128xf32, #tpu.memory_space<vmem>>, vector<16xf32>,
      %get3A_220 = arith.constant 0 : i32
      %get3A_221 = arith.index_cast %get3A_220 : i32 to index
      %get3A_222 = arith.constant 48 : index
      %get3A_223 = tpu.vector_load %arg23[%get3A_221, %get3A_222] {strides = array<i32>} : memref<16x64xi32, #tpu.memory_space<vmem>>, vector<16xi32>,
      %gather3A_224 = tpu.vector_load_idx %arg26[%add3A_192, %get3A_223] : memref<4x8192xf32, #tpu.memory_space<vmem>>[vector<16xi32>, vector<16xi32>], vector<16xf32>,
      %swap3A_225 = arith.constant 0 : i32
      %swap3A_226 = arith.index_cast %swap3A_225 : i32 to index
      %swap3A_227 = arith.constant 48 : index
      %swap3A_228 = tpu.vector_load %arg25[%swap3A_226, %swap3A_227] {strides = array<i32>} : memref<2x128xf32, #tpu.memory_space<vmem>>, vector<16xf32>,
      tpu.vector_store %arg25[%swap3A_226, %swap3A_227], %gather3A_224 {strides = array<i32>} : memref<2x128xf32, #tpu.memory_space<vmem>>, vector<16xf32>,
      %broadcast_in_dim3A_229 = arith.constant 0 : i32
      %broadcast_in_dim3A_230 = vector.broadcast %broadcast_in_dim3A_229 : i32 to vector<16xi32>
      %add3A_231 = arith.constant 1 : i32
      %add3A_232 = vector.broadcast %add3A_231 : i32 to vector<16xi32>
      %add3A_233 = arith.addi %broadcast_in_dim3A_230, %add3A_232 : vector<16xi32>
      %get3A_234 = arith.constant 1 : i32
      %get3A_235 = arith.index_cast %get3A_234 : i32 to index
      %get3A_236 = arith.constant 0 : index
      %get3A_237 = tpu.vector_load %arg23[%get3A_235, %get3A_236] {strides = array<i32>} : memref<16x64xi32, #tpu.memory_space<vmem>>, vector<16xi32>,
      %gather3A_238 = tpu.vector_load_idx %arg26[%add3A_233, %get3A_237] : memref<4x8192xf32, #tpu.memory_space<vmem>>[vector<16xi32>, vector<16xi32>], vector<16xf32>,
      %swap3A_239 = arith.constant 0 : i32
      %swap3A_240 = arith.index_cast %swap3A_239 : i32 to index
      %swap3A_241 = arith.constant 64 : index
      %swap3A_242 = tpu.vector_load %arg25[%swap3A_240, %swap3A_241] {strides = array<i32>} : memref<2x128xf32, #tpu.memory_space<vmem>>, vector<16xf32>,
      tpu.vector_store %arg25[%swap3A_240, %swap3A_241], %gather3A_238 {strides = array<i32>} : memref<2x128xf32, #tpu.memory_space<vmem>>, vector<16xf32>,
      %get3A_243 = arith.constant 1 : i32
      %get3A_244 = arith.index_cast %get3A_243 : i32 to index
      %get3A_245 = arith.constant 16 : index
      %get3A_246 = tpu.vector_load %arg23[%get3A_244, %get3A_245] {strides = array<i32>} : memref<16x64xi32, #tpu.memory_space<vmem>>, vector<16xi32>,
      %gather3A_247 = tpu.vector_load_idx %arg26[%add3A_233, %get3A_246] : memref<4x8192xf32, #tpu.memory_space<vmem>>[vector<16xi32>, vector<16xi32>], vector<16xf32>,
      %swap3A_248 = arith.constant 0 : i32
      %swap3A_249 = arith.index_cast %swap3A_248 : i32 to index
      %swap3A_250 = arith.constant 80 : index
      %swap3A_251 = tpu.vector_load %arg25[%swap3A_249, %swap3A_250] {strides = array<i32>} : memref<2x128xf32, #tpu.memory_space<vmem>>, vector<16xf32>,
      tpu.vector_store %arg25[%swap3A_249, %swap3A_250], %gather3A_247 {strides = array<i32>} : memref<2x128xf32, #tpu.memory_space<vmem>>, vector<16xf32>,
      %get3A_252 = arith.constant 1 : i32
      %get3A_253 = arith.index_cast %get3A_252 : i32 to index
      %get3A_254 = arith.constant 32 : index
      %get3A_255 = tpu.vector_load %arg23[%get3A_253, %get3A_254] {strides = array<i32>} : memref<16x64xi32, #tpu.memory_space<vmem>>, vector<16xi32>,
      %gather3A_256 = tpu.vector_load_idx %arg26[%add3A_233, %get3A_255] : memref<4x8192xf32, #tpu.memory_space<vmem>>[vector<16xi32>, vector<16xi32>], vector<16xf32>,
      %swap3A_257 = arith.constant 0 : i32
      %swap3A_258 = arith.index_cast %swap3A_257 : i32 to index
      %swap3A_259 = arith.constant 96 : index
      %swap3A_260 = tpu.vector_load %arg25[%swap3A_258, %swap3A_259] {strides = array<i32>} : memref<2x128xf32, #tpu.memory_space<vmem>>, vector<16xf32>,
      tpu.vector_store %arg25[%swap3A_258, %swap3A_259], %gather3A_256 {strides = array<i32>} : memref<2x128xf32, #tpu.memory_space<vmem>>, vector<16xf32>,
      %get3A_261 = arith.constant 1 : i32
      %get3A_262 = arith.index_cast %get3A_261 : i32 to index
      %get3A_263 = arith.constant 48 : index
      %get3A_264 = tpu.vector_load %arg23[%get3A_262, %get3A_263] {strides = array<i32>} : memref<16x64xi32, #tpu.memory_space<vmem>>, vector<16xi32>,
      %gather3A_265 = tpu.vector_load_idx %arg26[%add3A_233, %get3A_264] : memref<4x8192xf32, #tpu.memory_space<vmem>>[vector<16xi32>, vector<16xi32>], vector<16xf32>,
      %swap3A_266 = arith.constant 0 : i32
      %swap3A_267 = arith.index_cast %swap3A_266 : i32 to index
      %swap3A_268 = arith.constant 112 : index
      %swap3A_269 = tpu.vector_load %arg25[%swap3A_267, %swap3A_268] {strides = array<i32>} : memref<2x128xf32, #tpu.memory_space<vmem>>, vector<16xf32>,
      tpu.vector_store %arg25[%swap3A_267, %swap3A_268], %gather3A_265 {strides = array<i32>} : memref<2x128xf32, #tpu.memory_space<vmem>>, vector<16xf32>,
      %broadcast_in_dim3A_270 = arith.constant 0 : i32
      %broadcast_in_dim3A_271 = vector.broadcast %broadcast_in_dim3A_270 : i32 to vector<16xi32>
      %add3A_272 = arith.constant 2 : i32
      %add3A_273 = vector.broadcast %add3A_272 : i32 to vector<16xi32>
      %add3A_274 = arith.addi %broadcast_in_dim3A_271, %add3A_273 : vector<16xi32>
      %get3A_275 = arith.constant 2 : i32
      %get3A_276 = arith.index_cast %get3A_275 : i32 to index
      %get3A_277 = arith.constant 0 : index
      %get3A_278 = tpu.vector_load %arg23[%get3A_276, %get3A_277] {strides = array<i32>} : memref<16x64xi32, #tpu.memory_space<vmem>>, vector<16xi32>,
      %gather3A_279 = tpu.vector_load_idx %arg26[%add3A_274, %get3A_278] : memref<4x8192xf32, #tpu.memory_space<vmem>>[vector<16xi32>, vector<16xi32>], vector<16xf32>,
      %swap3A_280 = arith.constant 1 : i32
      %swap3A_281 = arith.index_cast %swap3A_280 : i32 to index
      %swap3A_282 = arith.constant 0 : index
      %swap3A_283 = tpu.vector_load %arg25[%swap3A_281, %swap3A_282] {strides = array<i32>} : memref<2x128xf32, #tpu.memory_space<vmem>>, vector<16xf32>,
      tpu.vector_store %arg25[%swap3A_281, %swap3A_282], %gather3A_279 {strides = array<i32>} : memref<2x128xf32, #tpu.memory_space<vmem>>, vector<16xf32>,
      %get3A_284 = arith.constant 2 : i32
      %get3A_285 = arith.index_cast %get3A_284 : i32 to index
      %get3A_286 = arith.constant 16 : index
      %get3A_287 = tpu.vector_load %arg23[%get3A_285, %get3A_286] {strides = array<i32>} : memref<16x64xi32, #tpu.memory_space<vmem>>, vector<16xi32>,
      %gather3A_288 = tpu.vector_load_idx %arg26[%add3A_274, %get3A_287] : memref<4x8192xf32, #tpu.memory_space<vmem>>[vector<16xi32>, vector<16xi32>], vector<16xf32>,
      %swap3A_289 = arith.constant 1 : i32
      %swap3A_290 = arith.index_cast %swap3A_289 : i32 to index
      %swap3A_291 = arith.constant 16 : index
      %swap3A_292 = tpu.vector_load %arg25[%swap3A_290, %swap3A_291] {strides = array<i32>} : memref<2x128xf32, #tpu.memory_space<vmem>>, vector<16xf32>,
      tpu.vector_store %arg25[%swap3A_290, %swap3A_291], %gather3A_288 {strides = array<i32>} : memref<2x128xf32, #tpu.memory_space<vmem>>, vector<16xf32>,
      %get3A_293 = arith.constant 2 : i32
      %get3A_294 = arith.index_cast %get3A_293 : i32 to index
      %get3A_295 = arith.constant 32 : index
      %get3A_296 = tpu.vector_load %arg23[%get3A_294, %get3A_295] {strides = array<i32>} : memref<16x64xi32, #tpu.memory_space<vmem>>, vector<16xi32>,
      %gather3A_297 = tpu.vector_load_idx %arg26[%add3A_274, %get3A_296] : memref<4x8192xf32, #tpu.memory_space<vmem>>[vector<16xi32>, vector<16xi32>], vector<16xf32>,
      %swap3A_298 = arith.constant 1 : i32
      %swap3A_299 = arith.index_cast %swap3A_298 : i32 to index
      %swap3A_300 = arith.constant 32 : index
      %swap3A_301 = tpu.vector_load %arg25[%swap3A_299, %swap3A_300] {strides = array<i32>} : memref<2x128xf32, #tpu.memory_space<vmem>>, vector<16xf32>,
      tpu.vector_store %arg25[%swap3A_299, %swap3A_300], %gather3A_297 {strides = array<i32>} : memref<2x128xf32, #tpu.memory_space<vmem>>, vector<16xf32>,
      %get3A_302 = arith.constant 2 : i32
      %get3A_303 = arith.index_cast %get3A_302 : i32 to index
      %get3A_304 = arith.constant 48 : index
      %get3A_305 = tpu.vector_load %arg23[%get3A_303, %get3A_304] {strides = array<i32>} : memref<16x64xi32, #tpu.memory_space<vmem>>, vector<16xi32>,
      %gather3A_306 = tpu.vector_load_idx %arg26[%add3A_274, %get3A_305] : memref<4x8192xf32, #tpu.memory_space<vmem>>[vector<16xi32>, vector<16xi32>], vector<16xf32>,
      %swap3A_307 = arith.constant 1 : i32
      %swap3A_308 = arith.index_cast %swap3A_307 : i32 to index
      %swap3A_309 = arith.constant 48 : index
      %swap3A_310 = tpu.vector_load %arg25[%swap3A_308, %swap3A_309] {strides = array<i32>} : memref<2x128xf32, #tpu.memory_space<vmem>>, vector<16xf32>,
      tpu.vector_store %arg25[%swap3A_308, %swap3A_309], %gather3A_306 {strides = array<i32>} : memref<2x128xf32, #tpu.memory_space<vmem>>, vector<16xf32>,
      %broadcast_in_dim3A_311 = arith.constant 0 : i32
      %broadcast_in_dim3A_312 = vector.broadcast %broadcast_in_dim3A_311 : i32 to vector<16xi32>
      %add3A_313 = arith.constant 3 : i32
      %add3A_314 = vector.broadcast %add3A_313 : i32 to vector<16xi32>
      %add3A_315 = arith.addi %broadcast_in_dim3A_312, %add3A_314 : vector<16xi32>
      %get3A_316 = arith.constant 3 : i32
      %get3A_317 = arith.index_cast %get3A_316 : i32 to index
      %get3A_318 = arith.constant 0 : index
      %get3A_319 = tpu.vector_load %arg23[%get3A_317, %get3A_318] {strides = array<i32>} : memref<16x64xi32, #tpu.memory_space<vmem>>, vector<16xi32>,
      %gather3A_320 = tpu.vector_load_idx %arg26[%add3A_315, %get3A_319] : memref<4x8192xf32, #tpu.memory_space<vmem>>[vector<16xi32>, vector<16xi32>], vector<16xf32>,
      %swap3A_321 = arith.constant 1 : i32
      %swap3A_322 = arith.index_cast %swap3A_321 : i32 to index
      %swap3A_323 = arith.constant 64 : index
      %swap3A_324 = tpu.vector_load %arg25[%swap3A_322, %swap3A_323] {strides = array<i32>} : memref<2x128xf32, #tpu.memory_space<vmem>>, vector<16xf32>,
      tpu.vector_store %arg25[%swap3A_322, %swap3A_323], %gather3A_320 {strides = array<i32>} : memref<2x128xf32, #tpu.memory_space<vmem>>, vector<16xf32>,
      %get3A_325 = arith.constant 3 : i32
      %get3A_326 = arith.index_cast %get3A_325 : i32 to index
      %get3A_327 = arith.constant 16 : index
      %get3A_328 = tpu.vector_load %arg23[%get3A_326, %get3A_327] {strides = array<i32>} : memref<16x64xi32, #tpu.memory_space<vmem>>, vector<16xi32>,
      %gather3A_329 = tpu.vector_load_idx %arg26[%add3A_315, %get3A_328] : memref<4x8192xf32, #tpu.memory_space<vmem>>[vector<16xi32>, vector<16xi32>], vector<16xf32>,
      %swap3A_330 = arith.constant 1 : i32
      %swap3A_331 = arith.index_cast %swap3A_330 : i32 to index
      %swap3A_332 = arith.constant 80 : index
      %swap3A_333 = tpu.vector_load %arg25[%swap3A_331, %swap3A_332] {strides = array<i32>} : memref<2x128xf32, #tpu.memory_space<vmem>>, vector<16xf32>,
      tpu.vector_store %arg25[%swap3A_331, %swap3A_332], %gather3A_329 {strides = array<i32>} : memref<2x128xf32, #tpu.memory_space<vmem>>, vector<16xf32>,
      %get3A_334 = arith.constant 3 : i32
      %get3A_335 = arith.index_cast %get3A_334 : i32 to index
      %get3A_336 = arith.constant 32 : index
      %get3A_337 = tpu.vector_load %arg23[%get3A_335, %get3A_336] {strides = array<i32>} : memref<16x64xi32, #tpu.memory_space<vmem>>, vector<16xi32>,
      %gather3A_338 = tpu.vector_load_idx %arg26[%add3A_315, %get3A_337] : memref<4x8192xf32, #tpu.memory_space<vmem>>[vector<16xi32>, vector<16xi32>], vector<16xf32>,
      %swap3A_339 = arith.constant 1 : i32
      %swap3A_340 = arith.index_cast %swap3A_339 : i32 to index
      %swap3A_341 = arith.constant 96 : index
      %swap3A_342 = tpu.vector_load %arg25[%swap3A_340, %swap3A_341] {strides = array<i32>} : memref<2x128xf32, #tpu.memory_space<vmem>>, vector<16xf32>,
      tpu.vector_store %arg25[%swap3A_340, %swap3A_341], %gather3A_338 {strides = array<i32>} : memref<2x128xf32, #tpu.memory_space<vmem>>, vector<16xf32>,
      %get3A_343 = arith.constant 3 : i32
      %get3A_344 = arith.index_cast %get3A_343 : i32 to index
      %get3A_345 = arith.constant 48 : index
      %get3A_346 = tpu.vector_load %arg23[%get3A_344, %get3A_345] {strides = array<i32>} : memref<16x64xi32, #tpu.memory_space<vmem>>, vector<16xi32>,
      %gather3A_347 = tpu.vector_load_idx %arg26[%add3A_315, %get3A_346] : memref<4x8192xf32, #tpu.memory_space<vmem>>[vector<16xi32>, vector<16xi32>], vector<16xf32>,
      %swap3A_348 = arith.constant 1 : i32
      %swap3A_349 = arith.index_cast %swap3A_348 : i32 to index
      %swap3A_350 = arith.constant 112 : index
      %swap3A_351 = tpu.vector_load %arg25[%swap3A_349, %swap3A_350] {strides = array<i32>} : memref<2x128xf32, #tpu.memory_space<vmem>>, vector<16xf32>,
      tpu.vector_store %arg25[%swap3A_349, %swap3A_350], %gather3A_347 {strides = array<i32>} : memref<2x128xf32, #tpu.memory_space<vmem>>, vector<16xf32>,
      %mul3A_352 = arith.constant 2 : i32
      %mul3A_353 = arith.muli %mul3A_352, %add3A : i32
      "tpu.region"() ({
        %run_scoped3A = tpu.sem_alloc : memref<!tpu.dma_semaphore, #tpu.memory_space<semaphore_mem>>
        %dma_start3A_430 = arith.constant 0 : i32
        %dma_start3A_431 = tpu.memref_slice %arg10[%mul3A_353, %dma_start3A_430] : memref<32x128xf32, #tpu.memory_space<hbm>> -> memref<2x128xf32, #tpu.memory_space<hbm>>
        %dma_start3A_432 = arith.constant 0 : i32
        %dma_start3A_433 = tpu.memref_slice %arg10[%mul3A_353, %dma_start3A_432] : memref<32x128xf32, #tpu.memory_space<hbm>> -> memref<2x128xf32, #tpu.memory_space<hbm>>
        tpu.enqueue_dma source(%arg25 : memref<2x128xf32, #tpu.memory_space<vmem>>) target(%dma_start3A_433 : memref<2x128xf32, #tpu.memory_space<hbm>>) target_semaphore(%run_scoped3A : memref<!tpu.dma_semaphore, #tpu.memory_space<semaphore_mem>>)
        %dma_wait3A_434 = arith.constant 0 : i32
        %dma_wait3A_435 = tpu.memref_slice %arg10[%mul3A_353, %dma_wait3A_434] : memref<32x128xf32, #tpu.memory_space<hbm>> -> memref<2x128xf32, #tpu.memory_space<hbm>>
        %dma_wait3A_436 = arith.constant 0 : i32
        %dma_wait3A_437 = tpu.memref_slice %arg10[%mul3A_353, %dma_wait3A_436] : memref<32x128xf32, #tpu.memory_space<hbm>> -> memref<2x128xf32, #tpu.memory_space<hbm>>
        tpu.wait_dma2 semaphore(%run_scoped3A : memref<!tpu.dma_semaphore, #tpu.memory_space<semaphore_mem>>) src(%arg25 : memref<2x128xf32, #tpu.memory_space<vmem>>) dst(%dma_wait3A_437 : memref<2x128xf32, #tpu.memory_space<hbm>>)
        tpu.yield
      }) : () -> ()
      %dma_start3A_354 = arith.constant 1 : i32
      %dma_start3A_355 = arith.constant 128 : i32
      %dma_start3A_356 = arith.constant 0 : i32
      %dma_start3A_357 = tpu.memref_slice %arg28[%dma_start3A_355, %dma_start3A_356] : memref<256x128xf32, #tpu.memory_space<vmem>> -> memref<128x128xf32, #tpu.memory_space<vmem>>
      %dma_start3A_358 = arith.constant 0 : i32
      %dma_start3A_359 = tpu.memref_slice %arg24[%dma_start3A_354, %dma_start3A_358] : memref<2x128xi32, #tpu.memory_space<vmem>> -> memref<1x128xi32, #tpu.memory_space<vmem>>
      %dma_start3A_360 = tpu.memref_squeeze %dma_start3A_359 : memref<1x128xi32, #tpu.memory_space<vmem>> -> memref<128xi32, #tpu.memory_space<vmem>>
      %dma_start3A_361 = arith.constant 0 : i32
      %dma_start3A_362 = arith.constant 0 : i32
      %dma_start3A_363 = tpu.memref_slice %arg2[%dma_start3A_361, %dma_start3A_362] : memref<8192x128xf32, #tpu.memory_space<hbm>> -> memref<8192x128xf32, #tpu.memory_space<hbm>>
      tpu.enqueue_indirect_dma source(%dma_start3A_363 : memref<8192x128xf32, #tpu.memory_space<hbm>>) target(%dma_start3A_357 : memref<128x128xf32, #tpu.memory_space<vmem>>) offsets(%dma_start3A_360 : memref<128xi32, #tpu.memory_space<vmem>>) semaphore(%arg35 : memref<!tpu.dma_semaphore, #tpu.memory_space<semaphore_mem>>)
      %dma_wait3A_364 = arith.constant 0 : i32
      %dma_wait3A_365 = arith.constant 0 : i32
      %dma_wait3A_366 = arith.constant 0 : i32
      %dma_wait3A_367 = tpu.memref_slice %arg28[%dma_wait3A_365, %dma_wait3A_366] : memref<256x128xf32, #tpu.memory_space<vmem>> -> memref<128x128xf32, #tpu.memory_space<vmem>>
      %dma_wait3A_368 = arith.constant 0 : i32
      %dma_wait3A_369 = tpu.memref_slice %arg24[%dma_wait3A_364, %dma_wait3A_368] : memref<2x128xi32, #tpu.memory_space<vmem>> -> memref<1x128xi32, #tpu.memory_space<vmem>>
      %dma_wait3A_370 = tpu.memref_squeeze %dma_wait3A_369 : memref<1x128xi32, #tpu.memory_space<vmem>> -> memref<128xi32, #tpu.memory_space<vmem>>
      %dma_wait3A_371 = arith.constant 0 : i32
      %dma_wait3A_372 = arith.constant 0 : i32
      %dma_wait3A_373 = tpu.memref_slice %arg2[%dma_wait3A_371, %dma_wait3A_372] : memref<8192x128xf32, #tpu.memory_space<hbm>> -> memref<8192x128xf32, #tpu.memory_space<hbm>>
      tpu.wait_indirect_dma semaphore(%arg34 : memref<!tpu.dma_semaphore, #tpu.memory_space<semaphore_mem>>) src(%dma_wait3A_373 : memref<8192x128xf32, #tpu.memory_space<hbm>>) dst(%dma_wait3A_367 : memref<128x128xf32, #tpu.memory_space<vmem>>)
      %mul3A_374 = arith.constant 256 : i32
      %mul3A_375 = arith.muli %mul3A_374, %add3A : i32
      %dma_start3A_376 = arith.constant 0 : i32
      %dma_start3A_377 = arith.constant 0 : i32
      %dma_start3A_378 = tpu.memref_slice %arg28[%dma_start3A_376, %dma_start3A_377] : memref<256x128xf32, #tpu.memory_space<vmem>> -> memref<128x128xf32, #tpu.memory_space<vmem>>
      %dma_start3A_379 = arith.constant 0 : i32
      %dma_start3A_380 = tpu.memref_slice %arg9[%mul3A_375, %dma_start3A_379] : memref<4096x128xf32, #tpu.memory_space<hbm>> -> memref<128x128xf32, #tpu.memory_space<hbm>>
      %dma_start3A_381 = arith.constant 0 : i32
      %dma_start3A_382 = tpu.memref_slice %arg9[%mul3A_375, %dma_start3A_381] : memref<4096x128xf32, #tpu.memory_space<hbm>> -> memref<128x128xf32, #tpu.memory_space<hbm>>
      %dma_start3A_383 = arith.constant 0 : i32
      %dma_start3A_384 = arith.constant 0 : i32
      %dma_start3A_385 = tpu.memref_slice %arg28[%dma_start3A_383, %dma_start3A_384] : memref<256x128xf32, #tpu.memory_space<vmem>> -> memref<128x128xf32, #tpu.memory_space<vmem>>
      tpu.enqueue_dma source(%dma_start3A_385 : memref<128x128xf32, #tpu.memory_space<vmem>>) target(%dma_start3A_382 : memref<128x128xf32, #tpu.memory_space<hbm>>) target_semaphore(%arg34 : memref<!tpu.dma_semaphore, #tpu.memory_space<semaphore_mem>>)
      %dma_wait3A_386 = arith.constant 1 : i32
      %dma_wait3A_387 = arith.constant 128 : i32
      %dma_wait3A_388 = arith.constant 0 : i32
      %dma_wait3A_389 = tpu.memref_slice %arg28[%dma_wait3A_387, %dma_wait3A_388] : memref<256x128xf32, #tpu.memory_space<vmem>> -> memref<128x128xf32, #tpu.memory_space<vmem>>
      %dma_wait3A_390 = arith.constant 0 : i32
      %dma_wait3A_391 = tpu.memref_slice %arg24[%dma_wait3A_386, %dma_wait3A_390] : memref<2x128xi32, #tpu.memory_space<vmem>> -> memref<1x128xi32, #tpu.memory_space<vmem>>
      %dma_wait3A_392 = tpu.memref_squeeze %dma_wait3A_391 : memref<1x128xi32, #tpu.memory_space<vmem>> -> memref<128xi32, #tpu.memory_space<vmem>>
      %dma_wait3A_393 = arith.constant 0 : i32
      %dma_wait3A_394 = arith.constant 0 : i32
      %dma_wait3A_395 = tpu.memref_slice %arg2[%dma_wait3A_393, %dma_wait3A_394] : memref<8192x128xf32, #tpu.memory_space<hbm>> -> memref<8192x128xf32, #tpu.memory_space<hbm>>
      tpu.wait_indirect_dma semaphore(%arg35 : memref<!tpu.dma_semaphore, #tpu.memory_space<semaphore_mem>>) src(%dma_wait3A_395 : memref<8192x128xf32, #tpu.memory_space<hbm>>) dst(%dma_wait3A_389 : memref<128x128xf32, #tpu.memory_space<vmem>>)
      %mul3A_396 = arith.constant 256 : i32
      %mul3A_397 = arith.muli %mul3A_396, %add3A : i32
      %add3A_398 = arith.constant 128 : i32
      %add3A_399 = arith.addi %mul3A_397, %add3A_398 : i32
      %dma_start3A_400 = arith.constant 128 : i32
      %dma_start3A_401 = arith.constant 0 : i32
      %dma_start3A_402 = tpu.memref_slice %arg28[%dma_start3A_400, %dma_start3A_401] : memref<256x128xf32, #tpu.memory_space<vmem>> -> memref<128x128xf32, #tpu.memory_space<vmem>>
      %dma_start3A_403 = arith.constant 0 : i32
      %dma_start3A_404 = tpu.memref_slice %arg9[%add3A_399, %dma_start3A_403] : memref<4096x128xf32, #tpu.memory_space<hbm>> -> memref<128x128xf32, #tpu.memory_space<hbm>>
      %dma_start3A_405 = arith.constant 0 : i32
      %dma_start3A_406 = tpu.memref_slice %arg9[%add3A_399, %dma_start3A_405] : memref<4096x128xf32, #tpu.memory_space<hbm>> -> memref<128x128xf32, #tpu.memory_space<hbm>>
      %dma_start3A_407 = arith.constant 128 : i32
      %dma_start3A_408 = arith.constant 0 : i32
      %dma_start3A_409 = tpu.memref_slice %arg28[%dma_start3A_407, %dma_start3A_408] : memref<256x128xf32, #tpu.memory_space<vmem>> -> memref<128x128xf32, #tpu.memory_space<vmem>>
      tpu.enqueue_dma source(%dma_start3A_409 : memref<128x128xf32, #tpu.memory_space<vmem>>) target(%dma_start3A_406 : memref<128x128xf32, #tpu.memory_space<hbm>>) target_semaphore(%arg35 : memref<!tpu.dma_semaphore, #tpu.memory_space<semaphore_mem>>)
      %dma_wait3A_410 = arith.constant 0 : i32
      %dma_wait3A_411 = arith.constant 0 : i32
      %dma_wait3A_412 = tpu.memref_slice %arg28[%dma_wait3A_410, %dma_wait3A_411] : memref<256x128xf32, #tpu.memory_space<vmem>> -> memref<128x128xf32, #tpu.memory_space<vmem>>
      %dma_wait3A_413 = arith.constant 0 : i32
      %dma_wait3A_414 = tpu.memref_slice %arg9[%mul3A_375, %dma_wait3A_413] : memref<4096x128xf32, #tpu.memory_space<hbm>> -> memref<128x128xf32, #tpu.memory_space<hbm>>
      %dma_wait3A_415 = arith.constant 0 : i32
      %dma_wait3A_416 = tpu.memref_slice %arg9[%mul3A_375, %dma_wait3A_415] : memref<4096x128xf32, #tpu.memory_space<hbm>> -> memref<128x128xf32, #tpu.memory_space<hbm>>
      %dma_wait3A_417 = arith.constant 0 : i32
      %dma_wait3A_418 = arith.constant 0 : i32
      %dma_wait3A_419 = tpu.memref_slice %arg28[%dma_wait3A_417, %dma_wait3A_418] : memref<256x128xf32, #tpu.memory_space<vmem>> -> memref<128x128xf32, #tpu.memory_space<vmem>>
      tpu.wait_dma2 semaphore(%arg34 : memref<!tpu.dma_semaphore, #tpu.memory_space<semaphore_mem>>) src(%dma_wait3A_419 : memref<128x128xf32, #tpu.memory_space<vmem>>) dst(%dma_wait3A_416 : memref<128x128xf32, #tpu.memory_space<hbm>>)
      %dma_wait3A_420 = arith.constant 128 : i32
      %dma_wait3A_421 = arith.constant 0 : i32
      %dma_wait3A_422 = tpu.memref_slice %arg28[%dma_wait3A_420, %dma_wait3A_421] : memref<256x128xf32, #tpu.memory_space<vmem>> -> memref<128x128xf32, #tpu.memory_space<vmem>>
      %dma_wait3A_423 = arith.constant 0 : i32
      %dma_wait3A_424 = tpu.memref_slice %arg9[%add3A_399, %dma_wait3A_423] : memref<4096x128xf32, #tpu.memory_space<hbm>> -> memref<128x128xf32, #tpu.memory_space<hbm>>
      %dma_wait3A_425 = arith.constant 0 : i32
      %dma_wait3A_426 = tpu.memref_slice %arg9[%add3A_399, %dma_wait3A_425] : memref<4096x128xf32, #tpu.memory_space<hbm>> -> memref<128x128xf32, #tpu.memory_space<hbm>>
      %dma_wait3A_427 = arith.constant 128 : i32
      %dma_wait3A_428 = arith.constant 0 : i32
      %dma_wait3A_429 = tpu.memref_slice %arg28[%dma_wait3A_427, %dma_wait3A_428] : memref<256x128xf32, #tpu.memory_space<vmem>> -> memref<128x128xf32, #tpu.memory_space<vmem>>
      tpu.wait_dma2 semaphore(%arg35 : memref<!tpu.dma_semaphore, #tpu.memory_space<semaphore_mem>>) src(%dma_wait3A_429 : memref<128x128xf32, #tpu.memory_space<vmem>>) dst(%dma_wait3A_426 : memref<128x128xf32, #tpu.memory_space<hbm>>)
    } else {
    }
    %eq3A = arith.constant 16 : i32
    %eq3A_7 = arith.cmpi eq, %add3A, %eq3A : i32
    %convert_element_type3A_8 = arith.extui %eq3A_7 : i1 to i32
    %cond3A_9 = arith.constant 0 : i32
    %cond3A_10 = arith.cmpi ne, %convert_element_type3A_8, %cond3A_9 : i32
    scf.if %cond3A_10 {
      "tpu.region"() ({
        %run_scoped3A = tpu.sem_alloc : memref<!tpu.dma_semaphore, #tpu.memory_space<semaphore_mem>>
        tpu.enqueue_dma source(%arg8 : memref<16xi32, #tpu.memory_space<hbm>>) target(%arg21 : memref<16xi32, #tpu.memory_space<vmem>>) target_semaphore(%run_scoped3A : memref<!tpu.dma_semaphore, #tpu.memory_space<semaphore_mem>>)
        tpu.wait_dma2 semaphore(%run_scoped3A : memref<!tpu.dma_semaphore, #tpu.memory_space<semaphore_mem>>) src(%arg8 : memref<16xi32, #tpu.memory_space<hbm>>) dst(%arg21 : memref<16xi32, #tpu.memory_space<vmem>>)
        tpu.yield
      }) : () -> ()
      %get3A = arith.constant 0 : index
      %get3A_31 = tpu.vector_load %arg21[%get3A] {strides = array<i32>} : memref<16xi32, #tpu.memory_space<vmem>>, vector<16xi32>,
      %dma_start3A = arith.constant 0 : i32
      %dma_start3A_32 = tpu.memref_slice %arg21[%dma_start3A] : memref<16xi32, #tpu.memory_space<vmem>> -> memref<1xi32, #tpu.memory_space<vmem>>
      %dma_start3A_33 = arith.constant 0 : i32
      %dma_start3A_34 = arith.constant 0 : i32
      %dma_start3A_35 = tpu.memref_slice %arg3[%dma_start3A_33, %dma_start3A_34] : memref<8192x8192xf32, #tpu.memory_space<hbm>> -> memref<8192x8192xf32, #tpu.memory_space<hbm>>
      tpu.enqueue_indirect_dma source(%dma_start3A_35 : memref<8192x8192xf32, #tpu.memory_space<hbm>>) target(%arg27 : memref<1x8192xf32, #tpu.memory_space<vmem>>) offsets(%dma_start3A_32 : memref<1xi32, #tpu.memory_space<vmem>>) semaphore(%arg35 : memref<!tpu.dma_semaphore, #tpu.memory_space<semaphore_mem>>)
      %dma_start3A_36 = arith.constant 0 : i32
      %dma_start3A_37 = arith.constant 0 : i32
      %dma_start3A_38 = tpu.memref_slice %arg18[%dma_start3A_36, %dma_start3A_37] : memref<8192x64xi32, #tpu.memory_space<vmem_shared>> -> memref<8192x64xi32, #tpu.memory_space<vmem_shared>>
      tpu.enqueue_indirect_dma source(%dma_start3A_38 : memref<8192x64xi32, #tpu.memory_space<vmem_shared>>) target(%arg23 : memref<16x64xi32, #tpu.memory_space<vmem>>) offsets(%get3A_31 : vector<16xi32>) semaphore(%arg34 : memref<!tpu.dma_semaphore, #tpu.memory_space<semaphore_mem>>)
      %dma_wait3A = arith.constant 0 : i32
      %dma_wait3A_39 = arith.constant 0 : i32
      %dma_wait3A_40 = tpu.memref_slice %arg18[%dma_wait3A, %dma_wait3A_39] : memref<8192x64xi32, #tpu.memory_space<vmem_shared>> -> memref<8192x64xi32, #tpu.memory_space<vmem_shared>>
      tpu.wait_indirect_dma semaphore(%arg34 : memref<!tpu.dma_semaphore, #tpu.memory_space<semaphore_mem>>) src(%dma_wait3A_40 : memref<8192x64xi32, #tpu.memory_space<vmem_shared>>) dst(%arg23 : memref<16x64xi32, #tpu.memory_space<vmem>>)
      %get3A_41 = arith.constant 0 : i32
      %get3A_42 = arith.index_cast %get3A_41 : i32 to index
      %get3A_43 = arith.constant 0 : index
      %get3A_44 = tpu.vector_load %arg23[%get3A_42, %get3A_43] {strides = array<i32>} : memref<16x64xi32, #tpu.memory_space<vmem>>, vector<16xi32>,
      %swap3A = arith.constant 0 : index
      %swap3A_45 = tpu.vector_load %arg30[%swap3A] {strides = array<i32>} : memref<64xi32, #tpu.memory_space<vmem>>, vector<16xi32>,
      tpu.vector_store %arg30[%swap3A], %get3A_44 {strides = array<i32>} : memref<64xi32, #tpu.memory_space<vmem>>, vector<16xi32>,
      %get3A_46 = arith.constant 0 : i32
      %get3A_47 = arith.index_cast %get3A_46 : i32 to index
      %get3A_48 = arith.constant 16 : index
      %get3A_49 = tpu.vector_load %arg23[%get3A_47, %get3A_48] {strides = array<i32>} : memref<16x64xi32, #tpu.memory_space<vmem>>, vector<16xi32>,
      %swap3A_50 = arith.constant 16 : index
      %swap3A_51 = tpu.vector_load %arg30[%swap3A_50] {strides = array<i32>} : memref<64xi32, #tpu.memory_space<vmem>>, vector<16xi32>,
      tpu.vector_store %arg30[%swap3A_50], %get3A_49 {strides = array<i32>} : memref<64xi32, #tpu.memory_space<vmem>>, vector<16xi32>,
      %get3A_52 = arith.constant 0 : i32
      %get3A_53 = arith.index_cast %get3A_52 : i32 to index
      %get3A_54 = arith.constant 32 : index
      %get3A_55 = tpu.vector_load %arg23[%get3A_53, %get3A_54] {strides = array<i32>} : memref<16x64xi32, #tpu.memory_space<vmem>>, vector<16xi32>,
      %swap3A_56 = arith.constant 32 : index
      %swap3A_57 = tpu.vector_load %arg30[%swap3A_56] {strides = array<i32>} : memref<64xi32, #tpu.memory_space<vmem>>, vector<16xi32>,
      tpu.vector_store %arg30[%swap3A_56], %get3A_55 {strides = array<i32>} : memref<64xi32, #tpu.memory_space<vmem>>, vector<16xi32>,
      %get3A_58 = arith.constant 0 : i32
      %get3A_59 = arith.index_cast %get3A_58 : i32 to index
      %get3A_60 = arith.constant 48 : index
      %get3A_61 = tpu.vector_load %arg23[%get3A_59, %get3A_60] {strides = array<i32>} : memref<16x64xi32, #tpu.memory_space<vmem>>, vector<16xi32>,
      %swap3A_62 = arith.constant 48 : index
      %swap3A_63 = tpu.vector_load %arg30[%swap3A_62] {strides = array<i32>} : memref<64xi32, #tpu.memory_space<vmem>>, vector<16xi32>,
      tpu.vector_store %arg30[%swap3A_62], %get3A_61 {strides = array<i32>} : memref<64xi32, #tpu.memory_space<vmem>>, vector<16xi32>,
      %dma_start3A_64 = arith.constant 0 : i32
      %dma_start3A_65 = arith.constant 0 : i32
      %dma_start3A_66 = tpu.memref_slice %arg28[%dma_start3A_64, %dma_start3A_65] : memref<256x128xf32, #tpu.memory_space<vmem>> -> memref<64x128xf32, #tpu.memory_space<vmem>>
      %dma_start3A_67 = arith.constant 0 : i32
      %dma_start3A_68 = arith.constant 0 : i32
      %dma_start3A_69 = tpu.memref_slice %arg2[%dma_start3A_67, %dma_start3A_68] : memref<8192x128xf32, #tpu.memory_space<hbm>> -> memref<8192x128xf32, #tpu.memory_space<hbm>>
      tpu.enqueue_indirect_dma source(%dma_start3A_69 : memref<8192x128xf32, #tpu.memory_space<hbm>>) target(%dma_start3A_66 : memref<64x128xf32, #tpu.memory_space<vmem>>) offsets(%arg30 : memref<64xi32, #tpu.memory_space<vmem>>) semaphore(%arg34 : memref<!tpu.dma_semaphore, #tpu.memory_space<semaphore_mem>>)
      %dma_wait3A_70 = arith.constant 0 : i32
      %dma_wait3A_71 = tpu.memref_slice %arg21[%dma_wait3A_70] : memref<16xi32, #tpu.memory_space<vmem>> -> memref<1xi32, #tpu.memory_space<vmem>>
      %dma_wait3A_72 = arith.constant 0 : i32
      %dma_wait3A_73 = arith.constant 0 : i32
      %dma_wait3A_74 = tpu.memref_slice %arg3[%dma_wait3A_72, %dma_wait3A_73] : memref<8192x8192xf32, #tpu.memory_space<hbm>> -> memref<8192x8192xf32, #tpu.memory_space<hbm>>
      tpu.wait_indirect_dma semaphore(%arg35 : memref<!tpu.dma_semaphore, #tpu.memory_space<semaphore_mem>>) src(%dma_wait3A_74 : memref<8192x8192xf32, #tpu.memory_space<hbm>>) dst(%arg27 : memref<1x8192xf32, #tpu.memory_space<vmem>>)
      %broadcast_in_dim3A = arith.constant 0 : i32
      %broadcast_in_dim3A_75 = vector.broadcast %broadcast_in_dim3A : i32 to vector<16xi32>
      %get3A_76 = arith.constant 0 : index
      %get3A_77 = tpu.vector_load %arg30[%get3A_76] {strides = array<i32>} : memref<64xi32, #tpu.memory_space<vmem>>, vector<16xi32>,
      %gather3A = tpu.vector_load_idx %arg27[%broadcast_in_dim3A_75, %get3A_77] : memref<1x8192xf32, #tpu.memory_space<vmem>>[vector<16xi32>, vector<16xi32>], vector<16xf32>,
      %swap3A_78 = arith.constant 0 : index
      %swap3A_79 = tpu.vector_load %arg31[%swap3A_78] {strides = array<i32>} : memref<64xf32, #tpu.memory_space<vmem>>, vector<16xf32>,
      tpu.vector_store %arg31[%swap3A_78], %gather3A {strides = array<i32>} : memref<64xf32, #tpu.memory_space<vmem>>, vector<16xf32>,
      %get3A_80 = arith.constant 16 : index
      %get3A_81 = tpu.vector_load %arg30[%get3A_80] {strides = array<i32>} : memref<64xi32, #tpu.memory_space<vmem>>, vector<16xi32>,
      %gather3A_82 = tpu.vector_load_idx %arg27[%broadcast_in_dim3A_75, %get3A_81] : memref<1x8192xf32, #tpu.memory_space<vmem>>[vector<16xi32>, vector<16xi32>], vector<16xf32>,
      %swap3A_83 = arith.constant 16 : index
      %swap3A_84 = tpu.vector_load %arg31[%swap3A_83] {strides = array<i32>} : memref<64xf32, #tpu.memory_space<vmem>>, vector<16xf32>,
      tpu.vector_store %arg31[%swap3A_83], %gather3A_82 {strides = array<i32>} : memref<64xf32, #tpu.memory_space<vmem>>, vector<16xf32>,
      %get3A_85 = arith.constant 32 : index
      %get3A_86 = tpu.vector_load %arg30[%get3A_85] {strides = array<i32>} : memref<64xi32, #tpu.memory_space<vmem>>, vector<16xi32>,
      %gather3A_87 = tpu.vector_load_idx %arg27[%broadcast_in_dim3A_75, %get3A_86] : memref<1x8192xf32, #tpu.memory_space<vmem>>[vector<16xi32>, vector<16xi32>], vector<16xf32>,
      %swap3A_88 = arith.constant 32 : index
      %swap3A_89 = tpu.vector_load %arg31[%swap3A_88] {strides = array<i32>} : memref<64xf32, #tpu.memory_space<vmem>>, vector<16xf32>,
      tpu.vector_store %arg31[%swap3A_88], %gather3A_87 {strides = array<i32>} : memref<64xf32, #tpu.memory_space<vmem>>, vector<16xf32>,
      %get3A_90 = arith.constant 48 : index
      %get3A_91 = tpu.vector_load %arg30[%get3A_90] {strides = array<i32>} : memref<64xi32, #tpu.memory_space<vmem>>, vector<16xi32>,
      %gather3A_92 = tpu.vector_load_idx %arg27[%broadcast_in_dim3A_75, %get3A_91] : memref<1x8192xf32, #tpu.memory_space<vmem>>[vector<16xi32>, vector<16xi32>], vector<16xf32>,
      %swap3A_93 = arith.constant 48 : index
      %swap3A_94 = tpu.vector_load %arg31[%swap3A_93] {strides = array<i32>} : memref<64xf32, #tpu.memory_space<vmem>>, vector<16xf32>,
      tpu.vector_store %arg31[%swap3A_93], %gather3A_92 {strides = array<i32>} : memref<64xf32, #tpu.memory_space<vmem>>, vector<16xf32>,
      "tpu.region"() ({
        %run_scoped3A = tpu.sem_alloc : memref<!tpu.dma_semaphore, #tpu.memory_space<semaphore_mem>>
        tpu.enqueue_dma source(%arg31 : memref<64xf32, #tpu.memory_space<vmem>>) target(%arg15 : memref<64xf32, #tpu.memory_space<hbm>>) target_semaphore(%run_scoped3A : memref<!tpu.dma_semaphore, #tpu.memory_space<semaphore_mem>>)
        tpu.wait_dma2 semaphore(%run_scoped3A : memref<!tpu.dma_semaphore, #tpu.memory_space<semaphore_mem>>) src(%arg31 : memref<64xf32, #tpu.memory_space<vmem>>) dst(%arg15 : memref<64xf32, #tpu.memory_space<hbm>>)
        tpu.yield
      }) : () -> ()
      %dma_wait3A_95 = arith.constant 0 : i32
      %dma_wait3A_96 = arith.constant 0 : i32
      %dma_wait3A_97 = tpu.memref_slice %arg28[%dma_wait3A_95, %dma_wait3A_96] : memref<256x128xf32, #tpu.memory_space<vmem>> -> memref<64x128xf32, #tpu.memory_space<vmem>>
      %dma_wait3A_98 = arith.constant 0 : i32
      %dma_wait3A_99 = arith.constant 0 : i32
      %dma_wait3A_100 = tpu.memref_slice %arg2[%dma_wait3A_98, %dma_wait3A_99] : memref<8192x128xf32, #tpu.memory_space<hbm>> -> memref<8192x128xf32, #tpu.memory_space<hbm>>
      tpu.wait_indirect_dma semaphore(%arg34 : memref<!tpu.dma_semaphore, #tpu.memory_space<semaphore_mem>>) src(%dma_wait3A_100 : memref<8192x128xf32, #tpu.memory_space<hbm>>) dst(%dma_wait3A_97 : memref<64x128xf32, #tpu.memory_space<vmem>>)
      "tpu.region"() ({
        %run_scoped3A = tpu.sem_alloc : memref<!tpu.dma_semaphore, #tpu.memory_space<semaphore_mem>>
        %dma_start3A_101 = arith.constant 0 : i32
        %dma_start3A_102 = arith.constant 0 : i32
        %dma_start3A_103 = tpu.memref_slice %arg28[%dma_start3A_101, %dma_start3A_102] : memref<256x128xf32, #tpu.memory_space<vmem>> -> memref<64x128xf32, #tpu.memory_space<vmem>>
        %dma_start3A_104 = arith.constant 0 : i32
        %dma_start3A_105 = arith.constant 0 : i32
        %dma_start3A_106 = tpu.memref_slice %arg28[%dma_start3A_104, %dma_start3A_105] : memref<256x128xf32, #tpu.memory_space<vmem>> -> memref<64x128xf32, #tpu.memory_space<vmem>>
        tpu.enqueue_dma source(%dma_start3A_106 : memref<64x128xf32, #tpu.memory_space<vmem>>) target(%arg12 : memref<64x128xf32, #tpu.memory_space<hbm>>) target_semaphore(%run_scoped3A : memref<!tpu.dma_semaphore, #tpu.memory_space<semaphore_mem>>)
        %dma_wait3A_107 = arith.constant 0 : i32
        %dma_wait3A_108 = arith.constant 0 : i32
        %dma_wait3A_109 = tpu.memref_slice %arg28[%dma_wait3A_107, %dma_wait3A_108] : memref<256x128xf32, #tpu.memory_space<vmem>> -> memref<64x128xf32, #tpu.memory_space<vmem>>
        %dma_wait3A_110 = arith.constant 0 : i32
        %dma_wait3A_111 = arith.constant 0 : i32
        %dma_wait3A_112 = tpu.memref_slice %arg28[%dma_wait3A_110, %dma_wait3A_111] : memref<256x128xf32, #tpu.memory_space<vmem>> -> memref<64x128xf32, #tpu.memory_space<vmem>>
        tpu.wait_dma2 semaphore(%run_scoped3A : memref<!tpu.dma_semaphore, #tpu.memory_space<semaphore_mem>>) src(%dma_wait3A_112 : memref<64x128xf32, #tpu.memory_space<vmem>>) dst(%arg12 : memref<64x128xf32, #tpu.memory_space<hbm>>)
        tpu.yield
      }) : () -> ()
    } else {
    }
    %eq3A_11 = arith.constant 17 : i32
    %eq3A_12 = arith.cmpi eq, %add3A, %eq3A_11 : i32
    %convert_element_type3A_13 = arith.extui %eq3A_12 : i1 to i32
    %cond3A_14 = arith.constant 0 : i32
    %cond3A_15 = arith.cmpi ne, %convert_element_type3A_13, %cond3A_14 : i32
    scf.if %cond3A_15 {
      "tpu.region"() ({
        %run_scoped3A = tpu.sem_alloc : memref<!tpu.dma_semaphore, #tpu.memory_space<semaphore_mem>>
        tpu.enqueue_dma source(%arg6 : memref<64xi32, #tpu.memory_space<hbm>>) target(%arg19 : memref<64xi32, #tpu.memory_space<vmem>>) target_semaphore(%run_scoped3A : memref<!tpu.dma_semaphore, #tpu.memory_space<semaphore_mem>>)
        tpu.wait_dma2 semaphore(%run_scoped3A : memref<!tpu.dma_semaphore, #tpu.memory_space<semaphore_mem>>) src(%arg6 : memref<64xi32, #tpu.memory_space<hbm>>) dst(%arg19 : memref<64xi32, #tpu.memory_space<vmem>>)
        tpu.yield
      }) : () -> ()
      %dma_start3A = arith.constant 0 : i32
      %dma_start3A_31 = arith.constant 0 : i32
      %dma_start3A_32 = tpu.memref_slice %arg28[%dma_start3A, %dma_start3A_31] : memref<256x128xf32, #tpu.memory_space<vmem>> -> memref<64x128xf32, #tpu.memory_space<vmem>>
      %dma_start3A_33 = arith.constant 0 : i32
      %dma_start3A_34 = arith.constant 0 : i32
      %dma_start3A_35 = tpu.memref_slice %arg2[%dma_start3A_33, %dma_start3A_34] : memref<8192x128xf32, #tpu.memory_space<hbm>> -> memref<8192x128xf32, #tpu.memory_space<hbm>>
      tpu.enqueue_indirect_dma source(%dma_start3A_35 : memref<8192x128xf32, #tpu.memory_space<hbm>>) target(%dma_start3A_32 : memref<64x128xf32, #tpu.memory_space<vmem>>) offsets(%arg19 : memref<64xi32, #tpu.memory_space<vmem>>) semaphore(%arg34 : memref<!tpu.dma_semaphore, #tpu.memory_space<semaphore_mem>>)
      %dma_wait3A = arith.constant 0 : i32
      %dma_wait3A_36 = arith.constant 0 : i32
      %dma_wait3A_37 = tpu.memref_slice %arg28[%dma_wait3A, %dma_wait3A_36] : memref<256x128xf32, #tpu.memory_space<vmem>> -> memref<64x128xf32, #tpu.memory_space<vmem>>
      %dma_wait3A_38 = arith.constant 0 : i32
      %dma_wait3A_39 = arith.constant 0 : i32
      %dma_wait3A_40 = tpu.memref_slice %arg2[%dma_wait3A_38, %dma_wait3A_39] : memref<8192x128xf32, #tpu.memory_space<hbm>> -> memref<8192x128xf32, #tpu.memory_space<hbm>>
      tpu.wait_indirect_dma semaphore(%arg34 : memref<!tpu.dma_semaphore, #tpu.memory_space<semaphore_mem>>) src(%dma_wait3A_40 : memref<8192x128xf32, #tpu.memory_space<hbm>>) dst(%dma_wait3A_37 : memref<64x128xf32, #tpu.memory_space<vmem>>)
      "tpu.region"() ({
        %run_scoped3A = tpu.sem_alloc : memref<!tpu.dma_semaphore, #tpu.memory_space<semaphore_mem>>
        %dma_start3A_41 = arith.constant 0 : i32
        %dma_start3A_42 = arith.constant 0 : i32
        %dma_start3A_43 = tpu.memref_slice %arg28[%dma_start3A_41, %dma_start3A_42] : memref<256x128xf32, #tpu.memory_space<vmem>> -> memref<64x128xf32, #tpu.memory_space<vmem>>
        %dma_start3A_44 = arith.constant 0 : i32
        %dma_start3A_45 = arith.constant 0 : i32
        %dma_start3A_46 = tpu.memref_slice %arg28[%dma_start3A_44, %dma_start3A_45] : memref<256x128xf32, #tpu.memory_space<vmem>> -> memref<64x128xf32, #tpu.memory_space<vmem>>
        tpu.enqueue_dma source(%dma_start3A_46 : memref<64x128xf32, #tpu.memory_space<vmem>>) target(%arg13 : memref<64x128xf32, #tpu.memory_space<hbm>>) target_semaphore(%run_scoped3A : memref<!tpu.dma_semaphore, #tpu.memory_space<semaphore_mem>>)
        %dma_wait3A_47 = arith.constant 0 : i32
        %dma_wait3A_48 = arith.constant 0 : i32
        %dma_wait3A_49 = tpu.memref_slice %arg28[%dma_wait3A_47, %dma_wait3A_48] : memref<256x128xf32, #tpu.memory_space<vmem>> -> memref<64x128xf32, #tpu.memory_space<vmem>>
        %dma_wait3A_50 = arith.constant 0 : i32
        %dma_wait3A_51 = arith.constant 0 : i32
        %dma_wait3A_52 = tpu.memref_slice %arg28[%dma_wait3A_50, %dma_wait3A_51] : memref<256x128xf32, #tpu.memory_space<vmem>> -> memref<64x128xf32, #tpu.memory_space<vmem>>
        tpu.wait_dma2 semaphore(%run_scoped3A : memref<!tpu.dma_semaphore, #tpu.memory_space<semaphore_mem>>) src(%dma_wait3A_52 : memref<64x128xf32, #tpu.memory_space<vmem>>) dst(%arg13 : memref<64x128xf32, #tpu.memory_space<hbm>>)
        tpu.yield
      }) : () -> ()
    } else {
    }
    %eq3A_16 = arith.constant 18 : i32
    %eq3A_17 = arith.cmpi eq, %add3A, %eq3A_16 : i32
    %convert_element_type3A_18 = arith.extui %eq3A_17 : i1 to i32
    %cond3A_19 = arith.constant 0 : i32
    %cond3A_20 = arith.cmpi ne, %convert_element_type3A_18, %cond3A_19 : i32
    scf.if %cond3A_20 {
      "tpu.region"() ({
        %run_scoped3A = tpu.sem_alloc : memref<!tpu.dma_semaphore, #tpu.memory_space<semaphore_mem>>
        tpu.enqueue_dma source(%arg7 : memref<64xi32, #tpu.memory_space<hbm>>) target(%arg20 : memref<64xi32, #tpu.memory_space<vmem>>) target_semaphore(%run_scoped3A : memref<!tpu.dma_semaphore, #tpu.memory_space<semaphore_mem>>)
        tpu.wait_dma2 semaphore(%run_scoped3A : memref<!tpu.dma_semaphore, #tpu.memory_space<semaphore_mem>>) src(%arg7 : memref<64xi32, #tpu.memory_space<hbm>>) dst(%arg20 : memref<64xi32, #tpu.memory_space<vmem>>)
        tpu.yield
      }) : () -> ()
      %dma_start3A = arith.constant 0 : i32
      %dma_start3A_31 = arith.constant 0 : i32
      %dma_start3A_32 = tpu.memref_slice %arg28[%dma_start3A, %dma_start3A_31] : memref<256x128xf32, #tpu.memory_space<vmem>> -> memref<64x128xf32, #tpu.memory_space<vmem>>
      %dma_start3A_33 = arith.constant 0 : i32
      %dma_start3A_34 = arith.constant 0 : i32
      %dma_start3A_35 = tpu.memref_slice %arg2[%dma_start3A_33, %dma_start3A_34] : memref<8192x128xf32, #tpu.memory_space<hbm>> -> memref<8192x128xf32, #tpu.memory_space<hbm>>
      tpu.enqueue_indirect_dma source(%dma_start3A_35 : memref<8192x128xf32, #tpu.memory_space<hbm>>) target(%dma_start3A_32 : memref<64x128xf32, #tpu.memory_space<vmem>>) offsets(%arg20 : memref<64xi32, #tpu.memory_space<vmem>>) semaphore(%arg34 : memref<!tpu.dma_semaphore, #tpu.memory_space<semaphore_mem>>)
      %dma_wait3A = arith.constant 0 : i32
      %dma_wait3A_36 = arith.constant 0 : i32
      %dma_wait3A_37 = tpu.memref_slice %arg28[%dma_wait3A, %dma_wait3A_36] : memref<256x128xf32, #tpu.memory_space<vmem>> -> memref<64x128xf32, #tpu.memory_space<vmem>>
      %dma_wait3A_38 = arith.constant 0 : i32
      %dma_wait3A_39 = arith.constant 0 : i32
      %dma_wait3A_40 = tpu.memref_slice %arg2[%dma_wait3A_38, %dma_wait3A_39] : memref<8192x128xf32, #tpu.memory_space<hbm>> -> memref<8192x128xf32, #tpu.memory_space<hbm>>
      tpu.wait_indirect_dma semaphore(%arg34 : memref<!tpu.dma_semaphore, #tpu.memory_space<semaphore_mem>>) src(%dma_wait3A_40 : memref<8192x128xf32, #tpu.memory_space<hbm>>) dst(%dma_wait3A_37 : memref<64x128xf32, #tpu.memory_space<vmem>>)
      "tpu.region"() ({
        %run_scoped3A = tpu.sem_alloc : memref<!tpu.dma_semaphore, #tpu.memory_space<semaphore_mem>>
        %dma_start3A_41 = arith.constant 0 : i32
        %dma_start3A_42 = arith.constant 0 : i32
        %dma_start3A_43 = tpu.memref_slice %arg28[%dma_start3A_41, %dma_start3A_42] : memref<256x128xf32, #tpu.memory_space<vmem>> -> memref<64x128xf32, #tpu.memory_space<vmem>>
        %dma_start3A_44 = arith.constant 0 : i32
        %dma_start3A_45 = arith.constant 0 : i32
        %dma_start3A_46 = tpu.memref_slice %arg28[%dma_start3A_44, %dma_start3A_45] : memref<256x128xf32, #tpu.memory_space<vmem>> -> memref<64x128xf32, #tpu.memory_space<vmem>>
        tpu.enqueue_dma source(%dma_start3A_46 : memref<64x128xf32, #tpu.memory_space<vmem>>) target(%arg14 : memref<64x128xf32, #tpu.memory_space<hbm>>) target_semaphore(%run_scoped3A : memref<!tpu.dma_semaphore, #tpu.memory_space<semaphore_mem>>)
        %dma_wait3A_47 = arith.constant 0 : i32
        %dma_wait3A_48 = arith.constant 0 : i32
        %dma_wait3A_49 = tpu.memref_slice %arg28[%dma_wait3A_47, %dma_wait3A_48] : memref<256x128xf32, #tpu.memory_space<vmem>> -> memref<64x128xf32, #tpu.memory_space<vmem>>
        %dma_wait3A_50 = arith.constant 0 : i32
        %dma_wait3A_51 = arith.constant 0 : i32
        %dma_wait3A_52 = tpu.memref_slice %arg28[%dma_wait3A_50, %dma_wait3A_51] : memref<256x128xf32, #tpu.memory_space<vmem>> -> memref<64x128xf32, #tpu.memory_space<vmem>>
        tpu.wait_dma2 semaphore(%run_scoped3A : memref<!tpu.dma_semaphore, #tpu.memory_space<semaphore_mem>>) src(%dma_wait3A_52 : memref<64x128xf32, #tpu.memory_space<vmem>>) dst(%arg14 : memref<64x128xf32, #tpu.memory_space<hbm>>)
        tpu.yield
      }) : () -> ()
    } else {
    }
    %eq3A_21 = arith.constant 19 : i32
    %eq3A_22 = arith.cmpi eq, %add3A, %eq3A_21 : i32
    %convert_element_type3A_23 = arith.extui %eq3A_22 : i1 to i32
    %cond3A_24 = arith.constant 0 : i32
    %cond3A_25 = arith.cmpi ne, %convert_element_type3A_23, %cond3A_24 : i32
    scf.if %cond3A_25 {
      "tpu.region"() ({
        %run_scoped3A = tpu.sem_alloc : memref<!tpu.dma_semaphore, #tpu.memory_space<semaphore_mem>>
        tpu.enqueue_dma source(%arg8 : memref<16xi32, #tpu.memory_space<hbm>>) target(%arg21 : memref<16xi32, #tpu.memory_space<vmem>>) target_semaphore(%run_scoped3A : memref<!tpu.dma_semaphore, #tpu.memory_space<semaphore_mem>>)
        tpu.wait_dma2 semaphore(%run_scoped3A : memref<!tpu.dma_semaphore, #tpu.memory_space<semaphore_mem>>) src(%arg8 : memref<16xi32, #tpu.memory_space<hbm>>) dst(%arg21 : memref<16xi32, #tpu.memory_space<vmem>>)
        tpu.yield
      }) : () -> ()
      %get3A = arith.constant 0 : index
      %get3A_31 = tpu.vector_load %arg21[%get3A] {strides = array<i32>} : memref<16xi32, #tpu.memory_space<vmem>>, vector<16xi32>,
      %dma_start3A = arith.constant 0 : i32
      %dma_start3A_32 = arith.constant 0 : i32
      %dma_start3A_33 = tpu.memref_slice %arg28[%dma_start3A, %dma_start3A_32] : memref<256x128xf32, #tpu.memory_space<vmem>> -> memref<16x128xf32, #tpu.memory_space<vmem>>
      %dma_start3A_34 = arith.constant 0 : i32
      %dma_start3A_35 = arith.constant 0 : i32
      %dma_start3A_36 = tpu.memref_slice %arg2[%dma_start3A_34, %dma_start3A_35] : memref<8192x128xf32, #tpu.memory_space<hbm>> -> memref<8192x128xf32, #tpu.memory_space<hbm>>
      tpu.enqueue_indirect_dma source(%dma_start3A_36 : memref<8192x128xf32, #tpu.memory_space<hbm>>) target(%dma_start3A_33 : memref<16x128xf32, #tpu.memory_space<vmem>>) offsets(%get3A_31 : vector<16xi32>) semaphore(%arg34 : memref<!tpu.dma_semaphore, #tpu.memory_space<semaphore_mem>>)
      %dma_wait3A = arith.constant 0 : i32
      %dma_wait3A_37 = arith.constant 0 : i32
      %dma_wait3A_38 = tpu.memref_slice %arg28[%dma_wait3A, %dma_wait3A_37] : memref<256x128xf32, #tpu.memory_space<vmem>> -> memref<16x128xf32, #tpu.memory_space<vmem>>
      %dma_wait3A_39 = arith.constant 0 : i32
      %dma_wait3A_40 = arith.constant 0 : i32
      %dma_wait3A_41 = tpu.memref_slice %arg2[%dma_wait3A_39, %dma_wait3A_40] : memref<8192x128xf32, #tpu.memory_space<hbm>> -> memref<8192x128xf32, #tpu.memory_space<hbm>>
      tpu.wait_indirect_dma semaphore(%arg34 : memref<!tpu.dma_semaphore, #tpu.memory_space<semaphore_mem>>) src(%dma_wait3A_41 : memref<8192x128xf32, #tpu.memory_space<hbm>>) dst(%dma_wait3A_38 : memref<16x128xf32, #tpu.memory_space<vmem>>)
      "tpu.region"() ({
        %run_scoped3A = tpu.sem_alloc : memref<!tpu.dma_semaphore, #tpu.memory_space<semaphore_mem>>
        %dma_start3A_42 = arith.constant 0 : i32
        %dma_start3A_43 = arith.constant 0 : i32
        %dma_start3A_44 = tpu.memref_slice %arg28[%dma_start3A_42, %dma_start3A_43] : memref<256x128xf32, #tpu.memory_space<vmem>> -> memref<16x128xf32, #tpu.memory_space<vmem>>
        %dma_start3A_45 = arith.constant 0 : i32
        %dma_start3A_46 = arith.constant 0 : i32
        %dma_start3A_47 = tpu.memref_slice %arg28[%dma_start3A_45, %dma_start3A_46] : memref<256x128xf32, #tpu.memory_space<vmem>> -> memref<16x128xf32, #tpu.memory_space<vmem>>
        tpu.enqueue_dma source(%dma_start3A_47 : memref<16x128xf32, #tpu.memory_space<vmem>>) target(%arg11 : memref<16x128xf32, #tpu.memory_space<hbm>>) target_semaphore(%run_scoped3A : memref<!tpu.dma_semaphore, #tpu.memory_space<semaphore_mem>>)
        %dma_wait3A_48 = arith.constant 0 : i32
        %dma_wait3A_49 = arith.constant 0 : i32
        %dma_wait3A_50 = tpu.memref_slice %arg28[%dma_wait3A_48, %dma_wait3A_49] : memref<256x128xf32, #tpu.memory_space<vmem>> -> memref<16x128xf32, #tpu.memory_space<vmem>>
        %dma_wait3A_51 = arith.constant 0 : i32
        %dma_wait3A_52 = arith.constant 0 : i32
        %dma_wait3A_53 = tpu.memref_slice %arg28[%dma_wait3A_51, %dma_wait3A_52] : memref<256x128xf32, #tpu.memory_space<vmem>> -> memref<16x128xf32, #tpu.memory_space<vmem>>
        tpu.wait_dma2 semaphore(%run_scoped3A : memref<!tpu.dma_semaphore, #tpu.memory_space<semaphore_mem>>) src(%dma_wait3A_53 : memref<16x128xf32, #tpu.memory_space<vmem>>) dst(%arg11 : memref<16x128xf32, #tpu.memory_space<hbm>>)
        tpu.yield
      }) : () -> ()
    } else {
    }
    %eq3A_26 = arith.constant 20 : i32
    %eq3A_27 = arith.cmpi eq, %add3A, %eq3A_26 : i32
    %convert_element_type3A_28 = arith.extui %eq3A_27 : i1 to i32
    %cond3A_29 = arith.constant 0 : i32
    %cond3A_30 = arith.cmpi ne, %convert_element_type3A_28, %cond3A_29 : i32
    scf.if %cond3A_30 {
      "tpu.region"() ({
        %run_scoped3A = tpu.sem_alloc : memref<!tpu.dma_semaphore, #tpu.memory_space<semaphore_mem>>
        tpu.enqueue_dma source(%arg6 : memref<64xi32, #tpu.memory_space<hbm>>) target(%arg19 : memref<64xi32, #tpu.memory_space<vmem>>) target_semaphore(%run_scoped3A : memref<!tpu.dma_semaphore, #tpu.memory_space<semaphore_mem>>)
        tpu.wait_dma2 semaphore(%run_scoped3A : memref<!tpu.dma_semaphore, #tpu.memory_space<semaphore_mem>>) src(%arg6 : memref<64xi32, #tpu.memory_space<hbm>>) dst(%arg19 : memref<64xi32, #tpu.memory_space<vmem>>)
        tpu.yield
      }) : () -> ()
      "tpu.region"() ({
        %run_scoped3A = tpu.sem_alloc : memref<!tpu.dma_semaphore, #tpu.memory_space<semaphore_mem>>
        tpu.enqueue_dma source(%arg8 : memref<16xi32, #tpu.memory_space<hbm>>) target(%arg21 : memref<16xi32, #tpu.memory_space<vmem>>) target_semaphore(%run_scoped3A : memref<!tpu.dma_semaphore, #tpu.memory_space<semaphore_mem>>)
        tpu.wait_dma2 semaphore(%run_scoped3A : memref<!tpu.dma_semaphore, #tpu.memory_space<semaphore_mem>>) src(%arg8 : memref<16xi32, #tpu.memory_space<hbm>>) dst(%arg21 : memref<16xi32, #tpu.memory_space<vmem>>)
        tpu.yield
      }) : () -> ()
      %get3A = arith.constant 0 : index
      %get3A_31 = tpu.vector_load %arg21[%get3A] {strides = array<i32>} : memref<16xi32, #tpu.memory_space<vmem>>, vector<16xi32>,
      "tpu.region"() ({
        %run_scoped3A = tpu.sem_alloc : memref<!tpu.dma_semaphore, #tpu.memory_space<semaphore_mem>>
        tpu.enqueue_dma source(%arg5 : memref<8192xf32, #tpu.memory_space<hbm>>) target(%arg29 : memref<8192xf32, #tpu.memory_space<vmem>>) target_semaphore(%run_scoped3A : memref<!tpu.dma_semaphore, #tpu.memory_space<semaphore_mem>>)
        tpu.wait_dma2 semaphore(%run_scoped3A : memref<!tpu.dma_semaphore, #tpu.memory_space<semaphore_mem>>) src(%arg5 : memref<8192xf32, #tpu.memory_space<hbm>>) dst(%arg29 : memref<8192xf32, #tpu.memory_space<vmem>>)
        tpu.yield
      }) : () -> ()
      %get3A_32 = arith.constant 0 : index
      %get3A_33 = tpu.vector_load %arg19[%get3A_32] {strides = array<i32>} : memref<64xi32, #tpu.memory_space<vmem>>, vector<16xi32>,
      %gather3A = tpu.vector_load_idx %arg29[%get3A_33] : memref<8192xf32, #tpu.memory_space<vmem>>[vector<16xi32>], vector<16xf32>,
      %swap3A = arith.constant 0 : index
      %swap3A_34 = tpu.vector_load %arg32[%swap3A] {strides = array<i32>} : memref<64xf32, #tpu.memory_space<vmem>>, vector<16xf32>,
      tpu.vector_store %arg32[%swap3A], %gather3A {strides = array<i32>} : memref<64xf32, #tpu.memory_space<vmem>>, vector<16xf32>,
      %get3A_35 = arith.constant 16 : index
      %get3A_36 = tpu.vector_load %arg19[%get3A_35] {strides = array<i32>} : memref<64xi32, #tpu.memory_space<vmem>>, vector<16xi32>,
      %gather3A_37 = tpu.vector_load_idx %arg29[%get3A_36] : memref<8192xf32, #tpu.memory_space<vmem>>[vector<16xi32>], vector<16xf32>,
      %swap3A_38 = arith.constant 16 : index
      %swap3A_39 = tpu.vector_load %arg32[%swap3A_38] {strides = array<i32>} : memref<64xf32, #tpu.memory_space<vmem>>, vector<16xf32>,
      tpu.vector_store %arg32[%swap3A_38], %gather3A_37 {strides = array<i32>} : memref<64xf32, #tpu.memory_space<vmem>>, vector<16xf32>,
      %get3A_40 = arith.constant 32 : index
      %get3A_41 = tpu.vector_load %arg19[%get3A_40] {strides = array<i32>} : memref<64xi32, #tpu.memory_space<vmem>>, vector<16xi32>,
      %gather3A_42 = tpu.vector_load_idx %arg29[%get3A_41] : memref<8192xf32, #tpu.memory_space<vmem>>[vector<16xi32>], vector<16xf32>,
      %swap3A_43 = arith.constant 32 : index
      %swap3A_44 = tpu.vector_load %arg32[%swap3A_43] {strides = array<i32>} : memref<64xf32, #tpu.memory_space<vmem>>, vector<16xf32>,
      tpu.vector_store %arg32[%swap3A_43], %gather3A_42 {strides = array<i32>} : memref<64xf32, #tpu.memory_space<vmem>>, vector<16xf32>,
      %get3A_45 = arith.constant 48 : index
      %get3A_46 = tpu.vector_load %arg19[%get3A_45] {strides = array<i32>} : memref<64xi32, #tpu.memory_space<vmem>>, vector<16xi32>,
      %gather3A_47 = tpu.vector_load_idx %arg29[%get3A_46] : memref<8192xf32, #tpu.memory_space<vmem>>[vector<16xi32>], vector<16xf32>,
      %swap3A_48 = arith.constant 48 : index
      %swap3A_49 = tpu.vector_load %arg32[%swap3A_48] {strides = array<i32>} : memref<64xf32, #tpu.memory_space<vmem>>, vector<16xf32>,
      tpu.vector_store %arg32[%swap3A_48], %gather3A_47 {strides = array<i32>} : memref<64xf32, #tpu.memory_space<vmem>>, vector<16xf32>,
      "tpu.region"() ({
        %run_scoped3A = tpu.sem_alloc : memref<!tpu.dma_semaphore, #tpu.memory_space<semaphore_mem>>
        tpu.enqueue_dma source(%arg32 : memref<64xf32, #tpu.memory_space<vmem>>) target(%arg16 : memref<64xf32, #tpu.memory_space<hbm>>) target_semaphore(%run_scoped3A : memref<!tpu.dma_semaphore, #tpu.memory_space<semaphore_mem>>)
        tpu.wait_dma2 semaphore(%run_scoped3A : memref<!tpu.dma_semaphore, #tpu.memory_space<semaphore_mem>>) src(%arg32 : memref<64xf32, #tpu.memory_space<vmem>>) dst(%arg16 : memref<64xf32, #tpu.memory_space<hbm>>)
        tpu.yield
      }) : () -> ()
      %gather3A_50 = tpu.vector_load_idx %arg29[%get3A_31] : memref<8192xf32, #tpu.memory_space<vmem>>[vector<16xi32>], vector<16xf32>,
      %swap3A_51 = arith.constant 0 : index
      %swap3A_52 = tpu.vector_load %arg33[%swap3A_51] {strides = array<i32>} : memref<16xf32, #tpu.memory_space<vmem>>, vector<16xf32>,
      tpu.vector_store %arg33[%swap3A_51], %gather3A_50 {strides = array<i32>} : memref<16xf32, #tpu.memory_space<vmem>>, vector<16xf32>,
      "tpu.region"() ({
        %run_scoped3A = tpu.sem_alloc : memref<!tpu.dma_semaphore, #tpu.memory_space<semaphore_mem>>
        tpu.enqueue_dma source(%arg33 : memref<16xf32, #tpu.memory_space<vmem>>) target(%arg17 : memref<16xf32, #tpu.memory_space<hbm>>) target_semaphore(%run_scoped3A : memref<!tpu.dma_semaphore, #tpu.memory_space<semaphore_mem>>)
        tpu.wait_dma2 semaphore(%run_scoped3A : memref<!tpu.dma_semaphore, #tpu.memory_space<semaphore_mem>>) src(%arg33 : memref<16xf32, #tpu.memory_space<vmem>>) dst(%arg17 : memref<16xf32, #tpu.memory_space<hbm>>)
        tpu.yield
      }) : () -> ()
    } else {
    }
    return
  }
}

module attributes {stable_mosaic.version = 14 : i64} {
  func.func @_tc_combine_body(%arg0: memref<16x128xf32, #tpu.memory_space<vmem>>, %arg1: memref<64x128xf32, #tpu.memory_space<vmem>>, %arg2: memref<64x128xf32, #tpu.memory_space<vmem>>, %arg3: memref<64x128xf32, #tpu.memory_space<vmem>>, %arg4: memref<4096x128xf32, #tpu.memory_space<vmem>>, %arg5: memref<32x128xf32, #tpu.memory_space<vmem>>, %arg6: memref<1x64xf32, #tpu.memory_space<vmem>>, %arg7: memref<1x64xf32, #tpu.memory_space<vmem>>, %arg8: memref<1x16xf32, #tpu.memory_space<vmem>>, %arg9: memref<1x1xf32, #tpu.memory_space<vmem>>, %arg10: memref<1x16xf32, #tpu.memory_space<vmem>>, %arg11: memref<1x16xf32, #tpu.memory_space<vmem>>, %arg12: memref<1x1xf32, #tpu.memory_space<vmem>>) attributes {dimension_semantics = [], scalar_prefetch = 0 : i64, scratch_operands = 0 : i64, tpu.core_type = #tpu.core_type<tc>} {
    %broadcast_in_dim3A = arith.constant 1.000000e+00 : f32
    %broadcast_in_dim3A_0 = vector.broadcast %broadcast_in_dim3A : f32 to vector<1x128xf32>
    %get3A = arith.constant 0 : index
    %get3A_1 = arith.constant 0 : index
    %get3A_2 = vector.load %arg0[%get3A, %get3A_1] : memref<16x128xf32, #tpu.memory_space<vmem>>, vector<1x128xf32>
    %mul3A = arith.mulf %get3A_2, %get3A_2 : vector<1x128xf32>
    %reduce_sum3A = vector.shape_cast %mul3A : vector<1x128xf32> to vector<1x1x128xf32>
    %reduce_sum3A_3 = arith.constant dense<0.000000e+00> : vector<1xf32>
    %reduce_sum3A_4 = vector.multi_reduction <add>, %reduce_sum3A, %reduce_sum3A_3 [1, 2] : vector<1x1x128xf32> to vector<1xf32>
    %reduce_sum3A_5 = vector.shape_cast %reduce_sum3A_4 : vector<1xf32> to vector<1x1x1xf32>
    %reduce_sum3A_6 = vector.extract %reduce_sum3A_5[0, 0, 0] : f32 from vector<1x1x1xf32>
    %sqrt3A = math.sqrt %reduce_sum3A_6 : f32
    %max3A = arith.constant 9.99999996E-13 : f32
    %max3A_7 = arith.maximumf %sqrt3A, %max3A : f32
    %div3A = arith.constant 1.000000e+00 : f32
    %div3A_8 = arith.divf %div3A, %max3A_7 : f32
    %mul3A_9 = vector.broadcast %div3A_8 : f32 to vector<1x128xf32>
    %mul3A_10 = arith.mulf %get3A_2, %mul3A_9 : vector<1x128xf32>
    %mul3A_11 = arith.mulf %reduce_sum3A_6, %div3A_8 : f32
    %mul3A_12 = arith.mulf %mul3A_11, %div3A_8 : f32
    %get3A_13 = arith.constant 0 : index
    %get3A_14 = arith.constant 0 : index
    %get3A_15 = vector.load %arg1[%get3A_13, %get3A_14] : memref<64x128xf32, #tpu.memory_space<vmem>>, vector<64x128xf32>
    %get3A_16 = arith.constant 0 : index
    %get3A_17 = arith.constant 0 : index
    %get3A_18 = vector.load %arg2[%get3A_16, %get3A_17] : memref<64x128xf32, #tpu.memory_space<vmem>>, vector<64x128xf32>
    %mul3A_19 = arith.mulf %get3A_15, %get3A_15 : vector<64x128xf32>
    %mul3A_20 = arith.mulf %get3A_18, %get3A_18 : vector<64x128xf32>
    %reduce_sum3A_21 = arith.constant dense<0.000000e+00> : vector<64xf32>
    %reduce_sum3A_22 = vector.multi_reduction <add>, %mul3A_20, %reduce_sum3A_21 [1] : vector<64x128xf32> to vector<64xf32>
    %broadcast_in_dim3A_23 = vector.shape_cast %reduce_sum3A_22 : vector<64xf32> to vector<64x1xf32>
    %sqrt3A_24 = math.sqrt %broadcast_in_dim3A_23 : vector<64x1xf32>
    %max3A_25 = arith.constant 9.99999996E-13 : f32
    %max3A_26 = vector.broadcast %max3A_25 : f32 to vector<64x1xf32>
    %max3A_27 = arith.maximumf %sqrt3A_24, %max3A_26 : vector<64x1xf32>
    %div3A_28 = arith.constant 1.000000e+00 : f32
    %div3A_29 = vector.broadcast %div3A_28 : f32 to vector<64x1xf32>
    %div3A_30 = arith.divf %div3A_29, %max3A_27 : vector<64x1xf32>
    %dot_general3A = arith.constant dense<0.000000e+00> : vector<1x64xf32>
    %dot_general3A_31 = tpu.matmul %broadcast_in_dim3A_0, %mul3A_19, %dot_general3A {dimension_numbers = #tpu.dot_dimension_numbers<[1], [1], [0], [0], [0, 0, 1, 0], [], []>, transpose_lhs_hint = false} : vector<1x128xf32>, vector<64x128xf32>, vector<1x64xf32> -> vector<1x64xf32>
    %sqrt3A_32 = math.sqrt %dot_general3A_31 : vector<1x64xf32>
    %max3A_33 = arith.constant 9.99999996E-13 : f32
    %max3A_34 = vector.broadcast %max3A_33 : f32 to vector<1x64xf32>
    %max3A_35 = arith.maximumf %sqrt3A_32, %max3A_34 : vector<1x64xf32>
    %div3A_36 = arith.constant 1.000000e+00 : f32
    %div3A_37 = vector.broadcast %div3A_36 : f32 to vector<1x64xf32>
    %div3A_38 = arith.divf %div3A_37, %max3A_35 : vector<1x64xf32>
    %mul3A_39 = arith.mulf %broadcast_in_dim3A_23, %div3A_30 : vector<64x1xf32>
    %mul3A_40 = arith.mulf %mul3A_39, %div3A_30 : vector<64x1xf32>
    %mul3A_41 = arith.mulf %dot_general3A_31, %div3A_38 : vector<1x64xf32>
    %mul3A_42 = arith.mulf %mul3A_41, %div3A_38 : vector<1x64xf32>
    %dot_general3A_43 = arith.constant dense<0.000000e+00> : vector<64x64xf32>
    %dot_general3A_44 = tpu.matmul %get3A_18, %get3A_15, %dot_general3A_43 {dimension_numbers = #tpu.dot_dimension_numbers<[1], [1], [0], [0], [0, 0, 1, 0], [], []>, transpose_lhs_hint = false} : vector<64x128xf32>, vector<64x128xf32>, vector<64x64xf32> -> vector<64x64xf32>
    %mul3A_45 = vector.broadcast %div3A_30 : vector<64x1xf32> to vector<64x64xf32>
    %mul3A_46 = arith.mulf %dot_general3A_44, %mul3A_45 : vector<64x64xf32>
    %mul3A_47 = vector.broadcast %div3A_38 : vector<1x64xf32> to vector<64x64xf32>
    %mul3A_48 = arith.mulf %mul3A_46, %mul3A_47 : vector<64x64xf32>
    %mul3A_49 = arith.constant 2.000000e+00 : f32
    %mul3A_50 = vector.broadcast %mul3A_49 : f32 to vector<64x64xf32>
    %mul3A_51 = arith.mulf %mul3A_50, %mul3A_48 : vector<64x64xf32>
    %sub3A = vector.broadcast %mul3A_40 : vector<64x1xf32> to vector<64x64xf32>
    %sub3A_52 = arith.subf %mul3A_51, %sub3A : vector<64x64xf32>
    %sub3A_53 = vector.broadcast %mul3A_42 : vector<1x64xf32> to vector<64x64xf32>
    %sub3A_54 = arith.subf %sub3A_52, %sub3A_53 : vector<64x64xf32>
    %get3A_55 = arith.constant 0 : index
    %get3A_56 = arith.constant 0 : index
    %get3A_57 = vector.load %arg9[%get3A_55, %get3A_56] : memref<1x1xf32, #tpu.memory_space<vmem>>, vector<1x1xf32>
    %get3A_58 = vector.extract %get3A_57[0, 0] : f32 from vector<1x1xf32>
    %get3A_59 = arith.constant 0 : index
    %get3A_60 = arith.constant 0 : index
    %get3A_61 = vector.load %arg6[%get3A_59, %get3A_60] : memref<1x64xf32, #tpu.memory_space<vmem>>, vector<1x64xf32>
    %sub3A_62 = vector.broadcast %get3A_58 : f32 to vector<1x64xf32>
    %sub3A_63 = arith.subf %sub3A_62, %get3A_61 : vector<1x64xf32>
    %get3A_64 = arith.constant 0 : index
    %get3A_65 = arith.constant 0 : index
    %get3A_66 = vector.load %arg10[%get3A_64, %get3A_65] : memref<1x16xf32, #tpu.memory_space<vmem>>, vector<1x1xf32>
    %get3A_67 = vector.extract %get3A_66[0, 0] : f32 from vector<1x1xf32>
    %mul3A_68 = vector.broadcast %get3A_67 : f32 to vector<1x64xf32>
    %mul3A_69 = arith.mulf %mul3A_68, %sub3A_63 : vector<1x64xf32>
    %get3A_70 = arith.constant 0 : index
    %get3A_71 = arith.constant 0 : index
    %get3A_72 = vector.load %arg11[%get3A_70, %get3A_71] : memref<1x16xf32, #tpu.memory_space<vmem>>, vector<1x1xf32>
    %get3A_73 = vector.extract %get3A_72[0, 0] : f32 from vector<1x1xf32>
    %add3A = vector.broadcast %get3A_73 : f32 to vector<1x64xf32>
    %add3A_74 = arith.addf %mul3A_69, %add3A : vector<1x64xf32>
    %get3A_75 = arith.constant 0 : index
    %get3A_76 = arith.constant 1 : index
    %get3A_77 = vector.load %arg10[%get3A_75, %get3A_76] : memref<1x16xf32, #tpu.memory_space<vmem>>, vector<1x1xf32>
    %get3A_78 = vector.extract %get3A_77[0, 0] : f32 from vector<1x1xf32>
    %mul3A_79 = vector.broadcast %get3A_78 : f32 to vector<1x64xf32>
    %mul3A_80 = arith.mulf %mul3A_79, %sub3A_63 : vector<1x64xf32>
    %get3A_81 = arith.constant 0 : index
    %get3A_82 = arith.constant 1 : index
    %get3A_83 = vector.load %arg11[%get3A_81, %get3A_82] : memref<1x16xf32, #tpu.memory_space<vmem>>, vector<1x1xf32>
    %get3A_84 = vector.extract %get3A_83[0, 0] : f32 from vector<1x1xf32>
    %add3A_85 = vector.broadcast %get3A_84 : f32 to vector<1x64xf32>
    %add3A_86 = arith.addf %mul3A_80, %add3A_85 : vector<1x64xf32>
    %sin3A = math.sin %add3A_86 : vector<1x64xf32>
    %add3A_87 = arith.addf %add3A_74, %sin3A : vector<1x64xf32>
    %get3A_88 = arith.constant 0 : index
    %get3A_89 = arith.constant 2 : index
    %get3A_90 = vector.load %arg10[%get3A_88, %get3A_89] : memref<1x16xf32, #tpu.memory_space<vmem>>, vector<1x1xf32>
    %get3A_91 = vector.extract %get3A_90[0, 0] : f32 from vector<1x1xf32>
    %mul3A_92 = vector.broadcast %get3A_91 : f32 to vector<1x64xf32>
    %mul3A_93 = arith.mulf %mul3A_92, %sub3A_63 : vector<1x64xf32>
    %get3A_94 = arith.constant 0 : index
    %get3A_95 = arith.constant 2 : index
    %get3A_96 = vector.load %arg11[%get3A_94, %get3A_95] : memref<1x16xf32, #tpu.memory_space<vmem>>, vector<1x1xf32>
    %get3A_97 = vector.extract %get3A_96[0, 0] : f32 from vector<1x1xf32>
    %add3A_98 = vector.broadcast %get3A_97 : f32 to vector<1x64xf32>
    %add3A_99 = arith.addf %mul3A_93, %add3A_98 : vector<1x64xf32>
    %sin3A_100 = math.sin %add3A_99 : vector<1x64xf32>
    %add3A_101 = arith.addf %add3A_87, %sin3A_100 : vector<1x64xf32>
    %get3A_102 = arith.constant 0 : index
    %get3A_103 = arith.constant 3 : index
    %get3A_104 = vector.load %arg10[%get3A_102, %get3A_103] : memref<1x16xf32, #tpu.memory_space<vmem>>, vector<1x1xf32>
    %get3A_105 = vector.extract %get3A_104[0, 0] : f32 from vector<1x1xf32>
    %mul3A_106 = vector.broadcast %get3A_105 : f32 to vector<1x64xf32>
    %mul3A_107 = arith.mulf %mul3A_106, %sub3A_63 : vector<1x64xf32>
    %get3A_108 = arith.constant 0 : index
    %get3A_109 = arith.constant 3 : index
    %get3A_110 = vector.load %arg11[%get3A_108, %get3A_109] : memref<1x16xf32, #tpu.memory_space<vmem>>, vector<1x1xf32>
    %get3A_111 = vector.extract %get3A_110[0, 0] : f32 from vector<1x1xf32>
    %add3A_112 = vector.broadcast %get3A_111 : f32 to vector<1x64xf32>
    %add3A_113 = arith.addf %mul3A_107, %add3A_112 : vector<1x64xf32>
    %sin3A_114 = math.sin %add3A_113 : vector<1x64xf32>
    %add3A_115 = arith.addf %add3A_101, %sin3A_114 : vector<1x64xf32>
    %get3A_116 = arith.constant 0 : index
    %get3A_117 = arith.constant 4 : index
    %get3A_118 = vector.load %arg10[%get3A_116, %get3A_117] : memref<1x16xf32, #tpu.memory_space<vmem>>, vector<1x1xf32>
    %get3A_119 = vector.extract %get3A_118[0, 0] : f32 from vector<1x1xf32>
    %mul3A_120 = vector.broadcast %get3A_119 : f32 to vector<1x64xf32>
    %mul3A_121 = arith.mulf %mul3A_120, %sub3A_63 : vector<1x64xf32>
    %get3A_122 = arith.constant 0 : index
    %get3A_123 = arith.constant 4 : index
    %get3A_124 = vector.load %arg11[%get3A_122, %get3A_123] : memref<1x16xf32, #tpu.memory_space<vmem>>, vector<1x1xf32>
    %get3A_125 = vector.extract %get3A_124[0, 0] : f32 from vector<1x1xf32>
    %add3A_126 = vector.broadcast %get3A_125 : f32 to vector<1x64xf32>
    %add3A_127 = arith.addf %mul3A_121, %add3A_126 : vector<1x64xf32>
    %sin3A_128 = math.sin %add3A_127 : vector<1x64xf32>
    %add3A_129 = arith.addf %add3A_115, %sin3A_128 : vector<1x64xf32>
    %get3A_130 = arith.constant 0 : index
    %get3A_131 = arith.constant 5 : index
    %get3A_132 = vector.load %arg10[%get3A_130, %get3A_131] : memref<1x16xf32, #tpu.memory_space<vmem>>, vector<1x1xf32>
    %get3A_133 = vector.extract %get3A_132[0, 0] : f32 from vector<1x1xf32>
    %mul3A_134 = vector.broadcast %get3A_133 : f32 to vector<1x64xf32>
    %mul3A_135 = arith.mulf %mul3A_134, %sub3A_63 : vector<1x64xf32>
    %get3A_136 = arith.constant 0 : index
    %get3A_137 = arith.constant 5 : index
    %get3A_138 = vector.load %arg11[%get3A_136, %get3A_137] : memref<1x16xf32, #tpu.memory_space<vmem>>, vector<1x1xf32>
    %get3A_139 = vector.extract %get3A_138[0, 0] : f32 from vector<1x1xf32>
    %add3A_140 = vector.broadcast %get3A_139 : f32 to vector<1x64xf32>
    %add3A_141 = arith.addf %mul3A_135, %add3A_140 : vector<1x64xf32>
    %sin3A_142 = math.sin %add3A_141 : vector<1x64xf32>
    %add3A_143 = arith.addf %add3A_129, %sin3A_142 : vector<1x64xf32>
    %get3A_144 = arith.constant 0 : index
    %get3A_145 = arith.constant 6 : index
    %get3A_146 = vector.load %arg10[%get3A_144, %get3A_145] : memref<1x16xf32, #tpu.memory_space<vmem>>, vector<1x1xf32>
    %get3A_147 = vector.extract %get3A_146[0, 0] : f32 from vector<1x1xf32>
    %mul3A_148 = vector.broadcast %get3A_147 : f32 to vector<1x64xf32>
    %mul3A_149 = arith.mulf %mul3A_148, %sub3A_63 : vector<1x64xf32>
    %get3A_150 = arith.constant 0 : index
    %get3A_151 = arith.constant 6 : index
    %get3A_152 = vector.load %arg11[%get3A_150, %get3A_151] : memref<1x16xf32, #tpu.memory_space<vmem>>, vector<1x1xf32>
    %get3A_153 = vector.extract %get3A_152[0, 0] : f32 from vector<1x1xf32>
    %add3A_154 = vector.broadcast %get3A_153 : f32 to vector<1x64xf32>
    %add3A_155 = arith.addf %mul3A_149, %add3A_154 : vector<1x64xf32>
    %sin3A_156 = math.sin %add3A_155 : vector<1x64xf32>
    %add3A_157 = arith.addf %add3A_143, %sin3A_156 : vector<1x64xf32>
    %get3A_158 = arith.constant 0 : index
    %get3A_159 = arith.constant 7 : index
    %get3A_160 = vector.load %arg10[%get3A_158, %get3A_159] : memref<1x16xf32, #tpu.memory_space<vmem>>, vector<1x1xf32>
    %get3A_161 = vector.extract %get3A_160[0, 0] : f32 from vector<1x1xf32>
    %mul3A_162 = vector.broadcast %get3A_161 : f32 to vector<1x64xf32>
    %mul3A_163 = arith.mulf %mul3A_162, %sub3A_63 : vector<1x64xf32>
    %get3A_164 = arith.constant 0 : index
    %get3A_165 = arith.constant 7 : index
    %get3A_166 = vector.load %arg11[%get3A_164, %get3A_165] : memref<1x16xf32, #tpu.memory_space<vmem>>, vector<1x1xf32>
    %get3A_167 = vector.extract %get3A_166[0, 0] : f32 from vector<1x1xf32>
    %add3A_168 = vector.broadcast %get3A_167 : f32 to vector<1x64xf32>
    %add3A_169 = arith.addf %mul3A_163, %add3A_168 : vector<1x64xf32>
    %sin3A_170 = math.sin %add3A_169 : vector<1x64xf32>
    %add3A_171 = arith.addf %add3A_157, %sin3A_170 : vector<1x64xf32>
    %get3A_172 = arith.constant 0 : index
    %get3A_173 = arith.constant 8 : index
    %get3A_174 = vector.load %arg10[%get3A_172, %get3A_173] : memref<1x16xf32, #tpu.memory_space<vmem>>, vector<1x1xf32>
    %get3A_175 = vector.extract %get3A_174[0, 0] : f32 from vector<1x1xf32>
    %mul3A_176 = vector.broadcast %get3A_175 : f32 to vector<1x64xf32>
    %mul3A_177 = arith.mulf %mul3A_176, %sub3A_63 : vector<1x64xf32>
    %get3A_178 = arith.constant 0 : index
    %get3A_179 = arith.constant 8 : index
    %get3A_180 = vector.load %arg11[%get3A_178, %get3A_179] : memref<1x16xf32, #tpu.memory_space<vmem>>, vector<1x1xf32>
    %get3A_181 = vector.extract %get3A_180[0, 0] : f32 from vector<1x1xf32>
    %add3A_182 = vector.broadcast %get3A_181 : f32 to vector<1x64xf32>
    %add3A_183 = arith.addf %mul3A_177, %add3A_182 : vector<1x64xf32>
    %sin3A_184 = math.sin %add3A_183 : vector<1x64xf32>
    %add3A_185 = arith.addf %add3A_171, %sin3A_184 : vector<1x64xf32>
    %get3A_186 = arith.constant 0 : index
    %get3A_187 = arith.constant 9 : index
    %get3A_188 = vector.load %arg10[%get3A_186, %get3A_187] : memref<1x16xf32, #tpu.memory_space<vmem>>, vector<1x1xf32>
    %get3A_189 = vector.extract %get3A_188[0, 0] : f32 from vector<1x1xf32>
    %mul3A_190 = vector.broadcast %get3A_189 : f32 to vector<1x64xf32>
    %mul3A_191 = arith.mulf %mul3A_190, %sub3A_63 : vector<1x64xf32>
    %get3A_192 = arith.constant 0 : index
    %get3A_193 = arith.constant 9 : index
    %get3A_194 = vector.load %arg11[%get3A_192, %get3A_193] : memref<1x16xf32, #tpu.memory_space<vmem>>, vector<1x1xf32>
    %get3A_195 = vector.extract %get3A_194[0, 0] : f32 from vector<1x1xf32>
    %add3A_196 = vector.broadcast %get3A_195 : f32 to vector<1x64xf32>
    %add3A_197 = arith.addf %mul3A_191, %add3A_196 : vector<1x64xf32>
    %sin3A_198 = math.sin %add3A_197 : vector<1x64xf32>
    %add3A_199 = arith.addf %add3A_185, %sin3A_198 : vector<1x64xf32>
    %get3A_200 = arith.constant 0 : index
    %get3A_201 = arith.constant 10 : index
    %get3A_202 = vector.load %arg10[%get3A_200, %get3A_201] : memref<1x16xf32, #tpu.memory_space<vmem>>, vector<1x1xf32>
    %get3A_203 = vector.extract %get3A_202[0, 0] : f32 from vector<1x1xf32>
    %mul3A_204 = vector.broadcast %get3A_203 : f32 to vector<1x64xf32>
    %mul3A_205 = arith.mulf %mul3A_204, %sub3A_63 : vector<1x64xf32>
    %get3A_206 = arith.constant 0 : index
    %get3A_207 = arith.constant 10 : index
    %get3A_208 = vector.load %arg11[%get3A_206, %get3A_207] : memref<1x16xf32, #tpu.memory_space<vmem>>, vector<1x1xf32>
    %get3A_209 = vector.extract %get3A_208[0, 0] : f32 from vector<1x1xf32>
    %add3A_210 = vector.broadcast %get3A_209 : f32 to vector<1x64xf32>
    %add3A_211 = arith.addf %mul3A_205, %add3A_210 : vector<1x64xf32>
    %sin3A_212 = math.sin %add3A_211 : vector<1x64xf32>
    %add3A_213 = arith.addf %add3A_199, %sin3A_212 : vector<1x64xf32>
    %get3A_214 = arith.constant 0 : index
    %get3A_215 = arith.constant 11 : index
    %get3A_216 = vector.load %arg10[%get3A_214, %get3A_215] : memref<1x16xf32, #tpu.memory_space<vmem>>, vector<1x1xf32>
    %get3A_217 = vector.extract %get3A_216[0, 0] : f32 from vector<1x1xf32>
    %mul3A_218 = vector.broadcast %get3A_217 : f32 to vector<1x64xf32>
    %mul3A_219 = arith.mulf %mul3A_218, %sub3A_63 : vector<1x64xf32>
    %get3A_220 = arith.constant 0 : index
    %get3A_221 = arith.constant 11 : index
    %get3A_222 = vector.load %arg11[%get3A_220, %get3A_221] : memref<1x16xf32, #tpu.memory_space<vmem>>, vector<1x1xf32>
    %get3A_223 = vector.extract %get3A_222[0, 0] : f32 from vector<1x1xf32>
    %add3A_224 = vector.broadcast %get3A_223 : f32 to vector<1x64xf32>
    %add3A_225 = arith.addf %mul3A_219, %add3A_224 : vector<1x64xf32>
    %sin3A_226 = math.sin %add3A_225 : vector<1x64xf32>
    %add3A_227 = arith.addf %add3A_213, %sin3A_226 : vector<1x64xf32>
    %get3A_228 = arith.constant 0 : index
    %get3A_229 = arith.constant 12 : index
    %get3A_230 = vector.load %arg10[%get3A_228, %get3A_229] : memref<1x16xf32, #tpu.memory_space<vmem>>, vector<1x1xf32>
    %get3A_231 = vector.extract %get3A_230[0, 0] : f32 from vector<1x1xf32>
    %mul3A_232 = vector.broadcast %get3A_231 : f32 to vector<1x64xf32>
    %mul3A_233 = arith.mulf %mul3A_232, %sub3A_63 : vector<1x64xf32>
    %get3A_234 = arith.constant 0 : index
    %get3A_235 = arith.constant 12 : index
    %get3A_236 = vector.load %arg11[%get3A_234, %get3A_235] : memref<1x16xf32, #tpu.memory_space<vmem>>, vector<1x1xf32>
    %get3A_237 = vector.extract %get3A_236[0, 0] : f32 from vector<1x1xf32>
    %add3A_238 = vector.broadcast %get3A_237 : f32 to vector<1x64xf32>
    %add3A_239 = arith.addf %mul3A_233, %add3A_238 : vector<1x64xf32>
    %sin3A_240 = math.sin %add3A_239 : vector<1x64xf32>
    %add3A_241 = arith.addf %add3A_227, %sin3A_240 : vector<1x64xf32>
    %get3A_242 = arith.constant 0 : index
    %get3A_243 = arith.constant 13 : index
    %get3A_244 = vector.load %arg10[%get3A_242, %get3A_243] : memref<1x16xf32, #tpu.memory_space<vmem>>, vector<1x1xf32>
    %get3A_245 = vector.extract %get3A_244[0, 0] : f32 from vector<1x1xf32>
    %mul3A_246 = vector.broadcast %get3A_245 : f32 to vector<1x64xf32>
    %mul3A_247 = arith.mulf %mul3A_246, %sub3A_63 : vector<1x64xf32>
    %get3A_248 = arith.constant 0 : index
    %get3A_249 = arith.constant 13 : index
    %get3A_250 = vector.load %arg11[%get3A_248, %get3A_249] : memref<1x16xf32, #tpu.memory_space<vmem>>, vector<1x1xf32>
    %get3A_251 = vector.extract %get3A_250[0, 0] : f32 from vector<1x1xf32>
    %add3A_252 = vector.broadcast %get3A_251 : f32 to vector<1x64xf32>
    %add3A_253 = arith.addf %mul3A_247, %add3A_252 : vector<1x64xf32>
    %sin3A_254 = math.sin %add3A_253 : vector<1x64xf32>
    %add3A_255 = arith.addf %add3A_241, %sin3A_254 : vector<1x64xf32>
    %get3A_256 = arith.constant 0 : index
    %get3A_257 = arith.constant 14 : index
    %get3A_258 = vector.load %arg10[%get3A_256, %get3A_257] : memref<1x16xf32, #tpu.memory_space<vmem>>, vector<1x1xf32>
    %get3A_259 = vector.extract %get3A_258[0, 0] : f32 from vector<1x1xf32>
    %mul3A_260 = vector.broadcast %get3A_259 : f32 to vector<1x64xf32>
    %mul3A_261 = arith.mulf %mul3A_260, %sub3A_63 : vector<1x64xf32>
    %get3A_262 = arith.constant 0 : index
    %get3A_263 = arith.constant 14 : index
    %get3A_264 = vector.load %arg11[%get3A_262, %get3A_263] : memref<1x16xf32, #tpu.memory_space<vmem>>, vector<1x1xf32>
    %get3A_265 = vector.extract %get3A_264[0, 0] : f32 from vector<1x1xf32>
    %add3A_266 = vector.broadcast %get3A_265 : f32 to vector<1x64xf32>
    %add3A_267 = arith.addf %mul3A_261, %add3A_266 : vector<1x64xf32>
    %sin3A_268 = math.sin %add3A_267 : vector<1x64xf32>
    %add3A_269 = arith.addf %add3A_255, %sin3A_268 : vector<1x64xf32>
    %get3A_270 = arith.constant 0 : index
    %get3A_271 = arith.constant 15 : index
    %get3A_272 = vector.load %arg10[%get3A_270, %get3A_271] : memref<1x16xf32, #tpu.memory_space<vmem>>, vector<1x1xf32>
    %get3A_273 = vector.extract %get3A_272[0, 0] : f32 from vector<1x1xf32>
    %mul3A_274 = vector.broadcast %get3A_273 : f32 to vector<1x64xf32>
    %mul3A_275 = arith.mulf %mul3A_274, %sub3A_63 : vector<1x64xf32>
    %get3A_276 = arith.constant 0 : index
    %get3A_277 = arith.constant 15 : index
    %get3A_278 = vector.load %arg11[%get3A_276, %get3A_277] : memref<1x16xf32, #tpu.memory_space<vmem>>, vector<1x1xf32>
    %get3A_279 = vector.extract %get3A_278[0, 0] : f32 from vector<1x1xf32>
    %add3A_280 = vector.broadcast %get3A_279 : f32 to vector<1x64xf32>
    %add3A_281 = arith.addf %mul3A_275, %add3A_280 : vector<1x64xf32>
    %sin3A_282 = math.sin %add3A_281 : vector<1x64xf32>
    %add3A_283 = arith.addf %add3A_269, %sin3A_282 : vector<1x64xf32>
    %mul3A_284 = arith.constant 14.2857141 : f32
    %mul3A_285 = vector.broadcast %mul3A_284 : f32 to vector<64x64xf32>
    %mul3A_286 = arith.mulf %sub3A_54, %mul3A_285 : vector<64x64xf32>
    %exp3A = math.exp %mul3A_286 : vector<64x64xf32>
    %neg3A = arith.constant 0.000000e+00 : f32
    %neg3A_287 = vector.broadcast %neg3A : f32 to vector<1x64xf32>
    %neg3A_288 = arith.subf %neg3A_287, %add3A_283 : vector<1x64xf32>
    %exp3A_289 = math.exp %neg3A_288 : vector<1x64xf32>
    %mul3A_290 = vector.broadcast %exp3A_289 : vector<1x64xf32> to vector<64x64xf32>
    %mul3A_291 = arith.mulf %exp3A, %mul3A_290 : vector<64x64xf32>
    %reduce_sum3A_292 = arith.constant dense<0.000000e+00> : vector<64xf32>
    %reduce_sum3A_293 = vector.multi_reduction <add>, %mul3A_291, %reduce_sum3A_292 [1] : vector<64x64xf32> to vector<64xf32>
    %broadcast_in_dim3A_294 = vector.shape_cast %reduce_sum3A_293 : vector<64xf32> to vector<64x1xf32>
    %add3A_295 = arith.constant 9.99999993E-9 : f32
    %add3A_296 = vector.broadcast %add3A_295 : f32 to vector<64x1xf32>
    %add3A_297 = arith.addf %broadcast_in_dim3A_294, %add3A_296 : vector<64x1xf32>
    %mul3A_298 = arith.mulf %mul3A_291, %sub3A_54 : vector<64x64xf32>
    %reduce_sum3A_299 = arith.constant dense<0.000000e+00> : vector<64xf32>
    %reduce_sum3A_300 = vector.multi_reduction <add>, %mul3A_298, %reduce_sum3A_299 [1] : vector<64x64xf32> to vector<64xf32>
    %broadcast_in_dim3A_301 = vector.shape_cast %reduce_sum3A_300 : vector<64xf32> to vector<64x1xf32>
    %div3A_302 = arith.divf %broadcast_in_dim3A_301, %add3A_297 : vector<64x1xf32>
    %get3A_303 = arith.constant 0 : index
    %get3A_304 = arith.constant 0 : index
    %get3A_305 = vector.load %arg4[%get3A_303, %get3A_304] : memref<4096x128xf32, #tpu.memory_space<vmem>>, vector<128x128xf32>
    %dot_general3A_306 = arith.constant dense<0.000000e+00> : vector<1x128xf32>
    %dot_general3A_307 = tpu.matmul %mul3A_10, %get3A_305, %dot_general3A_306 {dimension_numbers = #tpu.dot_dimension_numbers<[1], [1], [0], [0], [0, 0, 1, 0], [], []>, transpose_lhs_hint = false} : vector<1x128xf32>, vector<128x128xf32>, vector<1x128xf32> -> vector<1x128xf32>
    %mul3A_308 = arith.mulf %get3A_305, %get3A_305 : vector<128x128xf32>
    %dot_general3A_309 = arith.constant dense<0.000000e+00> : vector<1x128xf32>
    %dot_general3A_310 = tpu.matmul %broadcast_in_dim3A_0, %mul3A_308, %dot_general3A_309 {dimension_numbers = #tpu.dot_dimension_numbers<[1], [1], [0], [0], [0, 0, 1, 0], [], []>, transpose_lhs_hint = false} : vector<1x128xf32>, vector<128x128xf32>, vector<1x128xf32> -> vector<1x128xf32>
    %get3A_311 = arith.constant 128 : index
    %get3A_312 = arith.constant 0 : index
    %get3A_313 = vector.load %arg4[%get3A_311, %get3A_312] : memref<4096x128xf32, #tpu.memory_space<vmem>>, vector<128x128xf32>
    %dot_general3A_314 = arith.constant dense<0.000000e+00> : vector<1x128xf32>
    %dot_general3A_315 = tpu.matmul %mul3A_10, %get3A_313, %dot_general3A_314 {dimension_numbers = #tpu.dot_dimension_numbers<[1], [1], [0], [0], [0, 0, 1, 0], [], []>, transpose_lhs_hint = false} : vector<1x128xf32>, vector<128x128xf32>, vector<1x128xf32> -> vector<1x128xf32>
    %mul3A_316 = arith.mulf %get3A_313, %get3A_313 : vector<128x128xf32>
    %dot_general3A_317 = arith.constant dense<0.000000e+00> : vector<1x128xf32>
    %dot_general3A_318 = tpu.matmul %broadcast_in_dim3A_0, %mul3A_316, %dot_general3A_317 {dimension_numbers = #tpu.dot_dimension_numbers<[1], [1], [0], [0], [0, 0, 1, 0], [], []>, transpose_lhs_hint = false} : vector<1x128xf32>, vector<128x128xf32>, vector<1x128xf32> -> vector<1x128xf32>
    %get3A_319 = arith.constant 256 : index
    %get3A_320 = arith.constant 0 : index
    %get3A_321 = vector.load %arg4[%get3A_319, %get3A_320] : memref<4096x128xf32, #tpu.memory_space<vmem>>, vector<128x128xf32>
    %dot_general3A_322 = arith.constant dense<0.000000e+00> : vector<1x128xf32>
    %dot_general3A_323 = tpu.matmul %mul3A_10, %get3A_321, %dot_general3A_322 {dimension_numbers = #tpu.dot_dimension_numbers<[1], [1], [0], [0], [0, 0, 1, 0], [], []>, transpose_lhs_hint = false} : vector<1x128xf32>, vector<128x128xf32>, vector<1x128xf32> -> vector<1x128xf32>
    %mul3A_324 = arith.mulf %get3A_321, %get3A_321 : vector<128x128xf32>
    %dot_general3A_325 = arith.constant dense<0.000000e+00> : vector<1x128xf32>
    %dot_general3A_326 = tpu.matmul %broadcast_in_dim3A_0, %mul3A_324, %dot_general3A_325 {dimension_numbers = #tpu.dot_dimension_numbers<[1], [1], [0], [0], [0, 0, 1, 0], [], []>, transpose_lhs_hint = false} : vector<1x128xf32>, vector<128x128xf32>, vector<1x128xf32> -> vector<1x128xf32>
    %get3A_327 = arith.constant 384 : index
    %get3A_328 = arith.constant 0 : index
    %get3A_329 = vector.load %arg4[%get3A_327, %get3A_328] : memref<4096x128xf32, #tpu.memory_space<vmem>>, vector<128x128xf32>
    %dot_general3A_330 = arith.constant dense<0.000000e+00> : vector<1x128xf32>
    %dot_general3A_331 = tpu.matmul %mul3A_10, %get3A_329, %dot_general3A_330 {dimension_numbers = #tpu.dot_dimension_numbers<[1], [1], [0], [0], [0, 0, 1, 0], [], []>, transpose_lhs_hint = false} : vector<1x128xf32>, vector<128x128xf32>, vector<1x128xf32> -> vector<1x128xf32>
    %mul3A_332 = arith.mulf %get3A_329, %get3A_329 : vector<128x128xf32>
    %dot_general3A_333 = arith.constant dense<0.000000e+00> : vector<1x128xf32>
    %dot_general3A_334 = tpu.matmul %broadcast_in_dim3A_0, %mul3A_332, %dot_general3A_333 {dimension_numbers = #tpu.dot_dimension_numbers<[1], [1], [0], [0], [0, 0, 1, 0], [], []>, transpose_lhs_hint = false} : vector<1x128xf32>, vector<128x128xf32>, vector<1x128xf32> -> vector<1x128xf32>
    %get3A_335 = arith.constant 512 : index
    %get3A_336 = arith.constant 0 : index
    %get3A_337 = vector.load %arg4[%get3A_335, %get3A_336] : memref<4096x128xf32, #tpu.memory_space<vmem>>, vector<128x128xf32>
    %dot_general3A_338 = arith.constant dense<0.000000e+00> : vector<1x128xf32>
    %dot_general3A_339 = tpu.matmul %mul3A_10, %get3A_337, %dot_general3A_338 {dimension_numbers = #tpu.dot_dimension_numbers<[1], [1], [0], [0], [0, 0, 1, 0], [], []>, transpose_lhs_hint = false} : vector<1x128xf32>, vector<128x128xf32>, vector<1x128xf32> -> vector<1x128xf32>
    %mul3A_340 = arith.mulf %get3A_337, %get3A_337 : vector<128x128xf32>
    %dot_general3A_341 = arith.constant dense<0.000000e+00> : vector<1x128xf32>
    %dot_general3A_342 = tpu.matmul %broadcast_in_dim3A_0, %mul3A_340, %dot_general3A_341 {dimension_numbers = #tpu.dot_dimension_numbers<[1], [1], [0], [0], [0, 0, 1, 0], [], []>, transpose_lhs_hint = false} : vector<1x128xf32>, vector<128x128xf32>, vector<1x128xf32> -> vector<1x128xf32>
    %get3A_343 = arith.constant 640 : index
    %get3A_344 = arith.constant 0 : index
    %get3A_345 = vector.load %arg4[%get3A_343, %get3A_344] : memref<4096x128xf32, #tpu.memory_space<vmem>>, vector<128x128xf32>
    %dot_general3A_346 = arith.constant dense<0.000000e+00> : vector<1x128xf32>
    %dot_general3A_347 = tpu.matmul %mul3A_10, %get3A_345, %dot_general3A_346 {dimension_numbers = #tpu.dot_dimension_numbers<[1], [1], [0], [0], [0, 0, 1, 0], [], []>, transpose_lhs_hint = false} : vector<1x128xf32>, vector<128x128xf32>, vector<1x128xf32> -> vector<1x128xf32>
    %mul3A_348 = arith.mulf %get3A_345, %get3A_345 : vector<128x128xf32>
    %dot_general3A_349 = arith.constant dense<0.000000e+00> : vector<1x128xf32>
    %dot_general3A_350 = tpu.matmul %broadcast_in_dim3A_0, %mul3A_348, %dot_general3A_349 {dimension_numbers = #tpu.dot_dimension_numbers<[1], [1], [0], [0], [0, 0, 1, 0], [], []>, transpose_lhs_hint = false} : vector<1x128xf32>, vector<128x128xf32>, vector<1x128xf32> -> vector<1x128xf32>
    %get3A_351 = arith.constant 768 : index
    %get3A_352 = arith.constant 0 : index
    %get3A_353 = vector.load %arg4[%get3A_351, %get3A_352] : memref<4096x128xf32, #tpu.memory_space<vmem>>, vector<128x128xf32>
    %dot_general3A_354 = arith.constant dense<0.000000e+00> : vector<1x128xf32>
    %dot_general3A_355 = tpu.matmul %mul3A_10, %get3A_353, %dot_general3A_354 {dimension_numbers = #tpu.dot_dimension_numbers<[1], [1], [0], [0], [0, 0, 1, 0], [], []>, transpose_lhs_hint = false} : vector<1x128xf32>, vector<128x128xf32>, vector<1x128xf32> -> vector<1x128xf32>
    %mul3A_356 = arith.mulf %get3A_353, %get3A_353 : vector<128x128xf32>
    %dot_general3A_357 = arith.constant dense<0.000000e+00> : vector<1x128xf32>
    %dot_general3A_358 = tpu.matmul %broadcast_in_dim3A_0, %mul3A_356, %dot_general3A_357 {dimension_numbers = #tpu.dot_dimension_numbers<[1], [1], [0], [0], [0, 0, 1, 0], [], []>, transpose_lhs_hint = false} : vector<1x128xf32>, vector<128x128xf32>, vector<1x128xf32> -> vector<1x128xf32>
    %get3A_359 = arith.constant 896 : index
    %get3A_360 = arith.constant 0 : index
    %get3A_361 = vector.load %arg4[%get3A_359, %get3A_360] : memref<4096x128xf32, #tpu.memory_space<vmem>>, vector<128x128xf32>
    %dot_general3A_362 = arith.constant dense<0.000000e+00> : vector<1x128xf32>
    %dot_general3A_363 = tpu.matmul %mul3A_10, %get3A_361, %dot_general3A_362 {dimension_numbers = #tpu.dot_dimension_numbers<[1], [1], [0], [0], [0, 0, 1, 0], [], []>, transpose_lhs_hint = false} : vector<1x128xf32>, vector<128x128xf32>, vector<1x128xf32> -> vector<1x128xf32>
    %mul3A_364 = arith.mulf %get3A_361, %get3A_361 : vector<128x128xf32>
    %dot_general3A_365 = arith.constant dense<0.000000e+00> : vector<1x128xf32>
    %dot_general3A_366 = tpu.matmul %broadcast_in_dim3A_0, %mul3A_364, %dot_general3A_365 {dimension_numbers = #tpu.dot_dimension_numbers<[1], [1], [0], [0], [0, 0, 1, 0], [], []>, transpose_lhs_hint = false} : vector<1x128xf32>, vector<128x128xf32>, vector<1x128xf32> -> vector<1x128xf32>
    %get3A_367 = arith.constant 1024 : index
    %get3A_368 = arith.constant 0 : index
    %get3A_369 = vector.load %arg4[%get3A_367, %get3A_368] : memref<4096x128xf32, #tpu.memory_space<vmem>>, vector<128x128xf32>
    %dot_general3A_370 = arith.constant dense<0.000000e+00> : vector<1x128xf32>
    %dot_general3A_371 = tpu.matmul %mul3A_10, %get3A_369, %dot_general3A_370 {dimension_numbers = #tpu.dot_dimension_numbers<[1], [1], [0], [0], [0, 0, 1, 0], [], []>, transpose_lhs_hint = false} : vector<1x128xf32>, vector<128x128xf32>, vector<1x128xf32> -> vector<1x128xf32>
    %mul3A_372 = arith.mulf %get3A_369, %get3A_369 : vector<128x128xf32>
    %dot_general3A_373 = arith.constant dense<0.000000e+00> : vector<1x128xf32>
    %dot_general3A_374 = tpu.matmul %broadcast_in_dim3A_0, %mul3A_372, %dot_general3A_373 {dimension_numbers = #tpu.dot_dimension_numbers<[1], [1], [0], [0], [0, 0, 1, 0], [], []>, transpose_lhs_hint = false} : vector<1x128xf32>, vector<128x128xf32>, vector<1x128xf32> -> vector<1x128xf32>
    %get3A_375 = arith.constant 1152 : index
    %get3A_376 = arith.constant 0 : index
    %get3A_377 = vector.load %arg4[%get3A_375, %get3A_376] : memref<4096x128xf32, #tpu.memory_space<vmem>>, vector<128x128xf32>
    %dot_general3A_378 = arith.constant dense<0.000000e+00> : vector<1x128xf32>
    %dot_general3A_379 = tpu.matmul %mul3A_10, %get3A_377, %dot_general3A_378 {dimension_numbers = #tpu.dot_dimension_numbers<[1], [1], [0], [0], [0, 0, 1, 0], [], []>, transpose_lhs_hint = false} : vector<1x128xf32>, vector<128x128xf32>, vector<1x128xf32> -> vector<1x128xf32>
    %mul3A_380 = arith.mulf %get3A_377, %get3A_377 : vector<128x128xf32>
    %dot_general3A_381 = arith.constant dense<0.000000e+00> : vector<1x128xf32>
    %dot_general3A_382 = tpu.matmul %broadcast_in_dim3A_0, %mul3A_380, %dot_general3A_381 {dimension_numbers = #tpu.dot_dimension_numbers<[1], [1], [0], [0], [0, 0, 1, 0], [], []>, transpose_lhs_hint = false} : vector<1x128xf32>, vector<128x128xf32>, vector<1x128xf32> -> vector<1x128xf32>
    %get3A_383 = arith.constant 1280 : index
    %get3A_384 = arith.constant 0 : index
    %get3A_385 = vector.load %arg4[%get3A_383, %get3A_384] : memref<4096x128xf32, #tpu.memory_space<vmem>>, vector<128x128xf32>
    %dot_general3A_386 = arith.constant dense<0.000000e+00> : vector<1x128xf32>
    %dot_general3A_387 = tpu.matmul %mul3A_10, %get3A_385, %dot_general3A_386 {dimension_numbers = #tpu.dot_dimension_numbers<[1], [1], [0], [0], [0, 0, 1, 0], [], []>, transpose_lhs_hint = false} : vector<1x128xf32>, vector<128x128xf32>, vector<1x128xf32> -> vector<1x128xf32>
    %mul3A_388 = arith.mulf %get3A_385, %get3A_385 : vector<128x128xf32>
    %dot_general3A_389 = arith.constant dense<0.000000e+00> : vector<1x128xf32>
    %dot_general3A_390 = tpu.matmul %broadcast_in_dim3A_0, %mul3A_388, %dot_general3A_389 {dimension_numbers = #tpu.dot_dimension_numbers<[1], [1], [0], [0], [0, 0, 1, 0], [], []>, transpose_lhs_hint = false} : vector<1x128xf32>, vector<128x128xf32>, vector<1x128xf32> -> vector<1x128xf32>
    %get3A_391 = arith.constant 1408 : index
    %get3A_392 = arith.constant 0 : index
    %get3A_393 = vector.load %arg4[%get3A_391, %get3A_392] : memref<4096x128xf32, #tpu.memory_space<vmem>>, vector<128x128xf32>
    %dot_general3A_394 = arith.constant dense<0.000000e+00> : vector<1x128xf32>
    %dot_general3A_395 = tpu.matmul %mul3A_10, %get3A_393, %dot_general3A_394 {dimension_numbers = #tpu.dot_dimension_numbers<[1], [1], [0], [0], [0, 0, 1, 0], [], []>, transpose_lhs_hint = false} : vector<1x128xf32>, vector<128x128xf32>, vector<1x128xf32> -> vector<1x128xf32>
    %mul3A_396 = arith.mulf %get3A_393, %get3A_393 : vector<128x128xf32>
    %dot_general3A_397 = arith.constant dense<0.000000e+00> : vector<1x128xf32>
    %dot_general3A_398 = tpu.matmul %broadcast_in_dim3A_0, %mul3A_396, %dot_general3A_397 {dimension_numbers = #tpu.dot_dimension_numbers<[1], [1], [0], [0], [0, 0, 1, 0], [], []>, transpose_lhs_hint = false} : vector<1x128xf32>, vector<128x128xf32>, vector<1x128xf32> -> vector<1x128xf32>
    %get3A_399 = arith.constant 1536 : index
    %get3A_400 = arith.constant 0 : index
    %get3A_401 = vector.load %arg4[%get3A_399, %get3A_400] : memref<4096x128xf32, #tpu.memory_space<vmem>>, vector<128x128xf32>
    %dot_general3A_402 = arith.constant dense<0.000000e+00> : vector<1x128xf32>
    %dot_general3A_403 = tpu.matmul %mul3A_10, %get3A_401, %dot_general3A_402 {dimension_numbers = #tpu.dot_dimension_numbers<[1], [1], [0], [0], [0, 0, 1, 0], [], []>, transpose_lhs_hint = false} : vector<1x128xf32>, vector<128x128xf32>, vector<1x128xf32> -> vector<1x128xf32>
    %mul3A_404 = arith.mulf %get3A_401, %get3A_401 : vector<128x128xf32>
    %dot_general3A_405 = arith.constant dense<0.000000e+00> : vector<1x128xf32>
    %dot_general3A_406 = tpu.matmul %broadcast_in_dim3A_0, %mul3A_404, %dot_general3A_405 {dimension_numbers = #tpu.dot_dimension_numbers<[1], [1], [0], [0], [0, 0, 1, 0], [], []>, transpose_lhs_hint = false} : vector<1x128xf32>, vector<128x128xf32>, vector<1x128xf32> -> vector<1x128xf32>
    %get3A_407 = arith.constant 1664 : index
    %get3A_408 = arith.constant 0 : index
    %get3A_409 = vector.load %arg4[%get3A_407, %get3A_408] : memref<4096x128xf32, #tpu.memory_space<vmem>>, vector<128x128xf32>
    %dot_general3A_410 = arith.constant dense<0.000000e+00> : vector<1x128xf32>
    %dot_general3A_411 = tpu.matmul %mul3A_10, %get3A_409, %dot_general3A_410 {dimension_numbers = #tpu.dot_dimension_numbers<[1], [1], [0], [0], [0, 0, 1, 0], [], []>, transpose_lhs_hint = false} : vector<1x128xf32>, vector<128x128xf32>, vector<1x128xf32> -> vector<1x128xf32>
    %mul3A_412 = arith.mulf %get3A_409, %get3A_409 : vector<128x128xf32>
    %dot_general3A_413 = arith.constant dense<0.000000e+00> : vector<1x128xf32>
    %dot_general3A_414 = tpu.matmul %broadcast_in_dim3A_0, %mul3A_412, %dot_general3A_413 {dimension_numbers = #tpu.dot_dimension_numbers<[1], [1], [0], [0], [0, 0, 1, 0], [], []>, transpose_lhs_hint = false} : vector<1x128xf32>, vector<128x128xf32>, vector<1x128xf32> -> vector<1x128xf32>
    %get3A_415 = arith.constant 1792 : index
    %get3A_416 = arith.constant 0 : index
    %get3A_417 = vector.load %arg4[%get3A_415, %get3A_416] : memref<4096x128xf32, #tpu.memory_space<vmem>>, vector<128x128xf32>
    %dot_general3A_418 = arith.constant dense<0.000000e+00> : vector<1x128xf32>
    %dot_general3A_419 = tpu.matmul %mul3A_10, %get3A_417, %dot_general3A_418 {dimension_numbers = #tpu.dot_dimension_numbers<[1], [1], [0], [0], [0, 0, 1, 0], [], []>, transpose_lhs_hint = false} : vector<1x128xf32>, vector<128x128xf32>, vector<1x128xf32> -> vector<1x128xf32>
    %mul3A_420 = arith.mulf %get3A_417, %get3A_417 : vector<128x128xf32>
    %dot_general3A_421 = arith.constant dense<0.000000e+00> : vector<1x128xf32>
    %dot_general3A_422 = tpu.matmul %broadcast_in_dim3A_0, %mul3A_420, %dot_general3A_421 {dimension_numbers = #tpu.dot_dimension_numbers<[1], [1], [0], [0], [0, 0, 1, 0], [], []>, transpose_lhs_hint = false} : vector<1x128xf32>, vector<128x128xf32>, vector<1x128xf32> -> vector<1x128xf32>
    %get3A_423 = arith.constant 1920 : index
    %get3A_424 = arith.constant 0 : index
    %get3A_425 = vector.load %arg4[%get3A_423, %get3A_424] : memref<4096x128xf32, #tpu.memory_space<vmem>>, vector<128x128xf32>
    %dot_general3A_426 = arith.constant dense<0.000000e+00> : vector<1x128xf32>
    %dot_general3A_427 = tpu.matmul %mul3A_10, %get3A_425, %dot_general3A_426 {dimension_numbers = #tpu.dot_dimension_numbers<[1], [1], [0], [0], [0, 0, 1, 0], [], []>, transpose_lhs_hint = false} : vector<1x128xf32>, vector<128x128xf32>, vector<1x128xf32> -> vector<1x128xf32>
    %mul3A_428 = arith.mulf %get3A_425, %get3A_425 : vector<128x128xf32>
    %dot_general3A_429 = arith.constant dense<0.000000e+00> : vector<1x128xf32>
    %dot_general3A_430 = tpu.matmul %broadcast_in_dim3A_0, %mul3A_428, %dot_general3A_429 {dimension_numbers = #tpu.dot_dimension_numbers<[1], [1], [0], [0], [0, 0, 1, 0], [], []>, transpose_lhs_hint = false} : vector<1x128xf32>, vector<128x128xf32>, vector<1x128xf32> -> vector<1x128xf32>
    %get3A_431 = arith.constant 2048 : index
    %get3A_432 = arith.constant 0 : index
    %get3A_433 = vector.load %arg4[%get3A_431, %get3A_432] : memref<4096x128xf32, #tpu.memory_space<vmem>>, vector<128x128xf32>
    %dot_general3A_434 = arith.constant dense<0.000000e+00> : vector<1x128xf32>
    %dot_general3A_435 = tpu.matmul %mul3A_10, %get3A_433, %dot_general3A_434 {dimension_numbers = #tpu.dot_dimension_numbers<[1], [1], [0], [0], [0, 0, 1, 0], [], []>, transpose_lhs_hint = false} : vector<1x128xf32>, vector<128x128xf32>, vector<1x128xf32> -> vector<1x128xf32>
    %mul3A_436 = arith.mulf %get3A_433, %get3A_433 : vector<128x128xf32>
    %dot_general3A_437 = arith.constant dense<0.000000e+00> : vector<1x128xf32>
    %dot_general3A_438 = tpu.matmul %broadcast_in_dim3A_0, %mul3A_436, %dot_general3A_437 {dimension_numbers = #tpu.dot_dimension_numbers<[1], [1], [0], [0], [0, 0, 1, 0], [], []>, transpose_lhs_hint = false} : vector<1x128xf32>, vector<128x128xf32>, vector<1x128xf32> -> vector<1x128xf32>
    %get3A_439 = arith.constant 2176 : index
    %get3A_440 = arith.constant 0 : index
    %get3A_441 = vector.load %arg4[%get3A_439, %get3A_440] : memref<4096x128xf32, #tpu.memory_space<vmem>>, vector<128x128xf32>
    %dot_general3A_442 = arith.constant dense<0.000000e+00> : vector<1x128xf32>
    %dot_general3A_443 = tpu.matmul %mul3A_10, %get3A_441, %dot_general3A_442 {dimension_numbers = #tpu.dot_dimension_numbers<[1], [1], [0], [0], [0, 0, 1, 0], [], []>, transpose_lhs_hint = false} : vector<1x128xf32>, vector<128x128xf32>, vector<1x128xf32> -> vector<1x128xf32>
    %mul3A_444 = arith.mulf %get3A_441, %get3A_441 : vector<128x128xf32>
    %dot_general3A_445 = arith.constant dense<0.000000e+00> : vector<1x128xf32>
    %dot_general3A_446 = tpu.matmul %broadcast_in_dim3A_0, %mul3A_444, %dot_general3A_445 {dimension_numbers = #tpu.dot_dimension_numbers<[1], [1], [0], [0], [0, 0, 1, 0], [], []>, transpose_lhs_hint = false} : vector<1x128xf32>, vector<128x128xf32>, vector<1x128xf32> -> vector<1x128xf32>
    %get3A_447 = arith.constant 2304 : index
    %get3A_448 = arith.constant 0 : index
    %get3A_449 = vector.load %arg4[%get3A_447, %get3A_448] : memref<4096x128xf32, #tpu.memory_space<vmem>>, vector<128x128xf32>
    %dot_general3A_450 = arith.constant dense<0.000000e+00> : vector<1x128xf32>
    %dot_general3A_451 = tpu.matmul %mul3A_10, %get3A_449, %dot_general3A_450 {dimension_numbers = #tpu.dot_dimension_numbers<[1], [1], [0], [0], [0, 0, 1, 0], [], []>, transpose_lhs_hint = false} : vector<1x128xf32>, vector<128x128xf32>, vector<1x128xf32> -> vector<1x128xf32>
    %mul3A_452 = arith.mulf %get3A_449, %get3A_449 : vector<128x128xf32>
    %dot_general3A_453 = arith.constant dense<0.000000e+00> : vector<1x128xf32>
    %dot_general3A_454 = tpu.matmul %broadcast_in_dim3A_0, %mul3A_452, %dot_general3A_453 {dimension_numbers = #tpu.dot_dimension_numbers<[1], [1], [0], [0], [0, 0, 1, 0], [], []>, transpose_lhs_hint = false} : vector<1x128xf32>, vector<128x128xf32>, vector<1x128xf32> -> vector<1x128xf32>
    %get3A_455 = arith.constant 2432 : index
    %get3A_456 = arith.constant 0 : index
    %get3A_457 = vector.load %arg4[%get3A_455, %get3A_456] : memref<4096x128xf32, #tpu.memory_space<vmem>>, vector<128x128xf32>
    %dot_general3A_458 = arith.constant dense<0.000000e+00> : vector<1x128xf32>
    %dot_general3A_459 = tpu.matmul %mul3A_10, %get3A_457, %dot_general3A_458 {dimension_numbers = #tpu.dot_dimension_numbers<[1], [1], [0], [0], [0, 0, 1, 0], [], []>, transpose_lhs_hint = false} : vector<1x128xf32>, vector<128x128xf32>, vector<1x128xf32> -> vector<1x128xf32>
    %mul3A_460 = arith.mulf %get3A_457, %get3A_457 : vector<128x128xf32>
    %dot_general3A_461 = arith.constant dense<0.000000e+00> : vector<1x128xf32>
    %dot_general3A_462 = tpu.matmul %broadcast_in_dim3A_0, %mul3A_460, %dot_general3A_461 {dimension_numbers = #tpu.dot_dimension_numbers<[1], [1], [0], [0], [0, 0, 1, 0], [], []>, transpose_lhs_hint = false} : vector<1x128xf32>, vector<128x128xf32>, vector<1x128xf32> -> vector<1x128xf32>
    %get3A_463 = arith.constant 2560 : index
    %get3A_464 = arith.constant 0 : index
    %get3A_465 = vector.load %arg4[%get3A_463, %get3A_464] : memref<4096x128xf32, #tpu.memory_space<vmem>>, vector<128x128xf32>
    %dot_general3A_466 = arith.constant dense<0.000000e+00> : vector<1x128xf32>
    %dot_general3A_467 = tpu.matmul %mul3A_10, %get3A_465, %dot_general3A_466 {dimension_numbers = #tpu.dot_dimension_numbers<[1], [1], [0], [0], [0, 0, 1, 0], [], []>, transpose_lhs_hint = false} : vector<1x128xf32>, vector<128x128xf32>, vector<1x128xf32> -> vector<1x128xf32>
    %mul3A_468 = arith.mulf %get3A_465, %get3A_465 : vector<128x128xf32>
    %dot_general3A_469 = arith.constant dense<0.000000e+00> : vector<1x128xf32>
    %dot_general3A_470 = tpu.matmul %broadcast_in_dim3A_0, %mul3A_468, %dot_general3A_469 {dimension_numbers = #tpu.dot_dimension_numbers<[1], [1], [0], [0], [0, 0, 1, 0], [], []>, transpose_lhs_hint = false} : vector<1x128xf32>, vector<128x128xf32>, vector<1x128xf32> -> vector<1x128xf32>
    %get3A_471 = arith.constant 2688 : index
    %get3A_472 = arith.constant 0 : index
    %get3A_473 = vector.load %arg4[%get3A_471, %get3A_472] : memref<4096x128xf32, #tpu.memory_space<vmem>>, vector<128x128xf32>
    %dot_general3A_474 = arith.constant dense<0.000000e+00> : vector<1x128xf32>
    %dot_general3A_475 = tpu.matmul %mul3A_10, %get3A_473, %dot_general3A_474 {dimension_numbers = #tpu.dot_dimension_numbers<[1], [1], [0], [0], [0, 0, 1, 0], [], []>, transpose_lhs_hint = false} : vector<1x128xf32>, vector<128x128xf32>, vector<1x128xf32> -> vector<1x128xf32>
    %mul3A_476 = arith.mulf %get3A_473, %get3A_473 : vector<128x128xf32>
    %dot_general3A_477 = arith.constant dense<0.000000e+00> : vector<1x128xf32>
    %dot_general3A_478 = tpu.matmul %broadcast_in_dim3A_0, %mul3A_476, %dot_general3A_477 {dimension_numbers = #tpu.dot_dimension_numbers<[1], [1], [0], [0], [0, 0, 1, 0], [], []>, transpose_lhs_hint = false} : vector<1x128xf32>, vector<128x128xf32>, vector<1x128xf32> -> vector<1x128xf32>
    %get3A_479 = arith.constant 2816 : index
    %get3A_480 = arith.constant 0 : index
    %get3A_481 = vector.load %arg4[%get3A_479, %get3A_480] : memref<4096x128xf32, #tpu.memory_space<vmem>>, vector<128x128xf32>
    %dot_general3A_482 = arith.constant dense<0.000000e+00> : vector<1x128xf32>
    %dot_general3A_483 = tpu.matmul %mul3A_10, %get3A_481, %dot_general3A_482 {dimension_numbers = #tpu.dot_dimension_numbers<[1], [1], [0], [0], [0, 0, 1, 0], [], []>, transpose_lhs_hint = false} : vector<1x128xf32>, vector<128x128xf32>, vector<1x128xf32> -> vector<1x128xf32>
    %mul3A_484 = arith.mulf %get3A_481, %get3A_481 : vector<128x128xf32>
    %dot_general3A_485 = arith.constant dense<0.000000e+00> : vector<1x128xf32>
    %dot_general3A_486 = tpu.matmul %broadcast_in_dim3A_0, %mul3A_484, %dot_general3A_485 {dimension_numbers = #tpu.dot_dimension_numbers<[1], [1], [0], [0], [0, 0, 1, 0], [], []>, transpose_lhs_hint = false} : vector<1x128xf32>, vector<128x128xf32>, vector<1x128xf32> -> vector<1x128xf32>
    %get3A_487 = arith.constant 2944 : index
    %get3A_488 = arith.constant 0 : index
    %get3A_489 = vector.load %arg4[%get3A_487, %get3A_488] : memref<4096x128xf32, #tpu.memory_space<vmem>>, vector<128x128xf32>
    %dot_general3A_490 = arith.constant dense<0.000000e+00> : vector<1x128xf32>
    %dot_general3A_491 = tpu.matmul %mul3A_10, %get3A_489, %dot_general3A_490 {dimension_numbers = #tpu.dot_dimension_numbers<[1], [1], [0], [0], [0, 0, 1, 0], [], []>, transpose_lhs_hint = false} : vector<1x128xf32>, vector<128x128xf32>, vector<1x128xf32> -> vector<1x128xf32>
    %mul3A_492 = arith.mulf %get3A_489, %get3A_489 : vector<128x128xf32>
    %dot_general3A_493 = arith.constant dense<0.000000e+00> : vector<1x128xf32>
    %dot_general3A_494 = tpu.matmul %broadcast_in_dim3A_0, %mul3A_492, %dot_general3A_493 {dimension_numbers = #tpu.dot_dimension_numbers<[1], [1], [0], [0], [0, 0, 1, 0], [], []>, transpose_lhs_hint = false} : vector<1x128xf32>, vector<128x128xf32>, vector<1x128xf32> -> vector<1x128xf32>
    %get3A_495 = arith.constant 3072 : index
    %get3A_496 = arith.constant 0 : index
    %get3A_497 = vector.load %arg4[%get3A_495, %get3A_496] : memref<4096x128xf32, #tpu.memory_space<vmem>>, vector<128x128xf32>
    %dot_general3A_498 = arith.constant dense<0.000000e+00> : vector<1x128xf32>
    %dot_general3A_499 = tpu.matmul %mul3A_10, %get3A_497, %dot_general3A_498 {dimension_numbers = #tpu.dot_dimension_numbers<[1], [1], [0], [0], [0, 0, 1, 0], [], []>, transpose_lhs_hint = false} : vector<1x128xf32>, vector<128x128xf32>, vector<1x128xf32> -> vector<1x128xf32>
    %mul3A_500 = arith.mulf %get3A_497, %get3A_497 : vector<128x128xf32>
    %dot_general3A_501 = arith.constant dense<0.000000e+00> : vector<1x128xf32>
    %dot_general3A_502 = tpu.matmul %broadcast_in_dim3A_0, %mul3A_500, %dot_general3A_501 {dimension_numbers = #tpu.dot_dimension_numbers<[1], [1], [0], [0], [0, 0, 1, 0], [], []>, transpose_lhs_hint = false} : vector<1x128xf32>, vector<128x128xf32>, vector<1x128xf32> -> vector<1x128xf32>
    %get3A_503 = arith.constant 3200 : index
    %get3A_504 = arith.constant 0 : index
    %get3A_505 = vector.load %arg4[%get3A_503, %get3A_504] : memref<4096x128xf32, #tpu.memory_space<vmem>>, vector<128x128xf32>
    %dot_general3A_506 = arith.constant dense<0.000000e+00> : vector<1x128xf32>
    %dot_general3A_507 = tpu.matmul %mul3A_10, %get3A_505, %dot_general3A_506 {dimension_numbers = #tpu.dot_dimension_numbers<[1], [1], [0], [0], [0, 0, 1, 0], [], []>, transpose_lhs_hint = false} : vector<1x128xf32>, vector<128x128xf32>, vector<1x128xf32> -> vector<1x128xf32>
    %mul3A_508 = arith.mulf %get3A_505, %get3A_505 : vector<128x128xf32>
    %dot_general3A_509 = arith.constant dense<0.000000e+00> : vector<1x128xf32>
    %dot_general3A_510 = tpu.matmul %broadcast_in_dim3A_0, %mul3A_508, %dot_general3A_509 {dimension_numbers = #tpu.dot_dimension_numbers<[1], [1], [0], [0], [0, 0, 1, 0], [], []>, transpose_lhs_hint = false} : vector<1x128xf32>, vector<128x128xf32>, vector<1x128xf32> -> vector<1x128xf32>
    %get3A_511 = arith.constant 3328 : index
    %get3A_512 = arith.constant 0 : index
    %get3A_513 = vector.load %arg4[%get3A_511, %get3A_512] : memref<4096x128xf32, #tpu.memory_space<vmem>>, vector<128x128xf32>
    %dot_general3A_514 = arith.constant dense<0.000000e+00> : vector<1x128xf32>
    %dot_general3A_515 = tpu.matmul %mul3A_10, %get3A_513, %dot_general3A_514 {dimension_numbers = #tpu.dot_dimension_numbers<[1], [1], [0], [0], [0, 0, 1, 0], [], []>, transpose_lhs_hint = false} : vector<1x128xf32>, vector<128x128xf32>, vector<1x128xf32> -> vector<1x128xf32>
    %mul3A_516 = arith.mulf %get3A_513, %get3A_513 : vector<128x128xf32>
    %dot_general3A_517 = arith.constant dense<0.000000e+00> : vector<1x128xf32>
    %dot_general3A_518 = tpu.matmul %broadcast_in_dim3A_0, %mul3A_516, %dot_general3A_517 {dimension_numbers = #tpu.dot_dimension_numbers<[1], [1], [0], [0], [0, 0, 1, 0], [], []>, transpose_lhs_hint = false} : vector<1x128xf32>, vector<128x128xf32>, vector<1x128xf32> -> vector<1x128xf32>
    %get3A_519 = arith.constant 3456 : index
    %get3A_520 = arith.constant 0 : index
    %get3A_521 = vector.load %arg4[%get3A_519, %get3A_520] : memref<4096x128xf32, #tpu.memory_space<vmem>>, vector<128x128xf32>
    %dot_general3A_522 = arith.constant dense<0.000000e+00> : vector<1x128xf32>
    %dot_general3A_523 = tpu.matmul %mul3A_10, %get3A_521, %dot_general3A_522 {dimension_numbers = #tpu.dot_dimension_numbers<[1], [1], [0], [0], [0, 0, 1, 0], [], []>, transpose_lhs_hint = false} : vector<1x128xf32>, vector<128x128xf32>, vector<1x128xf32> -> vector<1x128xf32>
    %mul3A_524 = arith.mulf %get3A_521, %get3A_521 : vector<128x128xf32>
    %dot_general3A_525 = arith.constant dense<0.000000e+00> : vector<1x128xf32>
    %dot_general3A_526 = tpu.matmul %broadcast_in_dim3A_0, %mul3A_524, %dot_general3A_525 {dimension_numbers = #tpu.dot_dimension_numbers<[1], [1], [0], [0], [0, 0, 1, 0], [], []>, transpose_lhs_hint = false} : vector<1x128xf32>, vector<128x128xf32>, vector<1x128xf32> -> vector<1x128xf32>
    %get3A_527 = arith.constant 3584 : index
    %get3A_528 = arith.constant 0 : index
    %get3A_529 = vector.load %arg4[%get3A_527, %get3A_528] : memref<4096x128xf32, #tpu.memory_space<vmem>>, vector<128x128xf32>
    %dot_general3A_530 = arith.constant dense<0.000000e+00> : vector<1x128xf32>
    %dot_general3A_531 = tpu.matmul %mul3A_10, %get3A_529, %dot_general3A_530 {dimension_numbers = #tpu.dot_dimension_numbers<[1], [1], [0], [0], [0, 0, 1, 0], [], []>, transpose_lhs_hint = false} : vector<1x128xf32>, vector<128x128xf32>, vector<1x128xf32> -> vector<1x128xf32>
    %mul3A_532 = arith.mulf %get3A_529, %get3A_529 : vector<128x128xf32>
    %dot_general3A_533 = arith.constant dense<0.000000e+00> : vector<1x128xf32>
    %dot_general3A_534 = tpu.matmul %broadcast_in_dim3A_0, %mul3A_532, %dot_general3A_533 {dimension_numbers = #tpu.dot_dimension_numbers<[1], [1], [0], [0], [0, 0, 1, 0], [], []>, transpose_lhs_hint = false} : vector<1x128xf32>, vector<128x128xf32>, vector<1x128xf32> -> vector<1x128xf32>
    %get3A_535 = arith.constant 3712 : index
    %get3A_536 = arith.constant 0 : index
    %get3A_537 = vector.load %arg4[%get3A_535, %get3A_536] : memref<4096x128xf32, #tpu.memory_space<vmem>>, vector<128x128xf32>
    %dot_general3A_538 = arith.constant dense<0.000000e+00> : vector<1x128xf32>
    %dot_general3A_539 = tpu.matmul %mul3A_10, %get3A_537, %dot_general3A_538 {dimension_numbers = #tpu.dot_dimension_numbers<[1], [1], [0], [0], [0, 0, 1, 0], [], []>, transpose_lhs_hint = false} : vector<1x128xf32>, vector<128x128xf32>, vector<1x128xf32> -> vector<1x128xf32>
    %mul3A_540 = arith.mulf %get3A_537, %get3A_537 : vector<128x128xf32>
    %dot_general3A_541 = arith.constant dense<0.000000e+00> : vector<1x128xf32>
    %dot_general3A_542 = tpu.matmul %broadcast_in_dim3A_0, %mul3A_540, %dot_general3A_541 {dimension_numbers = #tpu.dot_dimension_numbers<[1], [1], [0], [0], [0, 0, 1, 0], [], []>, transpose_lhs_hint = false} : vector<1x128xf32>, vector<128x128xf32>, vector<1x128xf32> -> vector<1x128xf32>
    %get3A_543 = arith.constant 3840 : index
    %get3A_544 = arith.constant 0 : index
    %get3A_545 = vector.load %arg4[%get3A_543, %get3A_544] : memref<4096x128xf32, #tpu.memory_space<vmem>>, vector<128x128xf32>
    %dot_general3A_546 = arith.constant dense<0.000000e+00> : vector<1x128xf32>
    %dot_general3A_547 = tpu.matmul %mul3A_10, %get3A_545, %dot_general3A_546 {dimension_numbers = #tpu.dot_dimension_numbers<[1], [1], [0], [0], [0, 0, 1, 0], [], []>, transpose_lhs_hint = false} : vector<1x128xf32>, vector<128x128xf32>, vector<1x128xf32> -> vector<1x128xf32>
    %mul3A_548 = arith.mulf %get3A_545, %get3A_545 : vector<128x128xf32>
    %dot_general3A_549 = arith.constant dense<0.000000e+00> : vector<1x128xf32>
    %dot_general3A_550 = tpu.matmul %broadcast_in_dim3A_0, %mul3A_548, %dot_general3A_549 {dimension_numbers = #tpu.dot_dimension_numbers<[1], [1], [0], [0], [0, 0, 1, 0], [], []>, transpose_lhs_hint = false} : vector<1x128xf32>, vector<128x128xf32>, vector<1x128xf32> -> vector<1x128xf32>
    %get3A_551 = arith.constant 3968 : index
    %get3A_552 = arith.constant 0 : index
    %get3A_553 = vector.load %arg4[%get3A_551, %get3A_552] : memref<4096x128xf32, #tpu.memory_space<vmem>>, vector<128x128xf32>
    %dot_general3A_554 = arith.constant dense<0.000000e+00> : vector<1x128xf32>
    %dot_general3A_555 = tpu.matmul %mul3A_10, %get3A_553, %dot_general3A_554 {dimension_numbers = #tpu.dot_dimension_numbers<[1], [1], [0], [0], [0, 0, 1, 0], [], []>, transpose_lhs_hint = false} : vector<1x128xf32>, vector<128x128xf32>, vector<1x128xf32> -> vector<1x128xf32>
    %mul3A_556 = arith.mulf %get3A_553, %get3A_553 : vector<128x128xf32>
    %dot_general3A_557 = arith.constant dense<0.000000e+00> : vector<1x128xf32>
    %dot_general3A_558 = tpu.matmul %broadcast_in_dim3A_0, %mul3A_556, %dot_general3A_557 {dimension_numbers = #tpu.dot_dimension_numbers<[1], [1], [0], [0], [0, 0, 1, 0], [], []>, transpose_lhs_hint = false} : vector<1x128xf32>, vector<128x128xf32>, vector<1x128xf32> -> vector<1x128xf32>
    %concatenate3A = tpu.concatenate %dot_general3A_307, %dot_general3A_315, %dot_general3A_323, %dot_general3A_331, %dot_general3A_339, %dot_general3A_347, %dot_general3A_355, %dot_general3A_363, %dot_general3A_371, %dot_general3A_379, %dot_general3A_387, %dot_general3A_395, %dot_general3A_403, %dot_general3A_411, %dot_general3A_419, %dot_general3A_427, %dot_general3A_435, %dot_general3A_443, %dot_general3A_451, %dot_general3A_459, %dot_general3A_467, %dot_general3A_475, %dot_general3A_483, %dot_general3A_491, %dot_general3A_499, %dot_general3A_507, %dot_general3A_515, %dot_general3A_523, %dot_general3A_531, %dot_general3A_539, %dot_general3A_547, %dot_general3A_555 in 0 : vector<1x128xf32>, vector<1x128xf32>, vector<1x128xf32>, vector<1x128xf32>, vector<1x128xf32>, vector<1x128xf32>, vector<1x128xf32>, vector<1x128xf32>, vector<1x128xf32>, vector<1x128xf32>, vector<1x128xf32>, vector<1x128xf32>, vector<1x128xf32>, vector<1x128xf32>, vector<1x128xf32>, vector<1x128xf32>, vector<1x128xf32>, vector<1x128xf32>, vector<1x128xf32>, vector<1x128xf32>, vector<1x128xf32>, vector<1x128xf32>, vector<1x128xf32>, vector<1x128xf32>, vector<1x128xf32>, vector<1x128xf32>, vector<1x128xf32>, vector<1x128xf32>, vector<1x128xf32>, vector<1x128xf32>, vector<1x128xf32>, vector<1x128xf32> -> vector<32x128xf32>
    %concatenate3A_559 = tpu.concatenate %dot_general3A_310, %dot_general3A_318, %dot_general3A_326, %dot_general3A_334, %dot_general3A_342, %dot_general3A_350, %dot_general3A_358, %dot_general3A_366, %dot_general3A_374, %dot_general3A_382, %dot_general3A_390, %dot_general3A_398, %dot_general3A_406, %dot_general3A_414, %dot_general3A_422, %dot_general3A_430, %dot_general3A_438, %dot_general3A_446, %dot_general3A_454, %dot_general3A_462, %dot_general3A_470, %dot_general3A_478, %dot_general3A_486, %dot_general3A_494, %dot_general3A_502, %dot_general3A_510, %dot_general3A_518, %dot_general3A_526, %dot_general3A_534, %dot_general3A_542, %dot_general3A_550, %dot_general3A_558 in 0 : vector<1x128xf32>, vector<1x128xf32>, vector<1x128xf32>, vector<1x128xf32>, vector<1x128xf32>, vector<1x128xf32>, vector<1x128xf32>, vector<1x128xf32>, vector<1x128xf32>, vector<1x128xf32>, vector<1x128xf32>, vector<1x128xf32>, vector<1x128xf32>, vector<1x128xf32>, vector<1x128xf32>, vector<1x128xf32>, vector<1x128xf32>, vector<1x128xf32>, vector<1x128xf32>, vector<1x128xf32>, vector<1x128xf32>, vector<1x128xf32>, vector<1x128xf32>, vector<1x128xf32>, vector<1x128xf32>, vector<1x128xf32>, vector<1x128xf32>, vector<1x128xf32>, vector<1x128xf32>, vector<1x128xf32>, vector<1x128xf32>, vector<1x128xf32> -> vector<32x128xf32>
    %sqrt3A_560 = math.sqrt %concatenate3A_559 : vector<32x128xf32>
    %max3A_561 = arith.constant 9.99999996E-13 : f32
    %max3A_562 = vector.broadcast %max3A_561 : f32 to vector<32x128xf32>
    %max3A_563 = arith.maximumf %sqrt3A_560, %max3A_562 : vector<32x128xf32>
    %div3A_564 = arith.constant 1.000000e+00 : f32
    %div3A_565 = vector.broadcast %div3A_564 : f32 to vector<32x128xf32>
    %div3A_566 = arith.divf %div3A_565, %max3A_563 : vector<32x128xf32>
    %mul3A_567 = arith.mulf %concatenate3A, %div3A_566 : vector<32x128xf32>
    %mul3A_568 = arith.mulf %concatenate3A_559, %div3A_566 : vector<32x128xf32>
    %mul3A_569 = arith.mulf %mul3A_568, %div3A_566 : vector<32x128xf32>
    %mul3A_570 = arith.constant 2.000000e+00 : f32
    %mul3A_571 = vector.broadcast %mul3A_570 : f32 to vector<32x128xf32>
    %mul3A_572 = arith.mulf %mul3A_571, %mul3A_567 : vector<32x128xf32>
    %sub3A_573 = arith.subf %mul3A_572, %mul3A_569 : vector<32x128xf32>
    %sub3A_574 = vector.broadcast %mul3A_12 : f32 to vector<32x128xf32>
    %sub3A_575 = arith.subf %sub3A_573, %sub3A_574 : vector<32x128xf32>
    %get3A_576 = arith.constant 0 : index
    %get3A_577 = arith.constant 0 : index
    %get3A_578 = vector.load %arg5[%get3A_576, %get3A_577] : memref<32x128xf32, #tpu.memory_space<vmem>>, vector<32x128xf32>
    %sub3A_579 = vector.broadcast %get3A_58 : f32 to vector<32x128xf32>
    %sub3A_580 = arith.subf %sub3A_579, %get3A_578 : vector<32x128xf32>
    %get3A_581 = arith.constant 0 : index
    %get3A_582 = arith.constant 0 : index
    %get3A_583 = vector.load %arg10[%get3A_581, %get3A_582] : memref<1x16xf32, #tpu.memory_space<vmem>>, vector<1x1xf32>
    %get3A_584 = vector.extract %get3A_583[0, 0] : f32 from vector<1x1xf32>
    %mul3A_585 = vector.broadcast %get3A_584 : f32 to vector<32x128xf32>
    %mul3A_586 = arith.mulf %mul3A_585, %sub3A_580 : vector<32x128xf32>
    %get3A_587 = arith.constant 0 : index
    %get3A_588 = arith.constant 0 : index
    %get3A_589 = vector.load %arg11[%get3A_587, %get3A_588] : memref<1x16xf32, #tpu.memory_space<vmem>>, vector<1x1xf32>
    %get3A_590 = vector.extract %get3A_589[0, 0] : f32 from vector<1x1xf32>
    %add3A_591 = vector.broadcast %get3A_590 : f32 to vector<32x128xf32>
    %add3A_592 = arith.addf %mul3A_586, %add3A_591 : vector<32x128xf32>
    %get3A_593 = arith.constant 0 : index
    %get3A_594 = arith.constant 1 : index
    %get3A_595 = vector.load %arg10[%get3A_593, %get3A_594] : memref<1x16xf32, #tpu.memory_space<vmem>>, vector<1x1xf32>
    %get3A_596 = vector.extract %get3A_595[0, 0] : f32 from vector<1x1xf32>
    %mul3A_597 = vector.broadcast %get3A_596 : f32 to vector<32x128xf32>
    %mul3A_598 = arith.mulf %mul3A_597, %sub3A_580 : vector<32x128xf32>
    %get3A_599 = arith.constant 0 : index
    %get3A_600 = arith.constant 1 : index
    %get3A_601 = vector.load %arg11[%get3A_599, %get3A_600] : memref<1x16xf32, #tpu.memory_space<vmem>>, vector<1x1xf32>
    %get3A_602 = vector.extract %get3A_601[0, 0] : f32 from vector<1x1xf32>
    %add3A_603 = vector.broadcast %get3A_602 : f32 to vector<32x128xf32>
    %add3A_604 = arith.addf %mul3A_598, %add3A_603 : vector<32x128xf32>
    %sin3A_605 = math.sin %add3A_604 : vector<32x128xf32>
    %add3A_606 = arith.addf %add3A_592, %sin3A_605 : vector<32x128xf32>
    %get3A_607 = arith.constant 0 : index
    %get3A_608 = arith.constant 2 : index
    %get3A_609 = vector.load %arg10[%get3A_607, %get3A_608] : memref<1x16xf32, #tpu.memory_space<vmem>>, vector<1x1xf32>
    %get3A_610 = vector.extract %get3A_609[0, 0] : f32 from vector<1x1xf32>
    %mul3A_611 = vector.broadcast %get3A_610 : f32 to vector<32x128xf32>
    %mul3A_612 = arith.mulf %mul3A_611, %sub3A_580 : vector<32x128xf32>
    %get3A_613 = arith.constant 0 : index
    %get3A_614 = arith.constant 2 : index
    %get3A_615 = vector.load %arg11[%get3A_613, %get3A_614] : memref<1x16xf32, #tpu.memory_space<vmem>>, vector<1x1xf32>
    %get3A_616 = vector.extract %get3A_615[0, 0] : f32 from vector<1x1xf32>
    %add3A_617 = vector.broadcast %get3A_616 : f32 to vector<32x128xf32>
    %add3A_618 = arith.addf %mul3A_612, %add3A_617 : vector<32x128xf32>
    %sin3A_619 = math.sin %add3A_618 : vector<32x128xf32>
    %add3A_620 = arith.addf %add3A_606, %sin3A_619 : vector<32x128xf32>
    %get3A_621 = arith.constant 0 : index
    %get3A_622 = arith.constant 3 : index
    %get3A_623 = vector.load %arg10[%get3A_621, %get3A_622] : memref<1x16xf32, #tpu.memory_space<vmem>>, vector<1x1xf32>
    %get3A_624 = vector.extract %get3A_623[0, 0] : f32 from vector<1x1xf32>
    %mul3A_625 = vector.broadcast %get3A_624 : f32 to vector<32x128xf32>
    %mul3A_626 = arith.mulf %mul3A_625, %sub3A_580 : vector<32x128xf32>
    %get3A_627 = arith.constant 0 : index
    %get3A_628 = arith.constant 3 : index
    %get3A_629 = vector.load %arg11[%get3A_627, %get3A_628] : memref<1x16xf32, #tpu.memory_space<vmem>>, vector<1x1xf32>
    %get3A_630 = vector.extract %get3A_629[0, 0] : f32 from vector<1x1xf32>
    %add3A_631 = vector.broadcast %get3A_630 : f32 to vector<32x128xf32>
    %add3A_632 = arith.addf %mul3A_626, %add3A_631 : vector<32x128xf32>
    %sin3A_633 = math.sin %add3A_632 : vector<32x128xf32>
    %add3A_634 = arith.addf %add3A_620, %sin3A_633 : vector<32x128xf32>
    %get3A_635 = arith.constant 0 : index
    %get3A_636 = arith.constant 4 : index
    %get3A_637 = vector.load %arg10[%get3A_635, %get3A_636] : memref<1x16xf32, #tpu.memory_space<vmem>>, vector<1x1xf32>
    %get3A_638 = vector.extract %get3A_637[0, 0] : f32 from vector<1x1xf32>
    %mul3A_639 = vector.broadcast %get3A_638 : f32 to vector<32x128xf32>
    %mul3A_640 = arith.mulf %mul3A_639, %sub3A_580 : vector<32x128xf32>
    %get3A_641 = arith.constant 0 : index
    %get3A_642 = arith.constant 4 : index
    %get3A_643 = vector.load %arg11[%get3A_641, %get3A_642] : memref<1x16xf32, #tpu.memory_space<vmem>>, vector<1x1xf32>
    %get3A_644 = vector.extract %get3A_643[0, 0] : f32 from vector<1x1xf32>
    %add3A_645 = vector.broadcast %get3A_644 : f32 to vector<32x128xf32>
    %add3A_646 = arith.addf %mul3A_640, %add3A_645 : vector<32x128xf32>
    %sin3A_647 = math.sin %add3A_646 : vector<32x128xf32>
    %add3A_648 = arith.addf %add3A_634, %sin3A_647 : vector<32x128xf32>
    %get3A_649 = arith.constant 0 : index
    %get3A_650 = arith.constant 5 : index
    %get3A_651 = vector.load %arg10[%get3A_649, %get3A_650] : memref<1x16xf32, #tpu.memory_space<vmem>>, vector<1x1xf32>
    %get3A_652 = vector.extract %get3A_651[0, 0] : f32 from vector<1x1xf32>
    %mul3A_653 = vector.broadcast %get3A_652 : f32 to vector<32x128xf32>
    %mul3A_654 = arith.mulf %mul3A_653, %sub3A_580 : vector<32x128xf32>
    %get3A_655 = arith.constant 0 : index
    %get3A_656 = arith.constant 5 : index
    %get3A_657 = vector.load %arg11[%get3A_655, %get3A_656] : memref<1x16xf32, #tpu.memory_space<vmem>>, vector<1x1xf32>
    %get3A_658 = vector.extract %get3A_657[0, 0] : f32 from vector<1x1xf32>
    %add3A_659 = vector.broadcast %get3A_658 : f32 to vector<32x128xf32>
    %add3A_660 = arith.addf %mul3A_654, %add3A_659 : vector<32x128xf32>
    %sin3A_661 = math.sin %add3A_660 : vector<32x128xf32>
    %add3A_662 = arith.addf %add3A_648, %sin3A_661 : vector<32x128xf32>
    %get3A_663 = arith.constant 0 : index
    %get3A_664 = arith.constant 6 : index
    %get3A_665 = vector.load %arg10[%get3A_663, %get3A_664] : memref<1x16xf32, #tpu.memory_space<vmem>>, vector<1x1xf32>
    %get3A_666 = vector.extract %get3A_665[0, 0] : f32 from vector<1x1xf32>
    %mul3A_667 = vector.broadcast %get3A_666 : f32 to vector<32x128xf32>
    %mul3A_668 = arith.mulf %mul3A_667, %sub3A_580 : vector<32x128xf32>
    %get3A_669 = arith.constant 0 : index
    %get3A_670 = arith.constant 6 : index
    %get3A_671 = vector.load %arg11[%get3A_669, %get3A_670] : memref<1x16xf32, #tpu.memory_space<vmem>>, vector<1x1xf32>
    %get3A_672 = vector.extract %get3A_671[0, 0] : f32 from vector<1x1xf32>
    %add3A_673 = vector.broadcast %get3A_672 : f32 to vector<32x128xf32>
    %add3A_674 = arith.addf %mul3A_668, %add3A_673 : vector<32x128xf32>
    %sin3A_675 = math.sin %add3A_674 : vector<32x128xf32>
    %add3A_676 = arith.addf %add3A_662, %sin3A_675 : vector<32x128xf32>
    %get3A_677 = arith.constant 0 : index
    %get3A_678 = arith.constant 7 : index
    %get3A_679 = vector.load %arg10[%get3A_677, %get3A_678] : memref<1x16xf32, #tpu.memory_space<vmem>>, vector<1x1xf32>
    %get3A_680 = vector.extract %get3A_679[0, 0] : f32 from vector<1x1xf32>
    %mul3A_681 = vector.broadcast %get3A_680 : f32 to vector<32x128xf32>
    %mul3A_682 = arith.mulf %mul3A_681, %sub3A_580 : vector<32x128xf32>
    %get3A_683 = arith.constant 0 : index
    %get3A_684 = arith.constant 7 : index
    %get3A_685 = vector.load %arg11[%get3A_683, %get3A_684] : memref<1x16xf32, #tpu.memory_space<vmem>>, vector<1x1xf32>
    %get3A_686 = vector.extract %get3A_685[0, 0] : f32 from vector<1x1xf32>
    %add3A_687 = vector.broadcast %get3A_686 : f32 to vector<32x128xf32>
    %add3A_688 = arith.addf %mul3A_682, %add3A_687 : vector<32x128xf32>
    %sin3A_689 = math.sin %add3A_688 : vector<32x128xf32>
    %add3A_690 = arith.addf %add3A_676, %sin3A_689 : vector<32x128xf32>
    %get3A_691 = arith.constant 0 : index
    %get3A_692 = arith.constant 8 : index
    %get3A_693 = vector.load %arg10[%get3A_691, %get3A_692] : memref<1x16xf32, #tpu.memory_space<vmem>>, vector<1x1xf32>
    %get3A_694 = vector.extract %get3A_693[0, 0] : f32 from vector<1x1xf32>
    %mul3A_695 = vector.broadcast %get3A_694 : f32 to vector<32x128xf32>
    %mul3A_696 = arith.mulf %mul3A_695, %sub3A_580 : vector<32x128xf32>
    %get3A_697 = arith.constant 0 : index
    %get3A_698 = arith.constant 8 : index
    %get3A_699 = vector.load %arg11[%get3A_697, %get3A_698] : memref<1x16xf32, #tpu.memory_space<vmem>>, vector<1x1xf32>
    %get3A_700 = vector.extract %get3A_699[0, 0] : f32 from vector<1x1xf32>
    %add3A_701 = vector.broadcast %get3A_700 : f32 to vector<32x128xf32>
    %add3A_702 = arith.addf %mul3A_696, %add3A_701 : vector<32x128xf32>
    %sin3A_703 = math.sin %add3A_702 : vector<32x128xf32>
    %add3A_704 = arith.addf %add3A_690, %sin3A_703 : vector<32x128xf32>
    %get3A_705 = arith.constant 0 : index
    %get3A_706 = arith.constant 9 : index
    %get3A_707 = vector.load %arg10[%get3A_705, %get3A_706] : memref<1x16xf32, #tpu.memory_space<vmem>>, vector<1x1xf32>
    %get3A_708 = vector.extract %get3A_707[0, 0] : f32 from vector<1x1xf32>
    %mul3A_709 = vector.broadcast %get3A_708 : f32 to vector<32x128xf32>
    %mul3A_710 = arith.mulf %mul3A_709, %sub3A_580 : vector<32x128xf32>
    %get3A_711 = arith.constant 0 : index
    %get3A_712 = arith.constant 9 : index
    %get3A_713 = vector.load %arg11[%get3A_711, %get3A_712] : memref<1x16xf32, #tpu.memory_space<vmem>>, vector<1x1xf32>
    %get3A_714 = vector.extract %get3A_713[0, 0] : f32 from vector<1x1xf32>
    %add3A_715 = vector.broadcast %get3A_714 : f32 to vector<32x128xf32>
    %add3A_716 = arith.addf %mul3A_710, %add3A_715 : vector<32x128xf32>
    %sin3A_717 = math.sin %add3A_716 : vector<32x128xf32>
    %add3A_718 = arith.addf %add3A_704, %sin3A_717 : vector<32x128xf32>
    %get3A_719 = arith.constant 0 : index
    %get3A_720 = arith.constant 10 : index
    %get3A_721 = vector.load %arg10[%get3A_719, %get3A_720] : memref<1x16xf32, #tpu.memory_space<vmem>>, vector<1x1xf32>
    %get3A_722 = vector.extract %get3A_721[0, 0] : f32 from vector<1x1xf32>
    %mul3A_723 = vector.broadcast %get3A_722 : f32 to vector<32x128xf32>
    %mul3A_724 = arith.mulf %mul3A_723, %sub3A_580 : vector<32x128xf32>
    %get3A_725 = arith.constant 0 : index
    %get3A_726 = arith.constant 10 : index
    %get3A_727 = vector.load %arg11[%get3A_725, %get3A_726] : memref<1x16xf32, #tpu.memory_space<vmem>>, vector<1x1xf32>
    %get3A_728 = vector.extract %get3A_727[0, 0] : f32 from vector<1x1xf32>
    %add3A_729 = vector.broadcast %get3A_728 : f32 to vector<32x128xf32>
    %add3A_730 = arith.addf %mul3A_724, %add3A_729 : vector<32x128xf32>
    %sin3A_731 = math.sin %add3A_730 : vector<32x128xf32>
    %add3A_732 = arith.addf %add3A_718, %sin3A_731 : vector<32x128xf32>
    %get3A_733 = arith.constant 0 : index
    %get3A_734 = arith.constant 11 : index
    %get3A_735 = vector.load %arg10[%get3A_733, %get3A_734] : memref<1x16xf32, #tpu.memory_space<vmem>>, vector<1x1xf32>
    %get3A_736 = vector.extract %get3A_735[0, 0] : f32 from vector<1x1xf32>
    %mul3A_737 = vector.broadcast %get3A_736 : f32 to vector<32x128xf32>
    %mul3A_738 = arith.mulf %mul3A_737, %sub3A_580 : vector<32x128xf32>
    %get3A_739 = arith.constant 0 : index
    %get3A_740 = arith.constant 11 : index
    %get3A_741 = vector.load %arg11[%get3A_739, %get3A_740] : memref<1x16xf32, #tpu.memory_space<vmem>>, vector<1x1xf32>
    %get3A_742 = vector.extract %get3A_741[0, 0] : f32 from vector<1x1xf32>
    %add3A_743 = vector.broadcast %get3A_742 : f32 to vector<32x128xf32>
    %add3A_744 = arith.addf %mul3A_738, %add3A_743 : vector<32x128xf32>
    %sin3A_745 = math.sin %add3A_744 : vector<32x128xf32>
    %add3A_746 = arith.addf %add3A_732, %sin3A_745 : vector<32x128xf32>
    %get3A_747 = arith.constant 0 : index
    %get3A_748 = arith.constant 12 : index
    %get3A_749 = vector.load %arg10[%get3A_747, %get3A_748] : memref<1x16xf32, #tpu.memory_space<vmem>>, vector<1x1xf32>
    %get3A_750 = vector.extract %get3A_749[0, 0] : f32 from vector<1x1xf32>
    %mul3A_751 = vector.broadcast %get3A_750 : f32 to vector<32x128xf32>
    %mul3A_752 = arith.mulf %mul3A_751, %sub3A_580 : vector<32x128xf32>
    %get3A_753 = arith.constant 0 : index
    %get3A_754 = arith.constant 12 : index
    %get3A_755 = vector.load %arg11[%get3A_753, %get3A_754] : memref<1x16xf32, #tpu.memory_space<vmem>>, vector<1x1xf32>
    %get3A_756 = vector.extract %get3A_755[0, 0] : f32 from vector<1x1xf32>
    %add3A_757 = vector.broadcast %get3A_756 : f32 to vector<32x128xf32>
    %add3A_758 = arith.addf %mul3A_752, %add3A_757 : vector<32x128xf32>
    %sin3A_759 = math.sin %add3A_758 : vector<32x128xf32>
    %add3A_760 = arith.addf %add3A_746, %sin3A_759 : vector<32x128xf32>
    %get3A_761 = arith.constant 0 : index
    %get3A_762 = arith.constant 13 : index
    %get3A_763 = vector.load %arg10[%get3A_761, %get3A_762] : memref<1x16xf32, #tpu.memory_space<vmem>>, vector<1x1xf32>
    %get3A_764 = vector.extract %get3A_763[0, 0] : f32 from vector<1x1xf32>
    %mul3A_765 = vector.broadcast %get3A_764 : f32 to vector<32x128xf32>
    %mul3A_766 = arith.mulf %mul3A_765, %sub3A_580 : vector<32x128xf32>
    %get3A_767 = arith.constant 0 : index
    %get3A_768 = arith.constant 13 : index
    %get3A_769 = vector.load %arg11[%get3A_767, %get3A_768] : memref<1x16xf32, #tpu.memory_space<vmem>>, vector<1x1xf32>
    %get3A_770 = vector.extract %get3A_769[0, 0] : f32 from vector<1x1xf32>
    %add3A_771 = vector.broadcast %get3A_770 : f32 to vector<32x128xf32>
    %add3A_772 = arith.addf %mul3A_766, %add3A_771 : vector<32x128xf32>
    %sin3A_773 = math.sin %add3A_772 : vector<32x128xf32>
    %add3A_774 = arith.addf %add3A_760, %sin3A_773 : vector<32x128xf32>
    %get3A_775 = arith.constant 0 : index
    %get3A_776 = arith.constant 14 : index
    %get3A_777 = vector.load %arg10[%get3A_775, %get3A_776] : memref<1x16xf32, #tpu.memory_space<vmem>>, vector<1x1xf32>
    %get3A_778 = vector.extract %get3A_777[0, 0] : f32 from vector<1x1xf32>
    %mul3A_779 = vector.broadcast %get3A_778 : f32 to vector<32x128xf32>
    %mul3A_780 = arith.mulf %mul3A_779, %sub3A_580 : vector<32x128xf32>
    %get3A_781 = arith.constant 0 : index
    %get3A_782 = arith.constant 14 : index
    %get3A_783 = vector.load %arg11[%get3A_781, %get3A_782] : memref<1x16xf32, #tpu.memory_space<vmem>>, vector<1x1xf32>
    %get3A_784 = vector.extract %get3A_783[0, 0] : f32 from vector<1x1xf32>
    %add3A_785 = vector.broadcast %get3A_784 : f32 to vector<32x128xf32>
    %add3A_786 = arith.addf %mul3A_780, %add3A_785 : vector<32x128xf32>
    %sin3A_787 = math.sin %add3A_786 : vector<32x128xf32>
    %add3A_788 = arith.addf %add3A_774, %sin3A_787 : vector<32x128xf32>
    %get3A_789 = arith.constant 0 : index
    %get3A_790 = arith.constant 15 : index
    %get3A_791 = vector.load %arg10[%get3A_789, %get3A_790] : memref<1x16xf32, #tpu.memory_space<vmem>>, vector<1x1xf32>
    %get3A_792 = vector.extract %get3A_791[0, 0] : f32 from vector<1x1xf32>
    %mul3A_793 = vector.broadcast %get3A_792 : f32 to vector<32x128xf32>
    %mul3A_794 = arith.mulf %mul3A_793, %sub3A_580 : vector<32x128xf32>
    %get3A_795 = arith.constant 0 : index
    %get3A_796 = arith.constant 15 : index
    %get3A_797 = vector.load %arg11[%get3A_795, %get3A_796] : memref<1x16xf32, #tpu.memory_space<vmem>>, vector<1x1xf32>
    %get3A_798 = vector.extract %get3A_797[0, 0] : f32 from vector<1x1xf32>
    %add3A_799 = vector.broadcast %get3A_798 : f32 to vector<32x128xf32>
    %add3A_800 = arith.addf %mul3A_794, %add3A_799 : vector<32x128xf32>
    %sin3A_801 = math.sin %add3A_800 : vector<32x128xf32>
    %add3A_802 = arith.addf %add3A_788, %sin3A_801 : vector<32x128xf32>
    %mul3A_803 = arith.constant 14.2857141 : f32
    %mul3A_804 = vector.broadcast %mul3A_803 : f32 to vector<32x128xf32>
    %mul3A_805 = arith.mulf %sub3A_575, %mul3A_804 : vector<32x128xf32>
    %exp3A_806 = math.exp %mul3A_805 : vector<32x128xf32>
    %neg3A_807 = arith.constant 0.000000e+00 : f32
    %neg3A_808 = vector.broadcast %neg3A_807 : f32 to vector<32x128xf32>
    %neg3A_809 = arith.subf %neg3A_808, %add3A_802 : vector<32x128xf32>
    %exp3A_810 = math.exp %neg3A_809 : vector<32x128xf32>
    %mul3A_811 = arith.mulf %exp3A_806, %exp3A_810 : vector<32x128xf32>
    %iota3A = tpu.iota {dimensions = array<i32: 0>} : vector<64x32xi32>
    %iota3A_812 = tpu.iota {dimensions = array<i32: 1>} : vector<64x32xi32>
    %shift_right_arithmetic3A = arith.constant 1 : i32
    %shift_right_arithmetic3A_813 = vector.broadcast %shift_right_arithmetic3A : i32 to vector<64x32xi32>
    %shift_right_arithmetic3A_814 = arith.shrsi %iota3A, %shift_right_arithmetic3A_813 : vector<64x32xi32>
    %eq3A = arith.cmpi eq, %iota3A_812, %shift_right_arithmetic3A_814 : vector<64x32xi32>
    %jit3A = arith.constant 1.000000e+00 : f32
    %jit3A_815 = arith.constant 0.000000e+00 : f32
    %broadcast_in_dim3A_816 = vector.broadcast %jit3A : f32 to vector<64x32xf32>
    %broadcast_in_dim3A_817 = vector.broadcast %jit3A_815 : f32 to vector<64x32xf32>
    %select_n3A = arith.select %eq3A, %broadcast_in_dim3A_816, %broadcast_in_dim3A_817 : vector<64x32xi1>, vector<64x32xf32>
    %iota3A_818 = tpu.iota {dimensions = array<i32: 0>} : vector<64x128xi32>
    %iota3A_819 = tpu.iota {dimensions = array<i32: 1>} : vector<64x128xi32>
    %ge3A = arith.constant 64 : i32
    %ge3A_820 = vector.broadcast %ge3A : i32 to vector<64x128xi32>
    %ge3A_821 = arith.cmpi sge, %iota3A_819, %ge3A_820 : vector<64x128xi32>
    %and3A = arith.constant 1 : i32
    %and3A_822 = vector.broadcast %and3A : i32 to vector<64x128xi32>
    %and3A_823 = arith.andi %iota3A_818, %and3A_822 : vector<64x128xi32>
    %eq3A_824 = arith.constant 1 : i32
    %eq3A_825 = vector.broadcast %eq3A_824 : i32 to vector<64x128xi32>
    %eq3A_826 = arith.cmpi eq, %and3A_823, %eq3A_825 : vector<64x128xi32>
    %eq3A_827 = arith.xori %ge3A_821, %eq3A_826 : vector<64x128xi1>
    %eq3A_828 = arith.constant dense<true> : vector<64x128xi1>
    %eq3A_829 = arith.xori %eq3A_827, %eq3A_828 : vector<64x128xi1>
    %jit3A_830 = arith.constant 1.000000e+00 : f32
    %jit3A_831 = arith.constant 0.000000e+00 : f32
    %broadcast_in_dim3A_832 = vector.broadcast %jit3A_830 : f32 to vector<64x128xf32>
    %broadcast_in_dim3A_833 = vector.broadcast %jit3A_831 : f32 to vector<64x128xf32>
    %select_n3A_834 = arith.select %eq3A_829, %broadcast_in_dim3A_832, %broadcast_in_dim3A_833 : vector<64x128xi1>, vector<64x128xf32>
    %dot_general3A_835 = arith.constant dense<0.000000e+00> : vector<64x128xf32>
    %dot_general3A_836 = tpu.matmul %select_n3A, %mul3A_811, %dot_general3A_835 {dimension_numbers = #tpu.dot_dimension_numbers<[1], [0], [0], [1], [0, 0, 1, 1], [], []>, transpose_lhs_hint = false} : vector<64x32xf32>, vector<32x128xf32>, vector<64x128xf32> -> vector<64x128xf32>
    %mul3A_837 = arith.mulf %dot_general3A_836, %select_n3A_834 : vector<64x128xf32>
    %reduce_sum3A_838 = arith.constant dense<0.000000e+00> : vector<64xf32>
    %reduce_sum3A_839 = vector.multi_reduction <add>, %mul3A_837, %reduce_sum3A_838 [1] : vector<64x128xf32> to vector<64xf32>
    %broadcast_in_dim3A_840 = vector.shape_cast %reduce_sum3A_839 : vector<64xf32> to vector<64x1xf32>
    %add3A_841 = arith.constant 9.99999993E-9 : f32
    %add3A_842 = vector.broadcast %add3A_841 : f32 to vector<64x1xf32>
    %add3A_843 = arith.addf %broadcast_in_dim3A_840, %add3A_842 : vector<64x1xf32>
    %mul3A_844 = arith.mulf %mul3A_811, %sub3A_575 : vector<32x128xf32>
    %dot_general3A_845 = arith.constant dense<0.000000e+00> : vector<64x128xf32>
    %dot_general3A_846 = tpu.matmul %select_n3A, %mul3A_844, %dot_general3A_845 {dimension_numbers = #tpu.dot_dimension_numbers<[1], [0], [0], [1], [0, 0, 1, 1], [], []>, transpose_lhs_hint = false} : vector<64x32xf32>, vector<32x128xf32>, vector<64x128xf32> -> vector<64x128xf32>
    %mul3A_847 = arith.mulf %dot_general3A_846, %select_n3A_834 : vector<64x128xf32>
    %reduce_sum3A_848 = arith.constant dense<0.000000e+00> : vector<64xf32>
    %reduce_sum3A_849 = vector.multi_reduction <add>, %mul3A_847, %reduce_sum3A_848 [1] : vector<64x128xf32> to vector<64xf32>
    %broadcast_in_dim3A_850 = vector.shape_cast %reduce_sum3A_849 : vector<64xf32> to vector<64x1xf32>
    %div3A_851 = arith.divf %broadcast_in_dim3A_850, %add3A_843 : vector<64x1xf32>
    %dot_general3A_852 = arith.constant dense<0.000000e+00> : vector<64x1xf32>
    %dot_general3A_853 = tpu.matmul %get3A_18, %mul3A_10, %dot_general3A_852 {dimension_numbers = #tpu.dot_dimension_numbers<[1], [1], [0], [0], [0, 0, 1, 0], [], []>, transpose_lhs_hint = false} : vector<64x128xf32>, vector<1x128xf32>, vector<64x1xf32> -> vector<64x1xf32>
    %mul3A_854 = arith.mulf %dot_general3A_853, %div3A_30 : vector<64x1xf32>
    %mul3A_855 = arith.constant 2.000000e+00 : f32
    %mul3A_856 = vector.broadcast %mul3A_855 : f32 to vector<64x1xf32>
    %mul3A_857 = arith.mulf %mul3A_856, %mul3A_854 : vector<64x1xf32>
    %sub3A_858 = arith.subf %mul3A_857, %mul3A_40 : vector<64x1xf32>
    %sub3A_859 = vector.broadcast %mul3A_12 : f32 to vector<64x1xf32>
    %sub3A_860 = arith.subf %sub3A_858, %sub3A_859 : vector<64x1xf32>
    %get3A_861 = arith.constant 0 : index
    %get3A_862 = arith.constant 0 : index
    %get3A_863 = vector.load %arg3[%get3A_861, %get3A_862] : memref<64x128xf32, #tpu.memory_space<vmem>>, vector<64x128xf32>
    %mul3A_864 = arith.mulf %get3A_863, %get3A_863 : vector<64x128xf32>
    %reduce_sum3A_865 = arith.constant dense<0.000000e+00> : vector<64xf32>
    %reduce_sum3A_866 = vector.multi_reduction <add>, %mul3A_864, %reduce_sum3A_865 [1] : vector<64x128xf32> to vector<64xf32>
    %broadcast_in_dim3A_867 = vector.shape_cast %reduce_sum3A_866 : vector<64xf32> to vector<64x1xf32>
    %sqrt3A_868 = math.sqrt %broadcast_in_dim3A_867 : vector<64x1xf32>
    %max3A_869 = arith.constant 9.99999996E-13 : f32
    %max3A_870 = vector.broadcast %max3A_869 : f32 to vector<64x1xf32>
    %max3A_871 = arith.maximumf %sqrt3A_868, %max3A_870 : vector<64x1xf32>
    %div3A_872 = arith.constant 1.000000e+00 : f32
    %div3A_873 = vector.broadcast %div3A_872 : f32 to vector<64x1xf32>
    %div3A_874 = arith.divf %div3A_873, %max3A_871 : vector<64x1xf32>
    %mul3A_875 = arith.mulf %broadcast_in_dim3A_867, %div3A_874 : vector<64x1xf32>
    %mul3A_876 = arith.mulf %mul3A_875, %div3A_874 : vector<64x1xf32>
    %dot_general3A_877 = arith.constant dense<0.000000e+00> : vector<64x1xf32>
    %dot_general3A_878 = tpu.matmul %get3A_863, %mul3A_10, %dot_general3A_877 {dimension_numbers = #tpu.dot_dimension_numbers<[1], [1], [0], [0], [0, 0, 1, 0], [], []>, transpose_lhs_hint = false} : vector<64x128xf32>, vector<1x128xf32>, vector<64x1xf32> -> vector<64x1xf32>
    %mul3A_879 = arith.constant 2.000000e+00 : f32
    %mul3A_880 = vector.broadcast %mul3A_879 : f32 to vector<64x1xf32>
    %mul3A_881 = arith.mulf %mul3A_880, %dot_general3A_878 : vector<64x1xf32>
    %mul3A_882 = arith.mulf %mul3A_881, %div3A_874 : vector<64x1xf32>
    %sub3A_883 = arith.subf %mul3A_882, %mul3A_876 : vector<64x1xf32>
    %sub3A_884 = vector.broadcast %mul3A_12 : f32 to vector<64x1xf32>
    %sub3A_885 = arith.subf %sub3A_883, %sub3A_884 : vector<64x1xf32>
    %neg3A_886 = arith.constant 0.000000e+00 : f32
    %neg3A_887 = vector.broadcast %neg3A_886 : f32 to vector<64x1xf32>
    %neg3A_888 = arith.subf %neg3A_887, %sub3A_860 : vector<64x1xf32>
    %exp3A_889 = math.exp %neg3A_888 : vector<64x1xf32>
    %add3A_890 = arith.constant 1.000000e+00 : f32
    %add3A_891 = vector.broadcast %add3A_890 : f32 to vector<64x1xf32>
    %add3A_892 = arith.addf %add3A_891, %exp3A_889 : vector<64x1xf32>
    %div3A_893 = arith.constant 1.000000e+00 : f32
    %div3A_894 = vector.broadcast %div3A_893 : f32 to vector<64x1xf32>
    %div3A_895 = arith.divf %div3A_894, %add3A_892 : vector<64x1xf32>
    %add3A_896 = arith.constant 9.99999993E-9 : f32
    %add3A_897 = vector.broadcast %add3A_896 : f32 to vector<64x1xf32>
    %add3A_898 = arith.addf %div3A_895, %add3A_897 : vector<64x1xf32>
    %log3A = math.log %add3A_898 : vector<64x1xf32>
    %reduce_sum3A_899 = vector.shape_cast %log3A : vector<64x1xf32> to vector<1x64x1xf32>
    %reduce_sum3A_900 = arith.constant dense<0.000000e+00> : vector<1xf32>
    %reduce_sum3A_901 = vector.multi_reduction <add>, %reduce_sum3A_899, %reduce_sum3A_900 [1, 2] : vector<1x64x1xf32> to vector<1xf32>
    %reduce_sum3A_902 = vector.shape_cast %reduce_sum3A_901 : vector<1xf32> to vector<1x1x1xf32>
    %reduce_sum3A_903 = vector.extract %reduce_sum3A_902[0, 0, 0] : f32 from vector<1x1x1xf32>
    %neg3A_904 = arith.constant 0.000000e+00 : f32
    %neg3A_905 = arith.subf %neg3A_904, %reduce_sum3A_903 : f32
    %div3A_906 = arith.constant 6.400000e+01 : f32
    %div3A_907 = arith.divf %neg3A_905, %div3A_906 : f32
    %neg3A_908 = arith.constant 0.000000e+00 : f32
    %neg3A_909 = vector.broadcast %neg3A_908 : f32 to vector<64x1xf32>
    %neg3A_910 = arith.subf %neg3A_909, %sub3A_885 : vector<64x1xf32>
    %exp3A_911 = math.exp %neg3A_910 : vector<64x1xf32>
    %add3A_912 = arith.constant 1.000000e+00 : f32
    %add3A_913 = vector.broadcast %add3A_912 : f32 to vector<64x1xf32>
    %add3A_914 = arith.addf %add3A_913, %exp3A_911 : vector<64x1xf32>
    %div3A_915 = arith.constant 1.000000e+00 : f32
    %div3A_916 = vector.broadcast %div3A_915 : f32 to vector<64x1xf32>
    %div3A_917 = arith.divf %div3A_916, %add3A_914 : vector<64x1xf32>
    %sub3A_918 = arith.constant 1.000000e+00 : f32
    %sub3A_919 = vector.broadcast %sub3A_918 : f32 to vector<64x1xf32>
    %sub3A_920 = arith.subf %sub3A_919, %div3A_917 : vector<64x1xf32>
    %add3A_921 = arith.constant 9.99999993E-9 : f32
    %add3A_922 = vector.broadcast %add3A_921 : f32 to vector<64x1xf32>
    %add3A_923 = arith.addf %sub3A_920, %add3A_922 : vector<64x1xf32>
    %log3A_924 = math.log %add3A_923 : vector<64x1xf32>
    %reduce_sum3A_925 = vector.shape_cast %log3A_924 : vector<64x1xf32> to vector<1x64x1xf32>
    %reduce_sum3A_926 = arith.constant dense<0.000000e+00> : vector<1xf32>
    %reduce_sum3A_927 = vector.multi_reduction <add>, %reduce_sum3A_925, %reduce_sum3A_926 [1, 2] : vector<1x64x1xf32> to vector<1xf32>
    %reduce_sum3A_928 = vector.shape_cast %reduce_sum3A_927 : vector<1xf32> to vector<1x1x1xf32>
    %reduce_sum3A_929 = vector.extract %reduce_sum3A_928[0, 0, 0] : f32 from vector<1x1x1xf32>
    %neg3A_930 = arith.constant 0.000000e+00 : f32
    %neg3A_931 = arith.subf %neg3A_930, %reduce_sum3A_929 : f32
    %div3A_932 = arith.constant 6.400000e+01 : f32
    %div3A_933 = arith.divf %neg3A_931, %div3A_932 : f32
    %get3A_934 = arith.constant 0 : index
    %get3A_935 = arith.constant 0 : index
    %get3A_936 = vector.load %arg8[%get3A_934, %get3A_935] : memref<1x16xf32, #tpu.memory_space<vmem>>, vector<1x1xf32>
    %get3A_937 = vector.extract %get3A_936[0, 0] : f32 from vector<1x1xf32>
    %get3A_938 = arith.constant 0 : index
    %get3A_939 = arith.constant 0 : index
    %get3A_940 = vector.load %arg7[%get3A_938, %get3A_939] : memref<1x64xf32, #tpu.memory_space<vmem>>, vector<1x64xf32>
    %sub3A_941 = vector.broadcast %get3A_937 : f32 to vector<1x64xf32>
    %sub3A_942 = arith.subf %get3A_940, %sub3A_941 : vector<1x64xf32>
    %mul3A_943 = arith.mulf %sub3A_942, %sub3A_942 : vector<1x64xf32>
    %reduce_sum3A_944 = vector.shape_cast %mul3A_943 : vector<1x64xf32> to vector<1x1x64xf32>
    %reduce_sum3A_945 = arith.constant dense<0.000000e+00> : vector<1xf32>
    %reduce_sum3A_946 = vector.multi_reduction <add>, %reduce_sum3A_944, %reduce_sum3A_945 [1, 2] : vector<1x1x64xf32> to vector<1xf32>
    %reduce_sum3A_947 = vector.shape_cast %reduce_sum3A_946 : vector<1xf32> to vector<1x1x1xf32>
    %reduce_sum3A_948 = vector.extract %reduce_sum3A_947[0, 0, 0] : f32 from vector<1x1x1xf32>
    %div3A_949 = arith.constant 6.400000e+01 : f32
    %div3A_950 = arith.divf %reduce_sum3A_948, %div3A_949 : f32
    %add3A_951 = arith.addf %div3A_302, %div3A_851 : vector<64x1xf32>
    %abs3A = math.absf %add3A_951 : vector<64x1xf32>
    %lt3A = arith.constant 1.000000e+00 : f32
    %lt3A_952 = vector.broadcast %lt3A : f32 to vector<64x1xf32>
    %lt3A_953 = arith.cmpf olt, %abs3A, %lt3A_952 : vector<64x1xf32>
    %mul3A_954 = arith.constant 5.000000e-01 : f32
    %mul3A_955 = vector.broadcast %mul3A_954 : f32 to vector<64x1xf32>
    %mul3A_956 = arith.mulf %mul3A_955, %add3A_951 : vector<64x1xf32>
    %mul3A_957 = arith.mulf %mul3A_956, %add3A_951 : vector<64x1xf32>
    %sub3A_958 = arith.constant 5.000000e-01 : f32
    %sub3A_959 = vector.broadcast %sub3A_958 : f32 to vector<64x1xf32>
    %sub3A_960 = arith.subf %abs3A, %sub3A_959 : vector<64x1xf32>
    %select_n3A_961 = arith.select %lt3A_953, %mul3A_957, %sub3A_960 : vector<64x1xi1>, vector<64x1xf32>
    %reduce_sum3A_962 = vector.shape_cast %select_n3A_961 : vector<64x1xf32> to vector<1x64x1xf32>
    %reduce_sum3A_963 = arith.constant dense<0.000000e+00> : vector<1xf32>
    %reduce_sum3A_964 = vector.multi_reduction <add>, %reduce_sum3A_962, %reduce_sum3A_963 [1, 2] : vector<1x64x1xf32> to vector<1xf32>
    %reduce_sum3A_965 = vector.shape_cast %reduce_sum3A_964 : vector<1xf32> to vector<1x1x1xf32>
    %reduce_sum3A_966 = vector.extract %reduce_sum3A_965[0, 0, 0] : f32 from vector<1x1x1xf32>
    %div3A_967 = arith.constant 6.400000e+01 : f32
    %div3A_968 = arith.divf %reduce_sum3A_966, %div3A_967 : f32
    %add3A_969 = arith.addf %div3A_907, %div3A_933 : f32
    %mul3A_970 = arith.constant 1.000000e-01 : f32
    %mul3A_971 = arith.mulf %mul3A_970, %div3A_950 : f32
    %add3A_972 = arith.addf %add3A_969, %mul3A_971 : f32
    %mul3A_973 = arith.constant 1.000000e-01 : f32
    %mul3A_974 = arith.mulf %mul3A_973, %div3A_968 : f32
    %add3A_975 = arith.addf %add3A_972, %mul3A_974 : f32
    %broadcast_in_dim3A_976 = vector.broadcast %add3A_975 : f32 to vector<1x1xf32>
    %swap3A = arith.constant 0 : index
    %swap3A_977 = arith.constant 0 : index
    %swap3A_978 = vector.load %arg12[%swap3A, %swap3A_977] : memref<1x1xf32, #tpu.memory_space<vmem>>, vector<1x1xf32>
    tpu.vector_store %arg12[%swap3A, %swap3A_977], %broadcast_in_dim3A_976 {strides = array<i32>} : memref<1x1xf32, #tpu.memory_space<vmem>>, vector<1x1xf32>,
    return
  }
}

</mosaic_0001>

<sc_bundles>
// kernel: kernel.4.cloned.1.call-start
scs
__scs_entry_jumppad:
0x0: {  	(pc) =	sbr.rel $0x88, $3  }
0x1: {  	(tag) =	ssettag $0x0;
	lr =	simm.s32 $0x1  }
0x2: {  	[smem:$0x3F97] =	sst lr;
	_ =	strace $0xD0000000  }
0x3: {  	_ = 	snop  }
0x4: {  	_ = 	snop  }
0x5: {  	_ = 	snop  }
0x6: {  	_ = 	snop  }
0x7: {  	_ = 	snop  }
__scs_overlays_trampoline_lowered:
0x8: {  	[smem:$0x3FA6] =	sst s0  }
0x9: {  	[smem:$0x3FA7] =	sst s1  }
0xa: {  	[smem:$0x3FA8] =	sst s2  }
0xb: {  	[smem:$0x3FA9] =	sst s3  }
0xc: {  	[smem:$0x3FAA] =	sst s4  }
0xd: {  	[smem:$0x3FAB] =	sst s5  }
0xe: {  	[smem:$0x3FAC] =	sst s6  }
0xf: {  	[smem:$0x3FAD] =	sst s7  }
0x10: {  	[smem:$0x3FAE] =	sst s8  }
0x11: {  	[smem:$0x3FAF] =	sst s9;
	s0 =	simm.s32 @!p0 $0x0  }
0x12: {  	s1 =	sld [smem:$0x3F95];
	s0 =	simm.s32 @p0 $0x1  }
0x13: {  	[smem:$0x3FB0] =	sst s0;
	s0 =	simm.s32 @!p1 $0x0  }
0x14: {  	s2 =	sld [smem:$0x3F94];
	s0 =	simm.s32 @p1 $0x1  }
0x15: {  	[smem:$0x3FB1] =	sst s0;
	s0 =	simm.s32 @!p2 $0x0  }
0x16: {  	s3 =	sld [smem:$0x3FDB];
	s0 =	simm.s32 @p2 $0x1  }
0x17: {  	s4 =	simm.s32 $0x1BF5;
	[smem:$0x3FB3] =	sst s0  }
0x18: {  	s0 =	sld [smem:$0x3F96];
	_ =	swait.ge [sflag:s4], $0x0  }
0x19: {  	s7 =	sld [smem:$0x3F97]  }
0x1a: {  	s8 =	sadd.s32 $0xFFFFE003, lr  }
0x1b: {  	s9 =	sadd.s32 $0xFFFFFEF7, lr;
	s5 =	simm.s32 $0xFFFFFFFF;
	p2 =	slt.u32 s8, $0xFFFFF086  }
0x1c: {  	p1 =	slt.u32 s9, $0xF7A;
	s5 =	simm.s32 @!p2 $0x0  }
0x1d: {  	s5 =	simm.s32 @p1 $0x1;
	p0 =	seq.s32 s7, s2  }
0x1e: {  	s7 =	smul.u32 @!p0 $0xF7A, s2;
	p2 =	seq.s32 @!p0 s5, $0x0  }
0x1f: {  	s9 =	smul.u32 $0xF7A, s1;
	s8 =	simm.s32 @!p0 $0x1BF5;
	p2 =	por !p2, p0  }
0x20: {  	[sflag:s8] =	ssyncset.s32 @!p0 $0xFFFFF086;
	s6 =	sadd.s32 @!p0 s3, s7;
	s7 =	simm.s32 @!p0 $0x108  }
0x21: {  	s3 =	sadd.s32 s3, s9;
	s6 =	sadd.s32 @!p0 $0x88, s6;
	s7 =	simm.s32 @p2 $0x1082  }
0x22: {  	[simem:s7], [sflag:s8] =	dma.local @!p0 [hbm:s6], $0xF7A  }
0x23: {  	s9 =	sor.u32 $0xD0000000, s2;
	s6 =	simm.s32 $0x108;
	_ =	swait.ge @!p0 [sflag:s8], $0x0  }
0x24: {  	s3 =	sadd.s32 $0x88, s3;
	s6 =	simm.s32 @!p1 $0x1082;
	[sflag:s4] =	ssyncset.s32 $0xFFFFF086  }
0x25: {  	[simem:s6], [sflag:s4] =	dma.local [hbm:s3], $0xF7A  }
0x26: {  	[smem:$0x3F97] =	sst s1;
	(tag) =	ssettag s2;
	_ =	strace s9  }
0x27: {  	s1 =	sld [smem:$0x3FA7]  }
0x28: {  	s2 =	sld [smem:$0x3FA8]  }
0x29: {  	s4 =	sld [smem:$0x3FAA]  }
0x2a: {  	p0 =	seq.s32 s5, $0x0;
	s5 =	sld [smem:$0x3FAB]  }
0x2b: {  	s6 =	sld [smem:$0x3FAC]  }
0x2c: {  	s7 =	sld [smem:$0x3FAD]  }
0x2d: {  	s3 =	simm.s32 $0x108;
	s8 =	sld [smem:$0x3FAE]  }
0x2e: {  	s3 =	simm.s32 @!p0 $0x1082;
	s9 =	sld [smem:$0x3FAF]  }
0x2f: {  	lr =	sadd.s32 s0, s3;
	s0 =	sld [smem:$0x3FA6]  }
0x30: {  	s3 =	sld [smem:$0x3FA9]  }
0x31: {  	[smem:$0x3FB2] =	sst s10  }
0x32: {  	s10 =	sld [smem:$0x3FB0];
	_ =	sdelay $0x3  }
0x33: {  	p0 =	seq.s32 s10, $0x1;
	s10 =	sld [smem:$0x3FB2];
	_ =	sdelay $0x3  }
0x34: {  	[smem:$0x3FB2] =	sst s10  }
0x35: {  	s10 =	sld [smem:$0x3FB1];
	_ =	sdelay $0x3  }
0x36: {  	p1 =	seq.s32 s10, $0x1;
	s10 =	sld [smem:$0x3FB2];
	_ =	sdelay $0x3  }
0x37: {  	[smem:$0x3FB2] =	sst s10  }
0x38: {  	s10 =	sld [smem:$0x3FB3]  }
0x39: {  	_ = 	snop;
	(pc) =	sbr.ind lr, $3  }
0x3a: {  	_ = 	snop  }
0x3b: {  	_ = 	snop  }
0x3c: {  	p2 =	seq.s32 s10, $0x1;
	s10 =	sld [smem:$0x3FB2]  }
0x3d: {  	_ =	shalt  }
0x3e: {  	_ =	shalt  }
0x3f: {  	_ =	shalt  }
0x40: {  	_ =	shalt  }
0x41: {  	_ =	shalt  }
0x42: {  	_ =	shalt  }
0x43: {  	_ =	shalt  }
0x44: {  	_ =	shalt  }
0x45: {  	_ =	shalt  }
0x46: {  	_ =	shalt  }
0x47: {  	_ =	shalt  }
0x48: {  	_ =	shalt  }
0x49: {  	_ =	shalt  }
0x4a: {  	_ =	shalt  }
0x4b: {  	_ =	shalt  }
0x4c: {  	_ =	shalt  }
0x4d: {  	_ =	shalt  }
0x4e: {  	_ =	shalt  }
0x4f: {  	_ =	shalt  }
0x50: {  	_ =	shalt  }
0x51: {  	_ =	shalt  }
0x52: {  	_ =	shalt  }
0x53: {  	_ =	shalt  }
0x54: {  	_ =	shalt  }
0x55: {  	_ =	shalt  }
0x56: {  	_ =	shalt  }
0x57: {  	_ =	shalt  }
0x58: {  	_ =	shalt  }
0x59: {  	_ =	shalt  }
0x5a: {  	_ =	shalt  }
0x5b: {  	_ =	shalt  }
0x5c: {  	_ =	shalt  }
0x5d: {  	_ =	shalt  }
0x5e: {  	_ =	shalt  }
0x5f: {  	_ =	shalt  }
0x60: {  	_ =	shalt  }
0x61: {  	_ =	shalt  }
0x62: {  	_ =	shalt  }
0x63: {  	_ =	shalt  }
0x64: {  	_ =	shalt  }
0x65: {  	_ =	shalt  }
0x66: {  	_ =	shalt  }
0x67: {  	_ =	shalt  }
0x68: {  	_ =	shalt  }
0x69: {  	_ =	shalt  }
0x6a: {  	_ =	shalt  }
0x6b: {  	_ =	shalt  }
0x6c: {  	_ =	shalt  }
0x6d: {  	_ =	shalt  }
0x6e: {  	_ =	shalt  }
0x6f: {  	_ =	shalt  }
0x70: {  	_ =	shalt  }
0x71: {  	_ =	shalt  }
0x72: {  	_ =	shalt  }
0x73: {  	_ =	shalt  }
0x74: {  	_ =	shalt  }
0x75: {  	_ =	shalt  }
0x76: {  	_ =	shalt  }
0x77: {  	_ =	shalt  }
0x78: {  	_ =	shalt  }
0x79: {  	_ =	shalt  }
0x7a: {  	_ =	shalt  }
0x7b: {  	_ =	shalt  }
0x7c: {  	_ =	shalt  }
0x7d: {  	_ =	shalt  }
0x7e: {  	_ =	shalt  }
0x7f: {  	_ =	shalt  }
0x80: {  	_ =	shalt  }
0x81: {  	_ =	shalt  }
0x82: {  	_ =	shalt  }
0x83: {  	_ =	shalt  }
0x84: {  	_ =	shalt  }
0x85: {  	_ =	shalt  }
0x86: {  	_ =	shalt  }
0x87: {  	_ =	shalt  }
.Lfunc_end0:
.L_simem_size_0:
called_computation_lowered:
.L_overlay_start_0:
0x88: {  	s2 =	sld [smem:$0x3FD9]  }
0x89: {  	s3 =	sld [smem:$0x3FFE];
	_ =	sdelay $0x1  }
0x8a: {  	s1 =	srdreg.scid  }
0x8b: {  	s0 =	sand.u32 $0x1, s1  }
0x8c: {  	s17 =	sshll.u32 s0, $0xA;
	s2 =	sadd.s32 s3, s2  }
0x8d: {  	s2 =	sadd.s32 s2, s17  }
0x8e: {  	[smem:$0x3FBE] =	sst s2  }
0x8f: {  	_ = 	snop  }
0x90: {  	s2 =	sld [smem:$0x3FC9]  }
0x91: {  	s18 =	sld [smem:$0x3FC7]  }
0x92: {  	s4 =	sld [smem:$0x3FC6]  }
0x93: {  	s5 =	sld [smem:$0x3FC5]  }
0x94: {  	s6 =	sld [smem:$0x3FC2]  }
0x95: {  	s7 =	sld [smem:$0x3FD0];
	(tm) =	ssettm $0x1  }
0x96: {  	s8 =	sld [smem:$0x3FFB];
	_ =	sdelay $0x3  }
0x97: {  	_ =	strace s8  }
0x98: {  	s8 =	sld [smem:$0x3FFC];
	_ =	sdelay $0x3  }
0x99: {  	_ =	strace s8  }
0x9a: {  	s8 =	sld [smem:$0x3FFD];
	_ =	sdelay $0x3  }
0x9b: {  	_ =	strace s8  }
0x9c: {  	_ =	strace $0x8FFFFFFF  }
0x9d: {  	s19 =	sld [smem:$0x3FDB];
	_ =	sdelay $0x1  }
0x9e: {  	s9 =	simm.s32 $_scs_section_size  }
0x9f: {  	s10 =	simm.s32 $_size__tile_overlayer_lowered;
	s11 =	simm.s32 $_tile_overlayer_lowered  }
0xa0: {  	s22 =	simm.s32 $0x1BFF;
	s21 =	sshll.u32 s11, $0x1;
	s8 =	sadd.s32 s9, s19  }
0xa1: {  	s12 =	simm.s32 $0x0;
	s20 =	sshll.u32 s10, $0x1;
	s10 =	sadd.s32 s21, s8  }
0xa2: {  	[timem:s12], [sflag:s22] =	dma.local [hbm:s10], s20  }
0xa3: {  	_ =	swait.ge [sflag:s22], s20  }
0xa4: {  	s9 =	ssub.s32 $0x0, s20;
	[sflag:s22] =	ssyncset.done $0x0  }
0xa5: {  	[sflag:s22] =	ssyncadd.s32 s9;
	_ =	sdelay $0x1  }
0xa6: {  	s23 =	simm.s32 $0x1B8B  }
0xa7: {  	_ =	swait.ge [sflag:s23], $0x1  }
0xa8: {  	[sflag:s23] =	ssyncset.done $0x0  }
0xa9: {  	s25 =	simm.s32 $0x1B8E;
	s24 =	sld [smem:$0x3FFE];
	[sflag:s23] =	ssyncadd.s32 $0xFFFFFFFF  }
0xaa: {  	s26 =	simm.s32 $execute0_lowered;
	[smem:$0x3FD2] =	sst s25  }
0xab: {  	s10 =	sshll.u32 s26, $0x1;
	_ =	strace $0x80000046;
	[dreg:$0x1] =	wrdreg $0xFFFFFFFF  }
0xac: {  	s28 =	simm.s32 $_size_execute0_lowered;
	s8 =	sadd.s32 s8, s10;
	[dreg:$0x0] =	wrdreg $0x0  }
0xad: {  	s10 =	sshll.u32 s28, $0x1;
	[dreg:$0x2] =	wrdreg s8  }
0xae: {  	[dreg:$0x3] =	wrdreg s10  }
0xaf: {  	[dreg:$0x4] =	wrdreg $0xC0  }
0xb0: {  	_ =	task [dreg:s12], $0x5FFFF  }
0xb1: {  	[dreg:$0x1] =	wrdreg $0xFFFFFFFF  }
0xb2: {  	[dreg:$0x0] =	wrdreg $0x60  }
0xb3: {  	[dreg:$0x2] =	wrdreg s2  }
0xb4: {  	[dreg:$0x3] =	wrdreg s5  }
0xb5: {  	[dreg:$0x4] =	wrdreg s24  }
0xb6: {  	[dreg:$0x5] =	wrdreg s6  }
0xb7: {  	[dreg:$0x6] =	wrdreg s4  }
0xb8: {  	[dreg:$0x7] =	wrdreg s18  }
0xb9: {  	[dreg:$0x8] =	wrdreg s7  }
0xba: {  	[dreg:$0x9] =	wrdreg $0x0  }
0xbb: {  	[dreg:$0xa] =	wrdreg $0x9  }
0xbc: {  	_ =	task.clear_ibuf [dreg:s12], $0xBFFFF;
	_ =	strace $0x90000046  }
0xbd: {  	s29 =	simm.s32 $0x9;
	_ =	strace $0x80000048  }
0xbe: {  	_ =	swait.ge [sflag:s29], $0x1  }
0xbf: {  	[sflag:s29] =	ssyncadd.s32 $0xFFFFFFFF  }
0xc0: {  	_ =	strace $0x90000048  }
0xc1: {  	_ =	sfence  }
0xc2: {  	s30 =	sld [smem:$0x0];
	_ =	sdelay $0x2  }
0xc3: {  	s31 =	sshll.u32 s1, $0xD;
	s1 =	sshrl.u32 s1, $0x2  }
0xc4: {  	s3 =	sand.u32 $0x4000, s31;
	s1 =	sadd.s32 s1, s30  }
0xc5: {  	s0 =	sor.u32 s3, s0;
	s1 =	sshll.u32 s1, $0x11  }
0xc6: {  	s0 =	sor.u32 s1, s0  }
0xc7: {  	s0 =	sadd.s32 $0x8F2B, s0  }
0xc8: {  	[sflag:s0] =	ssyncadd.remote.s32 $0x1  }
0xc9: {  	_ =	sfence.sel $0xFFFF  }
0xca: {  	[dreg:$0x0] =	wrdreg $0xFFFFFFFF;
	(pc) =	sbr.abs _section_cstart, $3  }
0xcb: {  	[dreg:$0x1] =	wrdreg $0xFFFFFFFF  }
0xcc: {  	_ =	task.clear_ibuf [dreg:s12], $0x2FFFF;
	_ =	strace $0x9FFFFFFF  }
0xcd: {  	(tm) =	ssettm $0x7FFFFFFF  }
tec
execute0_lowered:
.L_overlay_start_1:
0x0: {  	(tag) =	ssettag $0x1  }
0x1: {  	s0 =	rddreg [dreg:$0x0]  }
0x2: {  	s1 =	rddreg [dreg:$0x1]  }
0x3: {  	s2 =	rddreg [dreg:$0x2]  }
0x4: {  	s4 =	rddreg [dreg:$0x4]  }
0x5: {  	s6 =	rddreg [dreg:$0x6]  }
0x6: {  	s8 =	rddreg [dreg:$0x7];
	s9 =	simm.s32 $0x0;
	s3 =	srdreg.scid  }
0x7: {  	s14 =	stileid.u32;
	s31 =	simm.s32 $0x1FC3;
	[smem:$0x7FF] =	sst s9  }
0x8: {  	s3 =	sand.u32 $0x1, s3;
	s5 =	sshll.u32 s14, $0x1;
	s10 =	sadd.s32 $0x1E00, s2  }
0x9: {  	s13 =	sadd.s32 $0x31E00, s2;
	s23 =	sadd.s32 $0x32200, s2;
	s24 =	sadd.s32 $0x32600, s2  }
0xa: {  	s25 =	sadd.s32 $0x32E00, s2;
	_ =	strace $0x80000047;
	[dreg:$0x9] =	wrdreg s13  }
0xb: {  	s16 =	sadd.s32 $0x33000, s2;
	s17 =	sadd.s32 $0x33200, s2;
	[dreg:$0xa] =	wrdreg s23  }
0xc: {  	s29 =	sadd.s32 $0x200, s1;
	s15 =	sadd.s32 $0x600, s1;
	[dreg:$0xb] =	wrdreg s24  }
0xd: {  	p5 =	sne.s32 s14, $0xF;
	s22 =	sadd.s32 $0xA00, s1;
	[dreg:$0xc] =	wrdreg s25  }
0xe: {  	s30 =	sadd.s32 $0x1000, s1;
	s5 =	sor.u32 s3, s5;
	[dreg:$0xd] =	wrdreg s29  }
0xf: {  	s3 =	ssub.s32 $0x2, s3;
	s13 =	sadd.s32 $0x400, s1;
	[dreg:$0xf] =	wrdreg s15  }
0x10: {  	s25 =	sadd.s32 $0x800, s1;
	[dreg:$0x13] =	wrdreg s22;
	s23 =	sadd.s32 $0xC00, s1  }
0x11: {  	s29 =	sadd.s32 $0x1400, s1;
	s15 =	sadd.s32 $0x1E00, s1;
	s22 =	simm.s32 $0x8C00  }
0x12: {  	s7 =	sshll.u32 s5, $0xC;
	s11 =	sshll.u32 s5, $0x5;
	s26 =	sshrl.u32 s3, $0x1  }
0x13: {  	s21 =	sshll.u32 s5, $0x2;
	[dreg:$0xe] =	wrdreg s13;
	p0 =	sgt.s32 s5, $0x11  }
0x14: {  	v0 =	vimm.s32 $0x3020100;
	p1 =	seq.s32 s5, $0x10;
	p2 =	seq.s32 s5, $0x11;
	[dreg:$0x14] =	wrdreg s23  }
0x15: {  	v0 =	vunpack.c.0.s8.s32 v0;
	p3 =	seq.s32 s5, $0x13;
	p4 =	seq.s32 s5, $0x12;
	[dreg:$0x17] =	wrdreg s29  }
0x16: {  	vm0 =	vcmask $0xF00;
	s13 =	simm.s32 $0x3;
	s23 =	simm.s32 $0x80;
	s7 =	sadd.s32 s7, s2  }
0x17: {  	v0 =	vnsel vm0, $0x3, v0;
	s12 =	sadd.s32 s11, s2;
	s11 =	sadd.s32 $0x32C00, s2;
	s28 =	ssub.s32 s3, s26  }
0x18: {  	s3 =	simm.s32 @!p1 $0x0;
	s26 =	sadd.s32 $0xE00, s1;
	v0 =	vor.u32 s21, v0;
	s21 =	simm.s32 $0x16C00  }
0x19: {  	s18 =	sadd.s32 $0x32A00, s12;
	s3 =	simm.s32 @p1 $0x1;
	p1 =	seq.s32 @!p3 s5, $0x14  }
0x1a: {  	s19 =	sadd.s32 $0x21E00, s7;
	s20 =	sadd.s32 $0x22600, s7;
	[dreg:$0x15] =	wrdreg s26  }
0x1b: {  	s24 =	smax.u32 s28, $0x1;
	s28 =	sadd.s32 $0x1200, s1;
	[dreg:$0x10] =	wrdreg s18  }
0x1c: {  	s7 =	sadd.s32 $0x1600, s1;
	s5 =	sadd.s32 $0x1800, s1;
	[smem:$0x7FC] =	sst s3  }
.Ltmp0:
0x1d: {  	s12 =	sadd.s32 $0x1A00, s1;
	[dreg:$0x11] =	wrdreg s19;
	(pc) =	sbr.rel .LBB2_1-.Ltmp0, $4  }
0x1e: {  	[dreg:$0x12] =	wrdreg s20;
	p6 =	por !p1, p3;
	p1 =	sgt.u32 s14, $0x7  }
0x1f: {  	v1 =	vimm.s32 $0x0;
	v3 =	vlaneseq.u32;
	[dreg:$0x16] =	wrdreg s28;
	s14 =	sadd.s32 $0x1C00, s1;
	s2 =	simm.s32 @!p1 $0x0  }
0x20: {  	v2 =	vmul.u32 $0x8, v3;
	v4 =	vshrl.u32 v3, $0x2;
	v3 =	vand.u32 $0x3, v3;
	s18 =	simm.s32 $0x10C00;
	s3 =	simm.s32 $0x1;
	s2 =	simm.s32 @p1 $0x1  }
0x21: {  	v4 =	vmul.u32 $0x8, v4;
	vm0 =	vmmov $0xffff;
	vm1 =	vmmov @p3 $0xffff;
	s19 =	simm.s32 $0x12C00;
	s20 =	simm.s32 $0x2;
	[smem:$0x7FD] =	sst s2  }
.LBB2_11:
0x22: {  	s2 =	rddreg [dreg:$0x5];
	s26 =	simm.s32 $0x8080  }
0x23: {  	[tilespmem:s26], [sflag:$0x3] =	stream.linear.gather [hbm4b:s2+s9], $0x80, $0x38;
	[tilespmem:$0x1CE00] =	vst v63  }
0x24: {  	_ =	swait.ge [sflag:s13], $0x80  }
0x25: {  	[sflag:s13] =	ssyncset.done $0x0  }
0x26: {  	s28 =	simm.s32 $0x40;
	[sflag:s13] =	ssyncadd.s32 $0xFFFFFF80  }
0x27: {  	[tilespmem:s19], [sflag:$0x1] =	stream.indirect.gather [hbm4b:s0+s28], $0x80, s26, s28, $0xb8;
	[tilespmem:$0x1CE00] =	vst v63  }
0x28: {  	_ =	swait.ge [sflag:s3], $0x2000  }
0x29: {  	[sflag:s3] =	ssyncset.done $0x0  }
0x2a: {  	s29 =	rddreg [dreg:$0xb];
	[sflag:s3] =	ssyncadd.s32 $0xFFFFE000  }
0x2b: {  	[hbm4b:s29+s9] =	stream.linear.scatter [tilespmem:s19], [sflag:$0x3], $0x2000, $0x38;
	[tilespmem:$0x1CE00] =	vst v63  }
0x2c: {  	_ =	swait.ge [sflag:s13], $0x2000  }
0x2d: {  	[sflag:s13] =	ssyncset.done $0x0  }
0x2e: {  	[sflag:s13] =	ssyncadd.s32 $0xFFFFE000  }
.LBB2_12:
0x2f: {  	s24 =	sadd.s32 $0xFFFFFFFF, s24  }
0x30: {  	p1 =	sne.s32 s24, $0x0  }
.Ltmp1:
0x31: {  	_ = 	snop;
	(pc) =	sbr.rel @!p1 .LBB2_13-.Ltmp1, $1  }
0x32: {  	_ =	sdelay $0x3  }
.LBB2_1:
.Ltmp2:
0x33: {  	(pc) =	sbr.rel @p5 .LBB2_3-.Ltmp2, $1  }
0x34: {  	_ =	sdelay $0x3  }
0x35: {  	s26 =	sshrl.u32 s8, $0x3  }
0x36: {  	[spmem:s26], [sflag:s31] =	dma.local [hbm:s10], $0x20000  }
.Ltmp3:
0x37: {  	_ =	swait.ge [sflag:s13], $0x20000;
	(pc) =	sbr.rel .LBB2_5-.Ltmp3, $3  }
0x38: {  	[sflag:s13] =	ssyncset.done $0x0  }
0x39: {  	[sflag:s13] =	ssyncadd.s32 $0xFFFE0000  }
0x3a: {  	[bflag:$0x0] =	sbarrier.arrive $0xFFFF;
	_ =	sdelay $0x1  }
.LBB2_3:
0x3b: {  	[bflag:$0x0] =	sbarrier.arrive $0xFFFF  }
0x3c: {  	s2 =	sld [smem:$0x7FD];
	_ =	sdelay $0x2  }
0x3d: {  	p1 =	seq.s32 s2, $0x1  }
.Ltmp4:
0x3e: {  	_ = 	snop;
	(pc) =	sbr.rel @p1 .LBB2_5-.Ltmp4, $1  }
0x3f: {  	_ =	sdelay $0x3  }
0x40: {  	s2 =	simm.s32 $0x8000  }
0x41: {  	[tilespmem:s2], [sflag:$0x3] =	stream.linear.gather [hbm4b:s4+s9], $0x80, $0x38;
	[tilespmem:$0x1CE00] =	vst v63  }
0x42: {  	_ =	swait.ge [sflag:s13], $0x80  }
0x43: {  	[sflag:s13] =	ssyncset.done $0x0  }
0x44: {  	[sflag:s13] =	ssyncadd.s32 $0xFFFFFF80  }
0x45: {  	v5 =	vld.idx.msk [tilespmem:v0+s2+$0x0], $0xffff;
	_ =	sdelay $0x4  }
0x46: {  	[tilespmem:$0x8180] =	vst v5  }
0x47: {  	v6 =	vld.msk [tilespmem:$0x8180], $0xf;
	_ =	sdelay $0x4  }
0x48: {  	v7 =	vshll.u32 v6, $0x6  }
0x49: {  	v6 =	vand.u32 $0x7, v6;
	v7 =	vand.u32 $0xFFFFFE00, v7  }
0x4a: {  	v6 =	vor.u32 v6, v7  }
0x4b: {  	v6 =	vperm.xlane v6, v3;
	_ =	sdelay $0x1  }
0x4c: {  	v6 =	vadd.s32 v4, v6;
	_ =	sdelay $0x4  }
0x4d: {  	[tilespmem:s22], [sflag:$0x2] =	stream.indirect_vreg.gather [hbm4b:s1+s9], $0x80, v6, vm0, $0xb8;
	[tilespmem:$0x1CE00] =	vst v63  }
0x4e: {  	s26 =	simm.s32 $0x9400;
	s29 =	rddreg [dreg:$0xd]  }
0x4f: {  	[tilespmem:s26], [sflag:$0x2] =	stream.indirect_vreg.gather [hbm4b:s29+s9], $0x80, v6, vm0, $0xb8;
	[tilespmem:$0x1CE00] =	vst v63  }
0x50: {  	s28 =	rddreg [dreg:$0xe];
	s29 =	simm.s32 $0x9C00  }
0x51: {  	[tilespmem:s29], [sflag:$0x2] =	stream.indirect_vreg.gather [hbm4b:s28+s9], $0x80, v6, vm0, $0xb8;
	[tilespmem:$0x1CE00] =	vst v63  }
0x52: {  	s28 =	rddreg [dreg:$0xf];
	s29 =	simm.s32 $0xA400  }
0x53: {  	[tilespmem:s29], [sflag:$0x2] =	stream.indirect_vreg.gather [hbm4b:s28+s9], $0x80, v6, vm0, $0xb8;
	[tilespmem:$0x1CE00] =	vst v63  }
0x54: {  	s26 =	simm.s32 $0xAC00  }
0x55: {  	[tilespmem:s26], [sflag:$0x2] =	stream.indirect_vreg.gather [hbm4b:s25+s9], $0x80, v6, vm0, $0xb8;
	[tilespmem:$0x1CE00] =	vst v63  }
0x56: {  	s28 =	rddreg [dreg:$0x13];
	s29 =	simm.s32 $0xB400  }
0x57: {  	[tilespmem:s29], [sflag:$0x2] =	stream.indirect_vreg.gather [hbm4b:s28+s9], $0x80, v6, vm0, $0xb8;
	[tilespmem:$0x1CE00] =	vst v63  }
0x58: {  	s28 =	rddreg [dreg:$0x14];
	s29 =	simm.s32 $0xBC00  }
0x59: {  	[tilespmem:s29], [sflag:$0x2] =	stream.indirect_vreg.gather [hbm4b:s28+s9], $0x80, v6, vm0, $0xb8;
	[tilespmem:$0x1CE00] =	vst v63  }
0x5a: {  	s28 =	rddreg [dreg:$0x15];
	s29 =	simm.s32 $0xC400  }
0x5b: {  	[tilespmem:s29], [sflag:$0x2] =	stream.indirect_vreg.gather [hbm4b:s28+s9], $0x80, v6, vm0, $0xb8;
	[tilespmem:$0x1CE00] =	vst v63  }
0x5c: {  	s26 =	simm.s32 $0xCC00  }
0x5d: {  	[tilespmem:s26], [sflag:$0x2] =	stream.indirect_vreg.gather [hbm4b:s30+s9], $0x80, v6, vm0, $0xb8;
	[tilespmem:$0x1CE00] =	vst v63  }
0x5e: {  	s28 =	rddreg [dreg:$0x16];
	s29 =	simm.s32 $0xD400  }
0x5f: {  	[tilespmem:s29], [sflag:$0x2] =	stream.indirect_vreg.gather [hbm4b:s28+s9], $0x80, v6, vm0, $0xb8;
	[tilespmem:$0x1CE00] =	vst v63  }
0x60: {  	s28 =	rddreg [dreg:$0x17];
	s29 =	simm.s32 $0xDC00  }
0x61: {  	[tilespmem:s29], [sflag:$0x2] =	stream.indirect_vreg.gather [hbm4b:s28+s9], $0x80, v6, vm0, $0xb8;
	[tilespmem:$0x1CE00] =	vst v63  }
0x62: {  	s26 =	simm.s32 $0xE400  }
0x63: {  	[tilespmem:s26], [sflag:$0x2] =	stream.indirect_vreg.gather [hbm4b:s7+s9], $0x80, v6, vm0, $0xb8;
	[tilespmem:$0x1CE00] =	vst v63  }
0x64: {  	s28 =	simm.s32 $0xEC00  }
0x65: {  	[tilespmem:s28], [sflag:$0x2] =	stream.indirect_vreg.gather [hbm4b:s5+s9], $0x80, v6, vm0, $0xb8;
	[tilespmem:$0x1CE00] =	vst v63  }
0x66: {  	s29 =	simm.s32 $0xF400  }
0x67: {  	[tilespmem:s29], [sflag:$0x2] =	stream.indirect_vreg.gather [hbm4b:s12+s9], $0x80, v6, vm0, $0xb8;
	[tilespmem:$0x1CE00] =	vst v63  }
0x68: {  	s26 =	simm.s32 $0xFC00  }
0x69: {  	[tilespmem:s26], [sflag:$0x2] =	stream.indirect_vreg.gather [hbm4b:s14+s9], $0x80, v6, vm0, $0xb8;
	[tilespmem:$0x1CE00] =	vst v63  }
0x6a: {  	s28 =	simm.s32 $0x10400  }
0x6b: {  	[tilespmem:s28], [sflag:$0x2] =	stream.indirect_vreg.gather [hbm4b:s15+s9], $0x80, v6, vm0, $0xb8;
	[tilespmem:$0x1CE00] =	vst v63  }
0x6c: {  	s29 =	simm.s32 $0x8200  }
0x6d: {  	[tilespmem:s29], [sflag:$0x1] =	stream.indirect_vreg.gather [spmem:s8], $0x40, v5, vm0, $0xb8;
	[tilespmem:$0x1CE00] =	vst v63  }
0x6e: {  	_ =	swait.ge [sflag:s3], $0x400  }
0x6f: {  	[sflag:s3] =	ssyncset.done $0x0  }
0x70: {  	[sflag:s3] =	ssyncadd.s32 $0xFFFFFC00  }
0x71: {  	v5 =	vld [tilespmem:$0x8200]  }
0x72: {  	v6 =	vld [tilespmem:$0x8210]  }
0x73: {  	v7 =	vld [tilespmem:$0x8220]  }
0x74: {  	v8 =	vld [tilespmem:$0x8230]  }
0x75: {  	v9 =	vld [tilespmem:$0x8280]  }
0x76: {  	[tilespmem:$0x8A00] =	vst v5;
	v5 =	vld [tilespmem:$0x8290]  }
0x77: {  	v47 =	vld [tilespmem:$0x8300];
	[tilespmem:$0x8A10] =	vst v6  }
0x78: {  	v48 =	vld [tilespmem:$0x8310];
	[tilespmem:$0x8A20] =	vst v7  }
0x79: {  	v6 =	vld [tilespmem:$0x82A0];
	[tilespmem:$0x8A30] =	vst v8  }
0x7a: {  	v7 =	vld [tilespmem:$0x82B0];
	[tilespmem:$0x8A40] =	vst v9  }
0x7b: {  	[tilespmem:$0x8A50] =	vst v5;
	v5 =	vld [tilespmem:$0x8320]  }
0x7c: {  	v49 =	vld [tilespmem:$0x8390];
	[tilespmem:$0x8A80] =	vst v47  }
0x7d: {  	v50 =	vld [tilespmem:$0x83A0];
	[tilespmem:$0x8A90] =	vst v48  }
0x7e: {  	[tilespmem:$0x8A60] =	vst v6;
	v6 =	vld [tilespmem:$0x8330]  }
0x7f: {  	[tilespmem:$0x8A70] =	vst v7;
	v7 =	vld [tilespmem:$0x8380]  }
0x80: {  	[tilespmem:$0x8AA0] =	vst v5;
	v5 =	vld [tilespmem:$0x83B0]  }
0x81: {  	[tilespmem:$0x8AD0] =	vst v49  }
0x82: {  	[tilespmem:$0x8AE0] =	vst v50  }
0x83: {  	[tilespmem:$0x8AB0] =	vst v6  }
0x84: {  	[tilespmem:$0x8AC0] =	vst v7  }
0x85: {  	s26 =	simm.s32 $0x8A00;
	[tilespmem:$0x8AF0] =	vst v5  }
0x86: {  	[tilespmem:s19], [sflag:$0x1] =	stream.indirect.gather [hbm4b:s0+s23], $0x80, s26, s23, $0xb8;
	[tilespmem:$0x1CE00] =	vst v63  }
0x87: {  	_ =	swait.ge [sflag:s20], $0x8000  }
0x88: {  	[sflag:s20] =	ssyncset.done $0x0  }
0x89: {  	[sflag:s20] =	ssyncadd.s32 $0xFFFF8000  }
0x8a: {  	v5 =	vld [tilespmem:$0x8200];
	_ =	sdelay $0x4  }
0x8b: {  	v6 =	vshll.u32 v5, $0x2  }
0x8c: {  	v7 =	vld [tilespmem:$0x8210];
	v5 =	vand.u32 $0x7F, v5;
	v6 =	vand.u32 $0xFFFFFE00, v6  }
0x8d: {  	v5 =	vor.u32 v5, v6;
	_ =	sdelay $0x3  }
0x8e: {  	v6 =	vshll.u32 v7, $0x2  }
0x8f: {  	v7 =	vand.u32 $0x7F, v7;
	v6 =	vand.u32 $0xFFFFFE00, v6;
	v5 =	vld.idx.msk [tilespmem:v5+s22+$0x0], $0xffff  }
0x90: {  	v6 =	vor.u32 v7, v6;
	v7 =	vld [tilespmem:$0x8220];
	_ =	sdelay $0x3  }
0x91: {  	[tilespmem:$0x8B00] =	vst v5  }
0x92: {  	v5 =	vld.idx.msk [tilespmem:v6+s22+$0x0], $0xffff;
	v6 =	vshll.u32 v7, $0x2  }
0x93: {  	v51 =	vld [tilespmem:$0x8230];
	v7 =	vand.u32 $0x7F, v7;
	v6 =	vand.u32 $0xFFFFFE00, v6  }
0x94: {  	v6 =	vor.u32 v7, v6;
	_ =	sdelay $0x3  }
0x95: {  	v7 =	vld [tilespmem:$0x8280];
	[tilespmem:$0x8B10] =	vst v5;
	v5 =	vshll.u32 v51, $0x2  }
0x96: {  	v8 =	vand.u32 $0x7F, v51;
	v5 =	vand.u32 $0xFFFFFE00, v5;
	v6 =	vld.idx.msk [tilespmem:v6+s22+$0x0], $0xffff  }
0x97: {  	v5 =	vor.u32 v8, v5;
	_ =	sdelay $0x2  }
0x98: {  	v52 =	vshll.u32 v7, $0x2  }
0x99: {  	v53 =	vld [tilespmem:$0x8290];
	[tilespmem:$0x8B20] =	vst v6;
	v6 =	vand.u32 $0x7F, v7;
	v7 =	vand.u32 $0xFFFFFE00, v52  }
0x9a: {  	v5 =	vld.idx.msk [tilespmem:v5+s22+$0x0], $0xffff;
	v6 =	vor.u32 v7, v6  }
0x9b: {  	v6 =	vor.u32 $0x80, v6;
	_ =	sdelay $0x2  }
0x9c: {  	v7 =	vshll.u32 v53, $0x2  }
0x9d: {  	v54 =	vld [tilespmem:$0x82A0];
	v7 =	vand.u32 $0xFFFFFE00, v7;
	[tilespmem:$0x8B30] =	vst v5;
	v5 =	vand.u32 $0x7F, v53  }
0x9e: {  	v6 =	vld.idx.msk [tilespmem:v6+s22+$0x0], $0xffff;
	v5 =	vor.u32 v7, v5  }
0x9f: {  	v5 =	vor.u32 $0x80, v5;
	_ =	sdelay $0x2  }
0xa0: {  	v7 =	vshll.u32 v54, $0x2  }
0xa1: {  	v55 =	vld [tilespmem:$0x82B0];
	v7 =	vand.u32 $0xFFFFFE00, v7;
	[tilespmem:$0x8B40] =	vst v6;
	v6 =	vand.u32 $0x7F, v54  }
0xa2: {  	v5 =	vld.idx.msk [tilespmem:v5+s22+$0x0], $0xffff;
	v6 =	vor.u32 v7, v6  }
0xa3: {  	v6 =	vor.u32 $0x80, v6;
	_ =	sdelay $0x2  }
0xa4: {  	v7 =	vshll.u32 v55, $0x2  }
0xa5: {  	v56 =	vld [tilespmem:$0x8300];
	v7 =	vand.u32 $0xFFFFFE00, v7;
	[tilespmem:$0x8B50] =	vst v5;
	v5 =	vand.u32 $0x7F, v55  }
0xa6: {  	v6 =	vld.idx.msk [tilespmem:v6+s22+$0x0], $0xffff;
	v5 =	vor.u32 v7, v5  }
0xa7: {  	v5 =	vor.u32 $0x80, v5;
	_ =	sdelay $0x2  }
0xa8: {  	v7 =	vshll.u32 v56, $0x2  }
0xa9: {  	v57 =	vld [tilespmem:$0x8310];
	v7 =	vand.u32 $0xFFFFFE00, v7;
	[tilespmem:$0x8B60] =	vst v6;
	v6 =	vand.u32 $0x7F, v56  }
0xaa: {  	v5 =	vld.idx.msk [tilespmem:v5+s22+$0x0], $0xffff;
	v6 =	vor.u32 v7, v6  }
0xab: {  	v6 =	vor.u32 $0x100, v6;
	_ =	sdelay $0x2  }
0xac: {  	v7 =	vshll.u32 v57, $0x2  }
0xad: {  	v58 =	vld [tilespmem:$0x8320];
	v7 =	vand.u32 $0xFFFFFE00, v7;
	[tilespmem:$0x8B70] =	vst v5;
	v5 =	vand.u32 $0x7F, v57  }
0xae: {  	v6 =	vld.idx.msk [tilespmem:v6+s22+$0x0], $0xffff;
	v5 =	vor.u32 v7, v5  }
0xaf: {  	v5 =	vor.u32 $0x100, v5;
	_ =	sdelay $0x2  }
0xb0: {  	v7 =	vshll.u32 v58, $0x2  }
0xb1: {  	v59 =	vld [tilespmem:$0x8330];
	v7 =	vand.u32 $0xFFFFFE00, v7;
	[tilespmem:$0x8B80] =	vst v6;
	v6 =	vand.u32 $0x7F, v58  }
0xb2: {  	v5 =	vld.idx.msk [tilespmem:v5+s22+$0x0], $0xffff;
	v6 =	vor.u32 v7, v6  }
0xb3: {  	v6 =	vor.u32 $0x100, v6;
	_ =	sdelay $0x2  }
0xb4: {  	v7 =	vshll.u32 v59, $0x2  }
0xb5: {  	v60 =	vld [tilespmem:$0x8380];
	v7 =	vand.u32 $0xFFFFFE00, v7;
	[tilespmem:$0x8B90] =	vst v5;
	v5 =	vand.u32 $0x7F, v59  }
0xb6: {  	v6 =	vld.idx.msk [tilespmem:v6+s22+$0x0], $0xffff;
	v5 =	vor.u32 v7, v5  }
0xb7: {  	v5 =	vor.u32 $0x100, v5;
	_ =	sdelay $0x2  }
0xb8: {  	v7 =	vshll.u32 v60, $0x2  }
0xb9: {  	v61 =	vld [tilespmem:$0x8390];
	v7 =	vand.u32 $0xFFFFFE00, v7;
	[tilespmem:$0x8BA0] =	vst v6;
	v6 =	vand.u32 $0x7F, v60  }
0xba: {  	v5 =	vld.idx.msk [tilespmem:v5+s22+$0x0], $0xffff;
	v6 =	vor.u32 v7, v6  }
0xbb: {  	v6 =	vor.u32 $0x180, v6;
	_ =	sdelay $0x2  }
0xbc: {  	v7 =	vshll.u32 v61, $0x2  }
0xbd: {  	v62 =	vld [tilespmem:$0x83A0];
	v7 =	vand.u32 $0xFFFFFE00, v7;
	[tilespmem:$0x8BB0] =	vst v5;
	v5 =	vand.u32 $0x7F, v61  }
0xbe: {  	v6 =	vld.idx.msk [tilespmem:v6+s22+$0x0], $0xffff;
	v5 =	vor.u32 v7, v5  }
0xbf: {  	v5 =	vor.u32 $0x180, v5;
	_ =	sdelay $0x2  }
0xc0: {  	v7 =	vshll.u32 v62, $0x2  }
0xc1: {  	v63 =	vld [tilespmem:$0x83B0];
	v7 =	vand.u32 $0xFFFFFE00, v7;
	[tilespmem:$0x8BC0] =	vst v6;
	v6 =	vand.u32 $0x7F, v62  }
0xc2: {  	v5 =	vld.idx.msk [tilespmem:v5+s22+$0x0], $0xffff;
	v6 =	vor.u32 v7, v6  }
0xc3: {  	v6 =	vor.u32 $0x180, v6;
	_ =	sdelay $0x2  }
0xc4: {  	v7 =	vshll.u32 v63, $0x2  }
0xc5: {  	v7 =	vand.u32 $0xFFFFFE00, v7;
	[tilespmem:$0x8BD0] =	vst v5;
	v5 =	vand.u32 $0x7F, v63  }
0xc6: {  	v6 =	vld.idx.msk [tilespmem:v6+s22+$0x0], $0xffff;
	v5 =	vor.u32 v7, v5  }
0xc7: {  	v5 =	vor.u32 $0x180, v5;
	_ =	sdelay $0x3  }
0xc8: {  	[tilespmem:$0x8BE0] =	vst v6  }
0xc9: {  	v5 =	vld.idx.msk [tilespmem:v5+s22+$0x0], $0xffff;
	_ =	sdelay $0x4  }
0xca: {  	s29 =	simm.s32 $0x8B00;
	s28 =	rddreg [dreg:$0x10];
	[tilespmem:$0x8BF0] =	vst v5  }
0xcb: {  	[hbm4b:s28+s9] =	stream.linear.scatter [tilespmem:s29], [sflag:$0x3], $0x100, $0x38;
	[tilespmem:$0x1CE00] =	vst v63  }
0xcc: {  	_ =	swait.ge [sflag:s13], $0x100  }
0xcd: {  	[sflag:s13] =	ssyncset.done $0x0  }
0xce: {  	s26 =	simm.s32 $0x8A80;
	[sflag:s13] =	ssyncadd.s32 $0xFFFFFF00  }
0xcf: {  	[tilespmem:s21], [sflag:$0x2] =	stream.indirect.gather [hbm4b:s0+s23], $0x80, s26, s23, $0xb8;
	[tilespmem:$0x1CE00] =	vst v63  }
0xd0: {  	_ =	swait.ge [sflag:s3], $0x4000  }
0xd1: {  	[sflag:s3] =	ssyncset.done $0x0  }
0xd2: {  	s28 =	rddreg [dreg:$0x11];
	[sflag:s3] =	ssyncadd.s32 $0xFFFFC000  }
0xd3: {  	[hbm4b:s28+s9] =	stream.linear.scatter [tilespmem:s19], [sflag:$0x1], $0x4000, $0x38;
	[tilespmem:$0x1CE00] =	vst v63  }
0xd4: {  	_ =	swait.ge [sflag:s20], $0x4000  }
0xd5: {  	[sflag:s20] =	ssyncset.done $0x0  }
0xd6: {  	s29 =	rddreg [dreg:$0x12];
	[sflag:s20] =	ssyncadd.s32 $0xFFFFC000  }
0xd7: {  	[hbm4b:s29+s9] =	stream.linear.scatter [tilespmem:s21], [sflag:$0x2], $0x4000, $0x38;
	[tilespmem:$0x1CE00] =	vst v63  }
0xd8: {  	_ =	swait.ge [sflag:s3], $0x4000  }
0xd9: {  	[sflag:s3] =	ssyncset.done $0x0  }
0xda: {  	[sflag:s3] =	ssyncadd.s32 $0xFFFFC000  }
0xdb: {  	_ =	swait.ge [sflag:s20], $0x4000  }
0xdc: {  	[sflag:s20] =	ssyncset.done $0x0  }
0xdd: {  	[sflag:s20] =	ssyncadd.s32 $0xFFFFC000  }
.LBB2_5:
.Ltmp5:
0xde: {  	(pc) =	sbr.rel @!p0 .LBB2_6-.Ltmp5, $1  }
0xdf: {  	_ =	sdelay $0x3  }
.Ltmp6:
0xe0: {  	(pc) =	sbr.rel @p4 .LBB2_11-.Ltmp6, $1  }
0xe1: {  	_ =	sdelay $0x3  }
0xe2: {  	s2 =	simm.s32 @p3 $0x0;
	s26 =	simm.s32 @p3 $0x8100  }
0xe3: {  	[tilespmem:s26], [sflag:$0x3] =	stream.linear.gather @p3 [hbm4b:s6+s2], $0x80, $0x38;
	[tilespmem:$0x1CE00] =	vst v63  }
0xe4: {  	s26 =	simm.s32 @p3 $0x3  }
0xe5: {  	_ =	swait.ge @p3 [sflag:s26], $0x80  }
0xe6: {  	[sflag:s26] =	ssyncset.done @p3 $0x0  }
0xe7: {  	[sflag:s26] =	ssyncadd.s32 @p3 $0xFFFFFF80  }
0xe8: {  	v5 =	vld @p3 [tilespmem:$0x8100];
	_ =	sdelay $0x6  }
0xe9: {  	s28 =	simm.s32 @p3 $0x12C00;
	s29 =	simm.s32 @p3 $0x1  }
0xea: {  	[tilespmem:s28], [sflag:$0x1] =	stream.indirect_vreg.gather @p3 [hbm4b:s0+s2], $0x80, v5, vm1, $0xb8;
	[tilespmem:$0x1CE00] =	vst v63  }
0xeb: {  	_ =	swait.ge @p3 [sflag:s29], $0x800  }
0xec: {  	[sflag:s29] =	ssyncset.done @p3 $0x0  }
0xed: {  	[sflag:s29] =	ssyncadd.s32 @p3 $0xFFFFF800  }
0xee: {  	[hbm4b:s11+s2] =	stream.linear.scatter @p3 [tilespmem:s28], [sflag:$0x3], $0x800, $0x38;
	[tilespmem:$0x1CE00] =	vst v63  }
0xef: {  	_ =	swait.ge @p3 [sflag:s26], $0x800  }
0xf0: {  	[sflag:s26] =	ssyncset.done @p3 $0x0  }
0xf1: {  	s2 =	simm.s32 @!p6 $0x0;
	[sflag:s26] =	ssyncadd.s32 @p3 $0xFFFFF800;
	s26 =	simm.s32 @!p6 $0x8000  }
0xf2: {  	[tilespmem:s26], [sflag:$0x3] =	stream.linear.gather @!p6 [hbm4b:s4+s2], $0x80, $0x38;
	[tilespmem:$0x1CE00] =	vst v63  }
0xf3: {  	s26 =	simm.s32 @!p6 $0x3  }
0xf4: {  	_ =	swait.ge @!p6 [sflag:s26], $0x80  }
0xf5: {  	[sflag:s26] =	ssyncset.done @!p6 $0x0  }
0xf6: {  	s28 =	simm.s32 @!p6 $0x8100;
	[sflag:s26] =	ssyncadd.s32 @!p6 $0xFFFFFF80  }
0xf7: {  	[tilespmem:s28], [sflag:$0x3] =	stream.linear.gather @!p6 [hbm4b:s6+s2], $0x80, $0x38;
	[tilespmem:$0x1CE00] =	vst v63  }
0xf8: {  	_ =	swait.ge @!p6 [sflag:s26], $0x80  }
0xf9: {  	[sflag:s26] =	ssyncset.done @!p6 $0x0  }
0xfa: {  	[sflag:s26] =	ssyncadd.s32 @!p6 $0xFFFFFF80  }
0xfb: {  	s28 =	simm.s32 @!p6 $0x1AC00;
	s29 =	rddreg [dreg:$0x3]  }
0xfc: {  	v5 =	vld @!p6 [tilespmem:$0x8100];
	[tilespmem:s28], [sflag:$0x3] =	stream.linear.gather @!p6 [hbm4b:s29+s2], $0x2000, $0x38;
	[tilespmem:$0x1CE00] =	vst v63  }
0xfd: {  	_ =	swait.ge @!p6 [sflag:s26], $0x2000  }
0xfe: {  	[sflag:s26] =	ssyncset.done @!p6 $0x0  }
0xff: {  	[sflag:s26] =	ssyncadd.s32 @!p6 $0xFFFFE000  }
0x100: {  	v6 =	vld @!p6 [tilespmem:$0x8000];
	_ =	sdelay $0x5  }
0x101: {  	v7 =	vld @!p6 [tilespmem:$0x8010];
	_ =	sdelay $0x1  }
0x102: {  	v6 =	vld.idx.msk @!p6 [tilespmem:v6+s28+$0x0], $0xffff;
	_ =	sdelay $0x3  }
0x103: {  	v8 =	vld @!p6 [tilespmem:$0x8020]  }
0x104: {  	[tilespmem:$0x1CD00] =	vst @!p6 v6  }
0x105: {  	v6 =	vld.idx.msk @!p6 [tilespmem:v7+s28+$0x0], $0xffff;
	_ =	sdelay $0x3  }
0x106: {  	v7 =	vld @!p6 [tilespmem:$0x8030]  }
0x107: {  	[tilespmem:$0x1CD10] =	vst @!p6 v6  }
0x108: {  	v6 =	vld.idx.msk @!p6 [tilespmem:v8+s28+$0x0], $0xffff;
	_ =	sdelay $0x4  }
0x109: {  	[tilespmem:$0x1CD20] =	vst @!p6 v6  }
0x10a: {  	v6 =	vld.idx.msk @!p6 [tilespmem:v7+s28+$0x0], $0xffff;
	_ =	sdelay $0x4  }
0x10b: {  	s29 =	simm.s32 @!p6 $0x1CD00;
	[tilespmem:$0x1CD30] =	vst @!p6 v6  }
0x10c: {  	[hbm4b:s16+s2] =	stream.linear.scatter @!p6 [tilespmem:s29], [sflag:$0x3], $0x80, $0x38;
	[tilespmem:$0x1CE00] =	vst v63  }
0x10d: {  	_ =	swait.ge @!p6 [sflag:s26], $0x80  }
0x10e: {  	[sflag:s26] =	ssyncset.done @!p6 $0x0  }
0x10f: {  	[sflag:s26] =	ssyncadd.s32 @!p6 $0xFFFFFF80  }
0x110: {  	v5 =	vld.idx.msk @!p6 [tilespmem:v5+s28+$0x0], $0xffff;
	_ =	sdelay $0x4  }
.Ltmp7:
0x111: {  	s28 =	simm.s32 @!p6 $0x1CD80;
	[tilespmem:$0x1CD80] =	vst @!p6 v5;
	(pc) =	sbr.rel .LBB2_12-.Ltmp7, $4  }
0x112: {  	[hbm4b:s17+s2] =	stream.linear.scatter @!p6 [tilespmem:s28], [sflag:$0x3], $0x80, $0x38;
	[tilespmem:$0x1CE00] =	vst v63  }
0x113: {  	_ =	swait.ge @!p6 [sflag:s26], $0x80  }
0x114: {  	[sflag:s26] =	ssyncset.done @!p6 $0x0  }
0x115: {  	[sflag:s26] =	ssyncadd.s32 @!p6 $0xFFFFFF80  }
.LBB2_6:
0x116: {  	s2 =	sld [smem:$0x7FC];
	_ =	sdelay $0x2  }
0x117: {  	p1 =	seq.s32 s2, $0x1  }
.Ltmp8:
0x118: {  	_ = 	snop;
	(pc) =	sbr.rel @p1 .LBB2_10-.Ltmp8, $1  }
0x119: {  	_ =	sdelay $0x3  }
0x11a: {  	s26 =	simm.s32 @p2 $0x0;
	s28 =	simm.s32 @p2 $0x8000;
	s29 =	simm.s32 @p2 $0x3  }
0x11b: {  	[tilespmem:s28], [sflag:$0x3] =	stream.linear.gather @p2 [hbm4b:s4+s26], $0x80, $0x38;
	[tilespmem:$0x1CE00] =	vst v63  }
0x11c: {  	_ =	swait.ge @p2 [sflag:s29], $0x80  }
0x11d: {  	[sflag:s29] =	ssyncset.done @p2 $0x0  }
0x11e: {  	s31 =	simm.s32 @p2 $0x40;
	s2 =	simm.s32 @p2 $0x12C00;
	[sflag:s29] =	ssyncadd.s32 @p2 $0xFFFFFF80  }
0x11f: {  	[tilespmem:s2], [sflag:$0x1] =	stream.indirect.gather @p2 [hbm4b:s0+s31], $0x80, s28, s31, $0xb8;
	[tilespmem:$0x1CE00] =	vst v63  }
0x120: {  	s28 =	simm.s32 @p2 $0x1  }
0x121: {  	_ =	swait.ge @p2 [sflag:s28], $0x2000  }
0x122: {  	[sflag:s28] =	ssyncset.done @p2 $0x0  }
.Ltmp9:
0x123: {  	[sflag:s28] =	ssyncadd.s32 @p2 $0xFFFFE000;
	s28 =	rddreg [dreg:$0xa];
	(pc) =	sbr.rel .LBB2_12-.Ltmp9, $4  }
0x124: {  	[hbm4b:s28+s26] =	stream.linear.scatter @p2 [tilespmem:s2], [sflag:$0x3], $0x2000, $0x38;
	[tilespmem:$0x1CE00] =	vst v63  }
0x125: {  	_ =	swait.ge @p2 [sflag:s29], $0x2000  }
0x126: {  	[sflag:s29] =	ssyncset.done @p2 $0x0  }
0x127: {  	s31 =	simm.s32 $0x1FC3;
	[sflag:s29] =	ssyncadd.s32 @p2 $0xFFFFE000  }
.LBB2_10:
0x128: {  	s2 =	simm.s32 $0x8100  }
0x129: {  	[tilespmem:s2], [sflag:$0x3] =	stream.linear.gather [hbm4b:s6+s9], $0x80, $0x38;
	[tilespmem:$0x1CE00] =	vst v63  }
0x12a: {  	_ =	swait.ge [sflag:s13], $0x80  }
0x12b: {  	[sflag:s13] =	ssyncset.done $0x0  }
0x12c: {  	[sflag:s13] =	ssyncadd.s32 $0xFFFFFF80  }
0x12d: {  	v5 =	vld.msk [tilespmem:$0x8100], $0x1;
	_ =	sdelay $0x4  }
0x12e: {  	v6 =	vshll.u32 v5, $0x6  }
0x12f: {  	v5 =	vand.u32 $0x7, v5;
	v6 =	vand.u32 $0xFFFFFE00, v6  }
0x130: {  	v5 =	vor.u32 v5, v6  }
0x131: {  	v5 =	vperm.xlane v5, v1;
	_ =	sdelay $0x1  }
0x132: {  	v5 =	vadd.s32 v2, v5;
	_ =	sdelay $0x4  }
0x133: {  	v6 =	vld [tilespmem:$0x8100];
	[tilespmem:s18], [sflag:$0x2] =	stream.indirect_vreg.gather [hbm4b:s1+s9], $0x80, v5, vm0, $0xb8  }
0x134: {  	s28 =	simm.s32 $0x11400  }
0x135: {  	[tilespmem:s28], [sflag:$0x2] =	stream.indirect_vreg.gather [hbm4b:s25+s9], $0x80, v5, vm0, $0xb8;
	[tilespmem:$0x1CE00] =	vst v63  }
0x136: {  	s29 =	simm.s32 $0x11C00  }
0x137: {  	[tilespmem:s29], [sflag:$0x2] =	stream.indirect_vreg.gather [hbm4b:s30+s9], $0x80, v5, vm0, $0xb8;
	[tilespmem:$0x1CE00] =	vst v63  }
0x138: {  	s26 =	simm.s32 $0x12400  }
0x139: {  	[tilespmem:s26], [sflag:$0x2] =	stream.indirect_vreg.gather [hbm4b:s5+s9], $0x80, v5, vm0, $0xb8;
	[tilespmem:$0x1CE00] =	vst v63  }
0x13a: {  	s28 =	simm.s32 $0x8200  }
0x13b: {  	[tilespmem:s28], [sflag:$0x1] =	stream.indirect_vreg.gather [spmem:s8], $0x40, v6, vm0, $0xb8;
	[tilespmem:$0x1CE00] =	vst v63  }
0x13c: {  	_ =	swait.ge [sflag:s3], $0x400  }
0x13d: {  	[sflag:s3] =	ssyncset.done $0x0  }
0x13e: {  	[sflag:s3] =	ssyncadd.s32 $0xFFFFFC00  }
0x13f: {  	v5 =	vld [tilespmem:$0x8200]  }
0x140: {  	v6 =	vld [tilespmem:$0x8210]  }
0x141: {  	v7 =	vld [tilespmem:$0x8220]  }
0x142: {  	v8 =	vld [tilespmem:$0x8230];
	_ =	sdelay $0x1  }
0x143: {  	[tilespmem:$0x1CC00] =	vst v5  }
0x144: {  	[tilespmem:$0x1CC10] =	vst v6  }
0x145: {  	[tilespmem:$0x1CC20] =	vst v7  }
0x146: {  	s29 =	simm.s32 $0x40;
	s26 =	simm.s32 $0x1CC00;
	[tilespmem:$0x1CC30] =	vst v8  }
0x147: {  	[tilespmem:s19], [sflag:$0x1] =	stream.indirect.gather [hbm4b:s0+s29], $0x80, s26, s29, $0xb8;
	[tilespmem:$0x1CE00] =	vst v63  }
0x148: {  	_ =	swait.ge [sflag:s20], $0x2000  }
0x149: {  	[sflag:s20] =	ssyncset.done $0x0  }
0x14a: {  	[sflag:s20] =	ssyncadd.s32 $0xFFFFE000  }
0x14b: {  	v5 =	vld [tilespmem:$0x1CC00];
	_ =	sdelay $0x5  }
0x14c: {  	v6 =	vld [tilespmem:$0x1CC10];
	_ =	sdelay $0x1  }
0x14d: {  	v5 =	vld.idx.msk [tilespmem:v5+s18+$0x0], $0xffff;
	_ =	sdelay $0x3  }
0x14e: {  	v7 =	vld [tilespmem:$0x1CC20]  }
0x14f: {  	[tilespmem:$0x1CC80] =	vst v5  }
0x150: {  	v5 =	vld.idx.msk [tilespmem:v6+s18+$0x0], $0xffff;
	_ =	sdelay $0x3  }
0x151: {  	v6 =	vld [tilespmem:$0x1CC30]  }
0x152: {  	[tilespmem:$0x1CC90] =	vst v5  }
0x153: {  	v5 =	vld.idx.msk [tilespmem:v7+s18+$0x0], $0xffff;
	_ =	sdelay $0x4  }
0x154: {  	[tilespmem:$0x1CCA0] =	vst v5  }
0x155: {  	v5 =	vld.idx.msk [tilespmem:v6+s18+$0x0], $0xffff;
	_ =	sdelay $0x4  }
0x156: {  	s28 =	simm.s32 $0x1CC80;
	s26 =	rddreg [dreg:$0xc];
	[tilespmem:$0x1CCB0] =	vst v5  }
0x157: {  	[hbm4b:s26+s9] =	stream.linear.scatter [tilespmem:s28], [sflag:$0x3], $0x80, $0x38;
	[tilespmem:$0x1CE00] =	vst v63  }
0x158: {  	_ =	swait.ge [sflag:s13], $0x80  }
0x159: {  	[sflag:s13] =	ssyncset.done $0x0  }
0x15a: {  	[sflag:s13] =	ssyncadd.s32 $0xFFFFFF80  }
0x15b: {  	_ =	swait.ge [sflag:s3], $0x2000  }
0x15c: {  	[sflag:s3] =	ssyncset.done $0x0  }
.Ltmp10:
0x15d: {  	s29 =	rddreg [dreg:$0x9];
	[sflag:s3] =	ssyncadd.s32 $0xFFFFE000;
	(pc) =	sbr.rel .LBB2_12-.Ltmp10, $4  }
0x15e: {  	[hbm4b:s29+s9] =	stream.linear.scatter [tilespmem:s19], [sflag:$0x3], $0x2000, $0x38;
	[tilespmem:$0x1CE00] =	vst v63  }
0x15f: {  	_ =	swait.ge [sflag:s13], $0x2000  }
0x160: {  	[sflag:s13] =	ssyncset.done $0x0  }
0x161: {  	[sflag:s13] =	ssyncadd.s32 $0xFFFFE000  }
.LBB2_13:
0x162: {  	_ =	sfence.sel $0x180000  }
0x163: {  	[bflag:$0x0] =	sbarrier.arrive $0xFFFF  }
0x164: {  	_ =	strace $0x90000047  }
0x165: {  	s0 =	stileid.u32;
	[bflag:$0x2] =	sbarrier.arrive $0xFFFF  }
0x166: {  	p0 =	sne.s32 s0, $0x0;
	s0 =	rddreg [dreg:$0x8]  }
0x167: {  	s0 =	sadd.s32 @!p0 $0x100000, s0  }
0x168: {  	[sflag:s0] =	ssyncadd.tile.s32 @!p0 $0x1;
	_ =	shalt  }
.Lfunc_end2:
_tile_overlayer_lowered:
.L_overlay_start_2:
0x169: {  	(tag) =	ssettag $0x2  }
0x16a: {  	s0 =	rddreg [dreg:$0x0];
	s2 =	stileid.u32  }
0x16b: {  	s1 =	rddreg [dreg:$0x1];
	p0 =	sne.s32 s2, $0x0  }
0x16c: {  	s3 =	rddreg [dreg:$0x2];
	[bflag:$0x3] =	sbarrier.arrive $0xFFFF;
	s2 =	simm.s32 @!p0 $0x1C03  }
0x16d: {  	[timem:s3], [sflag:s2] =	dma.local @!p0 [hbm:s0], s1  }
0x16e: {  	s0 =	simm.s32 @!p0 $0x3  }
0x16f: {  	_ =	swait.ge @!p0 [sflag:s0], s1  }
0x170: {  	s1 =	ssub.s32 @!p0 $0x0, s1;
	[sflag:s0] =	ssyncset.done @!p0 $0x0  }
0x171: {  	[sflag:s0] =	ssyncadd.s32 @!p0 s1  }
0x172: {  	[bflag:$0x3] =	sbarrier.arrive $0xFFFF  }
0x173: {  	_ =	shalt  }

</sc_bundles>
